<compile_context>
chip_gen: v7x
topology: tpu7x:2x2x1
jax: 0.10.2.dev20260603
libtpu: 0.0.44.dev20260713+nightly
codegen_flags: <defaults>
</compile_context>

<pallas_src>
import functools

import jax
import jax.numpy as jnp
import numpy as np
from jax import lax
from jax.experimental import pallas as pl
from jax.experimental.pallas import tpu as pltpu
from jax.experimental.pallas import tpu_sc as plsc

N = 10000
E = 320000
D = 128
H = 256

NC = 2
NS = 16
NW = NC * NS
CHUNK = 320
CPT = 32
NCHUNKS = NW * CPT
EPAD = NCHUNKS * CHUNK
NBUF = 1
NACC = 10240
RPT = NACC // NS

BN = 1000
NB = N // BN
_BN_SCALE = np.float32(1.0 / np.sqrt(1.0 + 1e-5))

_mesh = plsc.VectorSubcoreMesh(
    core_axis_name="c", subcore_axis_name="s", num_cores=NC, num_subcores=NS)



def _zero_rows_v(rows_v, nrow, ncol):
    def body(i, _):
        for j in range(ncol // 16):
            rows_v[i, pl.ds(j * 16, 16)] = jnp.zeros((16,), jnp.float32)
        return _
    lax.fori_loop(0, nrow, body, None, unroll=False)


def _sc_deg_body(dst_hbm, out_hbm, acc, idx_v, ones_v, zero_v):
    c = lax.axis_index("c")
    s = lax.axis_index("s")
    w = c * NS + s
    one0 = jnp.where(lax.iota(jnp.int32, 16) == 0,
                     jnp.float32(1.0), jnp.float32(0.0))

    def initrow(i, _):
        ones_v[i, pl.ds(0, 16)] = one0
        zero_v[i, pl.ds(0, 16)] = jnp.zeros((16,), jnp.float32)
        return _
    lax.fori_loop(0, CHUNK, initrow, None, unroll=False)

    zb = s * RPT
    for t in range(RPT // CHUNK):
        pltpu.sync_copy(zero_v, acc.at[pl.ds(zb + t * CHUNK, CHUNK)])
    if RPT % CHUNK:
        pltpu.sync_copy(
            zero_v.at[pl.ds(0, RPT % CHUNK)],
            acc.at[pl.ds(zb + (RPT // CHUNK) * CHUNK, RPT % CHUNK)])
    plsc.subcore_barrier()

    def chunk(k, _):
        cid = w * CPT + k
        pltpu.sync_copy(dst_hbm.at[cid], idx_v)
        pltpu.sync_copy(ones_v, acc.at[idx_v.at[0]], add=True)
        return _
    lax.fori_loop(0, CPT, chunk, None, unroll=False)
    plsc.subcore_barrier()
    pltpu.sync_copy(acc.at[pl.ds(s * RPT, RPT)],
                    out_hbm.at[c, pl.ds(s * RPT, RPT)])


@functools.partial(
    pl.kernel,
    out_type=jax.ShapeDtypeStruct((NC, NACC, 16), jnp.float32),
    mesh=_mesh,
    scratch_types=[
        pltpu.VMEM_SHARED((NACC, 16), jnp.float32),
        pltpu.VMEM((1, CHUNK), jnp.int32),
        pltpu.VMEM((CHUNK, 16), jnp.float32),
        pltpu.VMEM((CHUNK, 16), jnp.float32),
    ],
)
def _sc_deg(dst_hbm, out_hbm, acc, idx_v, ones_v, zero_v):
    _sc_deg_body(dst_hbm, out_hbm, acc, idx_v, ones_v, zero_v)


CPT0 = 80
CPT1 = 80


def _sc_agg_body(hs_hbm, src_hbm, dst_hbm, out_hbm, acc,
                 src_v, dst_v, rows_v, sem):
    c = lax.axis_index("c")
    s = lax.axis_index("s")
    w = c * NS + s
    _zero_rows_v(rows_v, CHUNK, D)
    zb = s * RPT
    for t in range(RPT // CHUNK):
        pltpu.sync_copy(rows_v, acc.at[pl.ds(zb + t * CHUNK, CHUNK)])
    if RPT % CHUNK:
        pltpu.sync_copy(
            rows_v.at[pl.ds(0, RPT % CHUNK)],
            acc.at[pl.ds(zb + (RPT // CHUNK) * CHUNK, RPT % CHUNK)])
    plsc.subcore_barrier()

    def chunk(k, _):
        cid = w * CPT + k
        pltpu.sync_copy(src_hbm.at[cid], src_v)
        pltpu.sync_copy(dst_hbm.at[cid], dst_v)
        pltpu.async_copy(hs_hbm.at[src_v.at[0]], rows_v, sem).wait()
        pltpu.sync_copy(rows_v, acc.at[dst_v.at[0]], add=True)
        return _
    lax.fori_loop(0, CPT, chunk, None, unroll=False)
    plsc.subcore_barrier()
    pltpu.sync_copy(acc.at[pl.ds(s * RPT, RPT)],
                    out_hbm.at[c, pl.ds(s * RPT, RPT)])


@functools.partial(
    pl.kernel,
    out_type=jax.ShapeDtypeStruct((NC, NACC, D), jnp.float32),
    mesh=_mesh,
    scratch_types=[
        pltpu.VMEM_SHARED((NACC, D), jnp.float32),
        pltpu.VMEM((1, CHUNK), jnp.int32),
        pltpu.VMEM((1, CHUNK), jnp.int32),
        pltpu.VMEM((CHUNK, D), jnp.float32),
        pltpu.SemaphoreType.DMA,
    ],
)
def _sc_agg(hs_hbm, src_hbm, dst_hbm, out_hbm, acc, src_v, dst_v, rows_v,
            sem):
    _sc_agg_body(hs_hbm, src_hbm, dst_hbm, out_hbm, acc,
                 src_v, dst_v, rows_v, sem)



def _dinv(p0, p1):
    deg = 1.0 + p0[0][:, 0:1] + p1[0][:, 0:1]
    return lax.rsqrt(deg)


def _tc_prep_body(x_ref, p0_ref, p1_ref, hs1_ref):
    hs1_ref[...] = x_ref[...] * _dinv(p0_ref[...], p1_ref[...])


def _tc_l1_body(a0, a1, hs1, p0, p1, w1, b1, g1, c1, oa, ob):
    dinv = _dinv(p0[...], p1[...])
    comb = (a0[0] + a1[0] + hs1[...]) * dinv
    z = jnp.dot(comb, w1[...], preferred_element_type=jnp.float32) + b1[...]
    h = jax.nn.relu(z * (g1[...] * _BN_SCALE) + c1[...])
    hs2 = h * dinv
    oa[...] = hs2[:, :D]
    ob[...] = hs2[:, D:]


def _tc_l2_body(aa0, aa1, ab0, ab1, hsa, hsb, p0, p1, w2, b2, g2, c2, w3, o):
    dinv = _dinv(p0[...], p1[...])
    comb = jnp.concatenate(
        [aa0[0] + aa1[0] + hsa[...], ab0[0] + ab1[0] + hsb[...]],
        axis=1) * dinv
    z = jnp.dot(comb, w2[...], preferred_element_type=jnp.float32) + b2[...]
    h = jax.nn.relu(z * (g2[...] * _BN_SCALE) + c2[...])
    m3 = jnp.dot(h, w3[...], preferred_element_type=jnp.float32)
    o[...] = m3 * dinv


def _tc_fin_body(a0, a1, hs3, p0, p1, b3, o):
    dinv = _dinv(p0[...], p1[...])
    o[...] = (a0[0] + a1[0] + hs3[...]) * dinv + b3[...]


def _part0(i):
    return (0, i, 0)


def _part1(i):
    return (1, i, 0)


def _rows(i):
    return (i, 0)


def _fixed(i):
    return (0, 0)


def _fixed1(i):
    return (0,)


_spec_row = pl.BlockSpec((BN, D), _rows)
_spec_a0 = pl.BlockSpec((1, BN, D), _part0)
_spec_a1 = pl.BlockSpec((1, BN, D), _part1)
_spec_p0 = pl.BlockSpec((1, BN, 16), _part0)
_spec_p1 = pl.BlockSpec((1, BN, 16), _part1)


def _tc_prep(x, degp):
    return pl.pallas_call(
        _tc_prep_body,
        grid=(NB,),
        in_specs=[_spec_row, _spec_p0, _spec_p1],
        out_specs=_spec_row,
        out_shape=jax.ShapeDtypeStruct((N, D), jnp.float32),
    )(x, degp, degp)


def _tc_l1(agg1, hs1, degp, W1, b1, g1, c1):
    return pl.pallas_call(
        _tc_l1_body,
        grid=(NB,),
        in_specs=[
            _spec_a0, _spec_a1, _spec_row, _spec_p0, _spec_p1,
            pl.BlockSpec((D, H), _fixed),
            pl.BlockSpec((H,), _fixed1),
            pl.BlockSpec((H,), _fixed1),
            pl.BlockSpec((H,), _fixed1),
        ],
        out_specs=[_spec_row, _spec_row],
        out_shape=[jax.ShapeDtypeStruct((N, D), jnp.float32),
                   jax.ShapeDtypeStruct((N, D), jnp.float32)],
    )(agg1, agg1, hs1, degp, degp, W1, b1, g1, c1)


def _tc_l2(agg2a, agg2b, hsa, hsb, degp, W2, b2, g2, c2, W3):
    return pl.pallas_call(
        _tc_l2_body,
        grid=(NB,),
        in_specs=[
            _spec_a0, _spec_a1, _spec_a0, _spec_a1,
            _spec_row, _spec_row, _spec_p0, _spec_p1,
            pl.BlockSpec((H, H), _fixed),
            pl.BlockSpec((H,), _fixed1),
            pl.BlockSpec((H,), _fixed1),
            pl.BlockSpec((H,), _fixed1),
            pl.BlockSpec((H, D), _fixed),
        ],
        out_specs=_spec_row,
        out_shape=jax.ShapeDtypeStruct((N, D), jnp.float32),
    )(agg2a, agg2a, agg2b, agg2b, hsa, hsb, degp, degp, W2, b2, g2, c2, W3)


def _tc_fin(agg3, hs3, degp, b3):
    return pl.pallas_call(
        _tc_fin_body,
        grid=(NB,),
        in_specs=[
            _spec_a0, _spec_a1, _spec_row, _spec_p0, _spec_p1,
            pl.BlockSpec((D,), _fixed1),
        ],
        out_specs=_spec_row,
        out_shape=jax.ShapeDtypeStruct((N, D), jnp.float32),
    )(agg3, agg3, hs3, degp, degp, b3)



def kernel(x, edge_index, W1, b1, bn1_w, bn1_b, W2, b2, bn2_w, bn2_b, W3, b3):
    src = edge_index[0].astype(jnp.int32)
    dst = edge_index[1].astype(jnp.int32)
    pad = EPAD - E
    pad_src = jnp.arange(pad, dtype=jnp.int32) % N
    pad_dst = N + (jnp.arange(pad, dtype=jnp.int32) % (NACC - N))
    src_p = jnp.concatenate([src, pad_src]).reshape(NW, CPT, CHUNK)
    dst_p = jnp.concatenate([dst, pad_dst]).reshape(NW, CPT, CHUNK)
    src_p3 = src_p.reshape(NCHUNKS, 1, CHUNK)
    dst_p3 = dst_p.reshape(NCHUNKS, 1, CHUNK)

    degp = _sc_deg(dst_p3)
    hs1 = _tc_prep(x, degp)
    agg1 = _sc_agg(hs1, src_p3, dst_p3)
    hs2a, hs2b = _tc_l1(agg1, hs1, degp, W1, b1, bn1_w, bn1_b)
    agg2a = _sc_agg(hs2a, src_p3, dst_p3)
    agg2b = _sc_agg(hs2b, src_p3, dst_p3)
    hs3 = _tc_l2(agg2a, agg2b, hs2a, hs2b, degp, W2, b2, bn2_w, bn2_b, W3)
    agg3 = _sc_agg(hs3, src_p3, dst_p3)
    return _tc_fin(agg3, hs3, degp, b3)

# --- scband reference (transcript-rebuilt; emitter-appended) ---
"""Pipeline reference for scband-gnnmodel-16879221473995 (READ-ONLY COPY).

The authoritative reference and input builder live on the scoring server;
editing this copy changes nothing except your own understanding.
"""

import jax, jax.numpy as jnp
import numpy as np

N = 10000
E = 320000
D_IN = 128
D_H = 256
D_OUT = 128
BN_EPS = 1e-5


def _glorot(key, shape):
    fan_in, fan_out = shape
    lim = (6.0 / (fan_in + fan_out)) ** 0.5
    return jax.random.uniform(key, shape, jnp.float32, -lim, lim)


def setup_inputs(seed: int = 0) -> dict:
    key = jax.random.key(seed)
    ks = [jax.random.fold_in(key, i) for i in range(12)]
    x = jax.random.normal(ks[0], (N, D_IN), jnp.float32)
    edge_index = jax.random.randint(ks[1], (2, E), 0, N)
    W1 = _glorot(ks[2], (D_IN, D_H))
    b1 = jnp.zeros((D_H,), jnp.float32)
    bn1_w = jnp.ones((D_H,), jnp.float32)
    bn1_b = jnp.zeros((D_H,), jnp.float32)
    W2 = _glorot(ks[3], (D_H, D_H))
    b2 = jnp.zeros((D_H,), jnp.float32)
    bn2_w = jnp.ones((D_H,), jnp.float32)
    bn2_b = jnp.zeros((D_H,), jnp.float32)
    W3 = _glorot(ks[4], (D_H, D_OUT))
    b3 = jnp.zeros((D_OUT,), jnp.float32)
    return {"x": x, "edge_index": edge_index, "W1": W1, "b1": b1,
            "bn1_w": bn1_w, "bn1_b": bn1_b, "W2": W2, "b2": b2,
            "bn2_w": bn2_w, "bn2_b": bn2_b, "W3": W3, "b3": b3}


def _gcn_conv(x, W, b, src, dst, n):
    # PyG GCNConv (normalize=True, add_self_loops=True, eval mode):
    # h = x @ W; symmetric norm with self-loops; scatter-add by dst; + bias
    h = x @ W
    deg = jnp.zeros((n,), jnp.float32).at[dst].add(1.0)
    dinv = jnp.where(deg > 0, deg ** -0.5, 0.0)
    norm = dinv[src] * dinv[dst]
    msg = h[src] * norm[:, None]
    out = jnp.zeros((n, h.shape[1]), jnp.float32).at[dst].add(msg)
    return out + b


def _bn_eval(x, g, b):
    # running_mean=0, running_var=1 at init; eval-mode BatchNorm1d
    return (x / jnp.sqrt(1.0 + BN_EPS)) * g + b


def reference(x, edge_index, W1, b1, bn1_w, bn1_b, W2, b2, bn2_w, bn2_b, W3, b3):
    n = x.shape[0]
    loops = jnp.arange(n, dtype=edge_index.dtype)
    src = jnp.concatenate([edge_index[0], loops])
    dst = jnp.concatenate([edge_index[1], loops])
    h = _gcn_conv(x, W1, b1, src, dst, n)
    h = _bn_eval(h, bn1_w, bn1_b)
    h = jax.nn.relu(h)
    # Dropout is identity in eval mode
    h = _gcn_conv(h, W2, b2, src, dst, n)
    h = _bn_eval(h, bn2_w, bn2_b)
    h = jax.nn.relu(h)
    h = _gcn_conv(h, W3, b3, src, dst, n)
    return h

if __name__ == "__main__":
    import jax
    _d = setup_inputs()
    print(jax.jit(kernel)(*tuple(_d.values())))

</pallas_src>

<mosaic_0001>
#map = affine_map<(d0, d1) -> (0, 0)>
#map1 = affine_map<(d0, d1) -> (0, 0, 0)>
module attributes {stable_mosaic.version = 14 : i64} {
  func.func @_sc_agg(%arg0: i32, %arg1: i32, %arg2: memref<10000x128xf32, #tpu.memory_space<hbm>>, %arg3: memref<1024x1x320xi32, #tpu.memory_space<hbm>>, %arg4: memref<1024x1x320xi32, #tpu.memory_space<hbm>>, %arg5: memref<2x10240x128xf32, #tpu.memory_space<hbm>>, %arg6: memref<10240x128xf32, #tpu.memory_space<vmem_shared>>, %arg7: memref<1x320xi32, #tpu.memory_space<vmem>>, %arg8: memref<1x320xi32, #tpu.memory_space<vmem>>, %arg9: memref<320x128xf32, #tpu.memory_space<vmem>>, %arg10: memref<!tpu.dma_semaphore, #tpu.memory_space<semaphore_mem>>) attributes {dimension_semantics = [#tpu.dimension_semantics<core_parallel>, #tpu.dimension_semantics<subcore_parallel>], iteration_bounds = array<i64: 2, 16>, scalar_prefetch = 0 : i64, scratch_operands = 5 : i64, tpu.core_type = #tpu.core_type<sc_vector_subcore>, window_params = [{transform_indices = #map}, {transform_indices = #map1}, {transform_indices = #map1}, {transform_indices = #map1}]} {
    %mul3A = arith.constant 16 : i32
    %mul3A_0 = arith.muli %arg0, %mul3A : i32
    %add3A = arith.addi %mul3A_0, %arg1 : i32
    %scan3A = arith.constant 0 : i32
    %scan3A_1 = arith.constant 320 : i32
    %scan3A_2 = arith.addi %scan3A, %scan3A_1 : i32
    %scan3A_3 = arith.constant 1 : i32
    scf.for %scan3A_21 = %scan3A to %scan3A_2 step %scan3A_3  : i32 {
      %broadcast_in_dim3A = arith.constant 0.000000e+00 : f32
      %broadcast_in_dim3A_22 = vector.broadcast %broadcast_in_dim3A : f32 to vector<16xf32>
      %swap3A = arith.index_cast %scan3A_21 : i32 to index
      %swap3A_23 = arith.constant 0 : index
      %swap3A_24 = tpu.vector_load %arg9[%swap3A, %swap3A_23] {strides = array<i32>} : memref<320x128xf32, #tpu.memory_space<vmem>>, vector<1x16xf32>,
      %swap3A_25 = vector.shape_cast %swap3A_24 : vector<1x16xf32> to vector<16xf32>
      %swap3A_26 = vector.shape_cast %broadcast_in_dim3A_22 : vector<16xf32> to vector<1x16xf32>
      tpu.vector_store %arg9[%swap3A, %swap3A_23], %swap3A_26 {strides = array<i32>} : memref<320x128xf32, #tpu.memory_space<vmem>>, vector<1x16xf32>,
      %broadcast_in_dim3A_27 = arith.constant 0.000000e+00 : f32
      %broadcast_in_dim3A_28 = vector.broadcast %broadcast_in_dim3A_27 : f32 to vector<16xf32>
      %swap3A_29 = arith.index_cast %scan3A_21 : i32 to index
      %swap3A_30 = arith.constant 16 : index
      %swap3A_31 = tpu.vector_load %arg9[%swap3A_29, %swap3A_30] {strides = array<i32>} : memref<320x128xf32, #tpu.memory_space<vmem>>, vector<1x16xf32>,
      %swap3A_32 = vector.shape_cast %swap3A_31 : vector<1x16xf32> to vector<16xf32>
      %swap3A_33 = vector.shape_cast %broadcast_in_dim3A_28 : vector<16xf32> to vector<1x16xf32>
      tpu.vector_store %arg9[%swap3A_29, %swap3A_30], %swap3A_33 {strides = array<i32>} : memref<320x128xf32, #tpu.memory_space<vmem>>, vector<1x16xf32>,
      %broadcast_in_dim3A_34 = arith.constant 0.000000e+00 : f32
      %broadcast_in_dim3A_35 = vector.broadcast %broadcast_in_dim3A_34 : f32 to vector<16xf32>
      %swap3A_36 = arith.index_cast %scan3A_21 : i32 to index
      %swap3A_37 = arith.constant 32 : index
      %swap3A_38 = tpu.vector_load %arg9[%swap3A_36, %swap3A_37] {strides = array<i32>} : memref<320x128xf32, #tpu.memory_space<vmem>>, vector<1x16xf32>,
      %swap3A_39 = vector.shape_cast %swap3A_38 : vector<1x16xf32> to vector<16xf32>
      %swap3A_40 = vector.shape_cast %broadcast_in_dim3A_35 : vector<16xf32> to vector<1x16xf32>
      tpu.vector_store %arg9[%swap3A_36, %swap3A_37], %swap3A_40 {strides = array<i32>} : memref<320x128xf32, #tpu.memory_space<vmem>>, vector<1x16xf32>,
      %broadcast_in_dim3A_41 = arith.constant 0.000000e+00 : f32
      %broadcast_in_dim3A_42 = vector.broadcast %broadcast_in_dim3A_41 : f32 to vector<16xf32>
      %swap3A_43 = arith.index_cast %scan3A_21 : i32 to index
      %swap3A_44 = arith.constant 48 : index
      %swap3A_45 = tpu.vector_load %arg9[%swap3A_43, %swap3A_44] {strides = array<i32>} : memref<320x128xf32, #tpu.memory_space<vmem>>, vector<1x16xf32>,
      %swap3A_46 = vector.shape_cast %swap3A_45 : vector<1x16xf32> to vector<16xf32>
      %swap3A_47 = vector.shape_cast %broadcast_in_dim3A_42 : vector<16xf32> to vector<1x16xf32>
      tpu.vector_store %arg9[%swap3A_43, %swap3A_44], %swap3A_47 {strides = array<i32>} : memref<320x128xf32, #tpu.memory_space<vmem>>, vector<1x16xf32>,
      %broadcast_in_dim3A_48 = arith.constant 0.000000e+00 : f32
      %broadcast_in_dim3A_49 = vector.broadcast %broadcast_in_dim3A_48 : f32 to vector<16xf32>
      %swap3A_50 = arith.index_cast %scan3A_21 : i32 to index
      %swap3A_51 = arith.constant 64 : index
      %swap3A_52 = tpu.vector_load %arg9[%swap3A_50, %swap3A_51] {strides = array<i32>} : memref<320x128xf32, #tpu.memory_space<vmem>>, vector<1x16xf32>,
      %swap3A_53 = vector.shape_cast %swap3A_52 : vector<1x16xf32> to vector<16xf32>
      %swap3A_54 = vector.shape_cast %broadcast_in_dim3A_49 : vector<16xf32> to vector<1x16xf32>
      tpu.vector_store %arg9[%swap3A_50, %swap3A_51], %swap3A_54 {strides = array<i32>} : memref<320x128xf32, #tpu.memory_space<vmem>>, vector<1x16xf32>,
      %broadcast_in_dim3A_55 = arith.constant 0.000000e+00 : f32
      %broadcast_in_dim3A_56 = vector.broadcast %broadcast_in_dim3A_55 : f32 to vector<16xf32>
      %swap3A_57 = arith.index_cast %scan3A_21 : i32 to index
      %swap3A_58 = arith.constant 80 : index
      %swap3A_59 = tpu.vector_load %arg9[%swap3A_57, %swap3A_58] {strides = array<i32>} : memref<320x128xf32, #tpu.memory_space<vmem>>, vector<1x16xf32>,
      %swap3A_60 = vector.shape_cast %swap3A_59 : vector<1x16xf32> to vector<16xf32>
      %swap3A_61 = vector.shape_cast %broadcast_in_dim3A_56 : vector<16xf32> to vector<1x16xf32>
      tpu.vector_store %arg9[%swap3A_57, %swap3A_58], %swap3A_61 {strides = array<i32>} : memref<320x128xf32, #tpu.memory_space<vmem>>, vector<1x16xf32>,
      %broadcast_in_dim3A_62 = arith.constant 0.000000e+00 : f32
      %broadcast_in_dim3A_63 = vector.broadcast %broadcast_in_dim3A_62 : f32 to vector<16xf32>
      %swap3A_64 = arith.index_cast %scan3A_21 : i32 to index
      %swap3A_65 = arith.constant 96 : index
      %swap3A_66 = tpu.vector_load %arg9[%swap3A_64, %swap3A_65] {strides = array<i32>} : memref<320x128xf32, #tpu.memory_space<vmem>>, vector<1x16xf32>,
      %swap3A_67 = vector.shape_cast %swap3A_66 : vector<1x16xf32> to vector<16xf32>
      %swap3A_68 = vector.shape_cast %broadcast_in_dim3A_63 : vector<16xf32> to vector<1x16xf32>
      tpu.vector_store %arg9[%swap3A_64, %swap3A_65], %swap3A_68 {strides = array<i32>} : memref<320x128xf32, #tpu.memory_space<vmem>>, vector<1x16xf32>,
      %broadcast_in_dim3A_69 = arith.constant 0.000000e+00 : f32
      %broadcast_in_dim3A_70 = vector.broadcast %broadcast_in_dim3A_69 : f32 to vector<16xf32>
      %swap3A_71 = arith.index_cast %scan3A_21 : i32 to index
      %swap3A_72 = arith.constant 112 : index
      %swap3A_73 = tpu.vector_load %arg9[%swap3A_71, %swap3A_72] {strides = array<i32>} : memref<320x128xf32, #tpu.memory_space<vmem>>, vector<1x16xf32>,
      %swap3A_74 = vector.shape_cast %swap3A_73 : vector<1x16xf32> to vector<16xf32>
      %swap3A_75 = vector.shape_cast %broadcast_in_dim3A_70 : vector<16xf32> to vector<1x16xf32>
      tpu.vector_store %arg9[%swap3A_71, %swap3A_72], %swap3A_75 {strides = array<i32>} : memref<320x128xf32, #tpu.memory_space<vmem>>, vector<1x16xf32>,
    }
    %scan3A_4 = arith.constant 320 : i32
    %mul3A_5 = arith.constant 640 : i32
    %mul3A_6 = arith.muli %arg1, %mul3A_5 : i32
    %add3A_7 = arith.constant 0 : i32
    %add3A_8 = arith.addi %mul3A_6, %add3A_7 : i32
    "tpu.region"() ({
      %run_scoped3A = tpu.sem_alloc : memref<!tpu.dma_semaphore, #tpu.memory_space<semaphore_mem>>
      %dma_start3A = arith.constant 0 : i32
      %dma_start3A_21 = tpu.memref_slice %arg6[%add3A_8, %dma_start3A] : memref<10240x128xf32, #tpu.memory_space<vmem_shared>> -> memref<320x128xf32, #tpu.memory_space<vmem_shared>>
      %dma_start3A_22 = arith.constant 0 : i32
      %dma_start3A_23 = tpu.memref_slice %arg6[%add3A_8, %dma_start3A_22] : memref<10240x128xf32, #tpu.memory_space<vmem_shared>> -> memref<320x128xf32, #tpu.memory_space<vmem_shared>>
      tpu.enqueue_dma source(%arg9 : memref<320x128xf32, #tpu.memory_space<vmem>>) target(%dma_start3A_23 : memref<320x128xf32, #tpu.memory_space<vmem_shared>>) target_semaphore(%run_scoped3A : memref<!tpu.dma_semaphore, #tpu.memory_space<semaphore_mem>>)
      %dma_wait3A = arith.constant 0 : i32
      %dma_wait3A_24 = tpu.memref_slice %arg6[%add3A_8, %dma_wait3A] : memref<10240x128xf32, #tpu.memory_space<vmem_shared>> -> memref<320x128xf32, #tpu.memory_space<vmem_shared>>
      %dma_wait3A_25 = arith.constant 0 : i32
      %dma_wait3A_26 = tpu.memref_slice %arg6[%add3A_8, %dma_wait3A_25] : memref<10240x128xf32, #tpu.memory_space<vmem_shared>> -> memref<320x128xf32, #tpu.memory_space<vmem_shared>>
      tpu.wait_dma2 semaphore(%run_scoped3A : memref<!tpu.dma_semaphore, #tpu.memory_space<semaphore_mem>>) src(%arg9 : memref<320x128xf32, #tpu.memory_space<vmem>>) dst(%dma_wait3A_26 : memref<320x128xf32, #tpu.memory_space<vmem_shared>>)
      tpu.yield
    }) : () -> ()
    %add3A_9 = arith.constant 320 : i32
    %add3A_10 = arith.addi %mul3A_6, %add3A_9 : i32
    "tpu.region"() ({
      %run_scoped3A = tpu.sem_alloc : memref<!tpu.dma_semaphore, #tpu.memory_space<semaphore_mem>>
      %dma_start3A = arith.constant 0 : i32
      %dma_start3A_21 = tpu.memref_slice %arg6[%add3A_10, %dma_start3A] : memref<10240x128xf32, #tpu.memory_space<vmem_shared>> -> memref<320x128xf32, #tpu.memory_space<vmem_shared>>
      %dma_start3A_22 = arith.constant 0 : i32
      %dma_start3A_23 = tpu.memref_slice %arg6[%add3A_10, %dma_start3A_22] : memref<10240x128xf32, #tpu.memory_space<vmem_shared>> -> memref<320x128xf32, #tpu.memory_space<vmem_shared>>
      tpu.enqueue_dma source(%arg9 : memref<320x128xf32, #tpu.memory_space<vmem>>) target(%dma_start3A_23 : memref<320x128xf32, #tpu.memory_space<vmem_shared>>) target_semaphore(%run_scoped3A : memref<!tpu.dma_semaphore, #tpu.memory_space<semaphore_mem>>)
      %dma_wait3A = arith.constant 0 : i32
      %dma_wait3A_24 = tpu.memref_slice %arg6[%add3A_10, %dma_wait3A] : memref<10240x128xf32, #tpu.memory_space<vmem_shared>> -> memref<320x128xf32, #tpu.memory_space<vmem_shared>>
      %dma_wait3A_25 = arith.constant 0 : i32
      %dma_wait3A_26 = tpu.memref_slice %arg6[%add3A_10, %dma_wait3A_25] : memref<10240x128xf32, #tpu.memory_space<vmem_shared>> -> memref<320x128xf32, #tpu.memory_space<vmem_shared>>
      tpu.wait_dma2 semaphore(%run_scoped3A : memref<!tpu.dma_semaphore, #tpu.memory_space<semaphore_mem>>) src(%arg9 : memref<320x128xf32, #tpu.memory_space<vmem>>) dst(%dma_wait3A_26 : memref<320x128xf32, #tpu.memory_space<vmem_shared>>)
      tpu.yield
    }) : () -> ()
    %barrier3A = arith.constant 0 : index
    tpu.barrier barrier_id(%barrier3A)
    %scan3A_11 = arith.constant 0 : i32
    %scan3A_12 = arith.constant 32 : i32
    %scan3A_13 = arith.addi %scan3A_11, %scan3A_12 : i32
    %scan3A_14 = arith.constant 1 : i32
    scf.for %scan3A_21 = %scan3A_11 to %scan3A_13 step %scan3A_14  : i32 {
      %mul3A_22 = arith.constant 32 : i32
      %mul3A_23 = arith.muli %add3A, %mul3A_22 : i32
      %add3A_24 = arith.addi %mul3A_23, %scan3A_21 : i32
      "tpu.region"() ({
        %run_scoped3A_37 = tpu.sem_alloc : memref<!tpu.dma_semaphore, #tpu.memory_space<semaphore_mem>>
        %dma_start3A_38 = arith.constant 0 : i32
        %dma_start3A_39 = arith.constant 0 : i32
        %dma_start3A_40 = tpu.memref_slice %arg3[%add3A_24, %dma_start3A_38, %dma_start3A_39] : memref<1024x1x320xi32, #tpu.memory_space<hbm>> -> memref<1x1x320xi32, #tpu.memory_space<hbm>>
        %dma_start3A_41 = tpu.memref_squeeze %dma_start3A_40 : memref<1x1x320xi32, #tpu.memory_space<hbm>> -> memref<1x320xi32, #tpu.memory_space<hbm>>
        %dma_start3A_42 = arith.constant 0 : i32
        %dma_start3A_43 = arith.constant 0 : i32
        %dma_start3A_44 = tpu.memref_slice %arg3[%add3A_24, %dma_start3A_42, %dma_start3A_43] : memref<1024x1x320xi32, #tpu.memory_space<hbm>> -> memref<1x1x320xi32, #tpu.memory_space<hbm>>
        %dma_start3A_45 = tpu.memref_squeeze %dma_start3A_44 : memref<1x1x320xi32, #tpu.memory_space<hbm>> -> memref<1x320xi32, #tpu.memory_space<hbm>>
        tpu.enqueue_dma source(%dma_start3A_45 : memref<1x320xi32, #tpu.memory_space<hbm>>) target(%arg7 : memref<1x320xi32, #tpu.memory_space<vmem>>) target_semaphore(%run_scoped3A_37 : memref<!tpu.dma_semaphore, #tpu.memory_space<semaphore_mem>>)
        %dma_wait3A_46 = arith.constant 0 : i32
        %dma_wait3A_47 = arith.constant 0 : i32
        %dma_wait3A_48 = tpu.memref_slice %arg3[%add3A_24, %dma_wait3A_46, %dma_wait3A_47] : memref<1024x1x320xi32, #tpu.memory_space<hbm>> -> memref<1x1x320xi32, #tpu.memory_space<hbm>>
        %dma_wait3A_49 = tpu.memref_squeeze %dma_wait3A_48 : memref<1x1x320xi32, #tpu.memory_space<hbm>> -> memref<1x320xi32, #tpu.memory_space<hbm>>
        %dma_wait3A_50 = arith.constant 0 : i32
        %dma_wait3A_51 = arith.constant 0 : i32
        %dma_wait3A_52 = tpu.memref_slice %arg3[%add3A_24, %dma_wait3A_50, %dma_wait3A_51] : memref<1024x1x320xi32, #tpu.memory_space<hbm>> -> memref<1x1x320xi32, #tpu.memory_space<hbm>>
        %dma_wait3A_53 = tpu.memref_squeeze %dma_wait3A_52 : memref<1x1x320xi32, #tpu.memory_space<hbm>> -> memref<1x320xi32, #tpu.memory_space<hbm>>
        tpu.wait_dma2 semaphore(%run_scoped3A_37 : memref<!tpu.dma_semaphore, #tpu.memory_space<semaphore_mem>>) src(%dma_wait3A_53 : memref<1x320xi32, #tpu.memory_space<hbm>>) dst(%arg7 : memref<1x320xi32, #tpu.memory_space<vmem>>)
        tpu.yield
      }) : () -> ()
      "tpu.region"() ({
        %run_scoped3A_37 = tpu.sem_alloc : memref<!tpu.dma_semaphore, #tpu.memory_space<semaphore_mem>>
        %dma_start3A_38 = arith.constant 0 : i32
        %dma_start3A_39 = arith.constant 0 : i32
        %dma_start3A_40 = tpu.memref_slice %arg4[%add3A_24, %dma_start3A_38, %dma_start3A_39] : memref<1024x1x320xi32, #tpu.memory_space<hbm>> -> memref<1x1x320xi32, #tpu.memory_space<hbm>>
        %dma_start3A_41 = tpu.memref_squeeze %dma_start3A_40 : memref<1x1x320xi32, #tpu.memory_space<hbm>> -> memref<1x320xi32, #tpu.memory_space<hbm>>
        %dma_start3A_42 = arith.constant 0 : i32
        %dma_start3A_43 = arith.constant 0 : i32
        %dma_start3A_44 = tpu.memref_slice %arg4[%add3A_24, %dma_start3A_42, %dma_start3A_43] : memref<1024x1x320xi32, #tpu.memory_space<hbm>> -> memref<1x1x320xi32, #tpu.memory_space<hbm>>
        %dma_start3A_45 = tpu.memref_squeeze %dma_start3A_44 : memref<1x1x320xi32, #tpu.memory_space<hbm>> -> memref<1x320xi32, #tpu.memory_space<hbm>>
        tpu.enqueue_dma source(%dma_start3A_45 : memref<1x320xi32, #tpu.memory_space<hbm>>) target(%arg8 : memref<1x320xi32, #tpu.memory_space<vmem>>) target_semaphore(%run_scoped3A_37 : memref<!tpu.dma_semaphore, #tpu.memory_space<semaphore_mem>>)
        %dma_wait3A_46 = arith.constant 0 : i32
        %dma_wait3A_47 = arith.constant 0 : i32
        %dma_wait3A_48 = tpu.memref_slice %arg4[%add3A_24, %dma_wait3A_46, %dma_wait3A_47] : memref<1024x1x320xi32, #tpu.memory_space<hbm>> -> memref<1x1x320xi32, #tpu.memory_space<hbm>>
        %dma_wait3A_49 = tpu.memref_squeeze %dma_wait3A_48 : memref<1x1x320xi32, #tpu.memory_space<hbm>> -> memref<1x320xi32, #tpu.memory_space<hbm>>
        %dma_wait3A_50 = arith.constant 0 : i32
        %dma_wait3A_51 = arith.constant 0 : i32
        %dma_wait3A_52 = tpu.memref_slice %arg4[%add3A_24, %dma_wait3A_50, %dma_wait3A_51] : memref<1024x1x320xi32, #tpu.memory_space<hbm>> -> memref<1x1x320xi32, #tpu.memory_space<hbm>>
        %dma_wait3A_53 = tpu.memref_squeeze %dma_wait3A_52 : memref<1x1x320xi32, #tpu.memory_space<hbm>> -> memref<1x320xi32, #tpu.memory_space<hbm>>
        tpu.wait_dma2 semaphore(%run_scoped3A_37 : memref<!tpu.dma_semaphore, #tpu.memory_space<semaphore_mem>>) src(%dma_wait3A_53 : memref<1x320xi32, #tpu.memory_space<hbm>>) dst(%arg8 : memref<1x320xi32, #tpu.memory_space<vmem>>)
        tpu.yield
      }) : () -> ()
      %dma_start3A = arith.constant 0 : i32
      %dma_start3A_25 = arith.constant 0 : i32
      %dma_start3A_26 = tpu.memref_slice %arg7[%dma_start3A, %dma_start3A_25] : memref<1x320xi32, #tpu.memory_space<vmem>> -> memref<1x320xi32, #tpu.memory_space<vmem>>
      %dma_start3A_27 = tpu.memref_squeeze %dma_start3A_26 : memref<1x320xi32, #tpu.memory_space<vmem>> -> memref<320xi32, #tpu.memory_space<vmem>>
      %dma_start3A_28 = arith.constant 0 : i32
      %dma_start3A_29 = arith.constant 0 : i32
      %dma_start3A_30 = tpu.memref_slice %arg2[%dma_start3A_28, %dma_start3A_29] : memref<10000x128xf32, #tpu.memory_space<hbm>> -> memref<10000x128xf32, #tpu.memory_space<hbm>>
      tpu.enqueue_indirect_dma source(%dma_start3A_30 : memref<10000x128xf32, #tpu.memory_space<hbm>>) target(%arg9 : memref<320x128xf32, #tpu.memory_space<vmem>>) offsets(%dma_start3A_27 : memref<320xi32, #tpu.memory_space<vmem>>) semaphore(%arg10 : memref<!tpu.dma_semaphore, #tpu.memory_space<semaphore_mem>>)
      %dma_wait3A = arith.constant 0 : i32
      %dma_wait3A_31 = arith.constant 0 : i32
      %dma_wait3A_32 = tpu.memref_slice %arg7[%dma_wait3A, %dma_wait3A_31] : memref<1x320xi32, #tpu.memory_space<vmem>> -> memref<1x320xi32, #tpu.memory_space<vmem>>
      %dma_wait3A_33 = tpu.memref_squeeze %dma_wait3A_32 : memref<1x320xi32, #tpu.memory_space<vmem>> -> memref<320xi32, #tpu.memory_space<vmem>>
      %dma_wait3A_34 = arith.constant 0 : i32
      %dma_wait3A_35 = arith.constant 0 : i32
      %dma_wait3A_36 = tpu.memref_slice %arg2[%dma_wait3A_34, %dma_wait3A_35] : memref<10000x128xf32, #tpu.memory_space<hbm>> -> memref<10000x128xf32, #tpu.memory_space<hbm>>
      tpu.wait_indirect_dma semaphore(%arg10 : memref<!tpu.dma_semaphore, #tpu.memory_space<semaphore_mem>>) src(%dma_wait3A_36 : memref<10000x128xf32, #tpu.memory_space<hbm>>) dst(%arg9 : memref<320x128xf32, #tpu.memory_space<vmem>>)
      %run_scoped3A = arith.constant 0 : i32
      "tpu.region"() ({
        %run_scoped3A_37 = tpu.sem_alloc : memref<!tpu.dma_semaphore, #tpu.memory_space<semaphore_mem>>
        %dma_start3A_38 = arith.constant 0 : i32
        %dma_start3A_39 = tpu.memref_slice %arg8[%run_scoped3A, %dma_start3A_38] : memref<1x320xi32, #tpu.memory_space<vmem>> -> memref<1x320xi32, #tpu.memory_space<vmem>>
        %dma_start3A_40 = tpu.memref_squeeze %dma_start3A_39 : memref<1x320xi32, #tpu.memory_space<vmem>> -> memref<320xi32, #tpu.memory_space<vmem>>
        %dma_start3A_41 = arith.constant 0 : i32
        %dma_start3A_42 = arith.constant 0 : i32
        %dma_start3A_43 = tpu.memref_slice %arg6[%dma_start3A_41, %dma_start3A_42] : memref<10240x128xf32, #tpu.memory_space<vmem_shared>> -> memref<10240x128xf32, #tpu.memory_space<vmem_shared>>
        tpu.enqueue_indirect_dma source(%arg9 : memref<320x128xf32, #tpu.memory_space<vmem>>) target(%dma_start3A_43 : memref<10240x128xf32, #tpu.memory_space<vmem_shared>>) offsets(%dma_start3A_40 : memref<320xi32, #tpu.memory_space<vmem>>) semaphore(%run_scoped3A_37 : memref<!tpu.dma_semaphore, #tpu.memory_space<semaphore_mem>>) {add = true}
        %dma_wait3A_44 = arith.constant 0 : i32
        %dma_wait3A_45 = tpu.memref_slice %arg8[%run_scoped3A, %dma_wait3A_44] : memref<1x320xi32, #tpu.memory_space<vmem>> -> memref<1x320xi32, #tpu.memory_space<vmem>>
        %dma_wait3A_46 = tpu.memref_squeeze %dma_wait3A_45 : memref<1x320xi32, #tpu.memory_space<vmem>> -> memref<320xi32, #tpu.memory_space<vmem>>
        %dma_wait3A_47 = arith.constant 0 : i32
        %dma_wait3A_48 = arith.constant 0 : i32
        %dma_wait3A_49 = tpu.memref_slice %arg6[%dma_wait3A_47, %dma_wait3A_48] : memref<10240x128xf32, #tpu.memory_space<vmem_shared>> -> memref<10240x128xf32, #tpu.memory_space<vmem_shared>>
        tpu.wait_indirect_dma semaphore(%run_scoped3A_37 : memref<!tpu.dma_semaphore, #tpu.memory_space<semaphore_mem>>) src(%arg9 : memref<320x128xf32, #tpu.memory_space<vmem>>) dst(%dma_wait3A_49 : memref<10240x128xf32, #tpu.memory_space<vmem_shared>>)
        tpu.yield
      }) : () -> ()
    }
    %scan3A_15 = arith.constant 32 : i32
    %barrier3A_16 = arith.constant 0 : index
    tpu.barrier barrier_id(%barrier3A_16)
    %mul3A_17 = arith.constant 640 : i32
    %mul3A_18 = arith.muli %arg1, %mul3A_17 : i32
    %mul3A_19 = arith.constant 640 : i32
    %mul3A_20 = arith.muli %arg1, %mul3A_19 : i32
    "tpu.region"() ({
      %run_scoped3A = tpu.sem_alloc : memref<!tpu.dma_semaphore, #tpu.memory_space<semaphore_mem>>
      %dma_start3A = arith.constant 0 : i32
      %dma_start3A_21 = tpu.memref_slice %arg5[%arg0, %mul3A_20, %dma_start3A] : memref<2x10240x128xf32, #tpu.memory_space<hbm>> -> memref<1x640x128xf32, #tpu.memory_space<hbm>>
      %dma_start3A_22 = tpu.memref_squeeze %dma_start3A_21 : memref<1x640x128xf32, #tpu.memory_space<hbm>> -> memref<640x128xf32, #tpu.memory_space<hbm>>
      %dma_start3A_23 = arith.constant 0 : i32
      %dma_start3A_24 = tpu.memref_slice %arg6[%mul3A_18, %dma_start3A_23] : memref<10240x128xf32, #tpu.memory_space<vmem_shared>> -> memref<640x128xf32, #tpu.memory_space<vmem_shared>>
      tpu.enqueue_dma source(%dma_start3A_24 : memref<640x128xf32, #tpu.memory_space<vmem_shared>>) target(%dma_start3A_22 : memref<640x128xf32, #tpu.memory_space<hbm>>) target_semaphore(%run_scoped3A : memref<!tpu.dma_semaphore, #tpu.memory_space<semaphore_mem>>)
      %dma_wait3A = arith.constant 0 : i32
      %dma_wait3A_25 = tpu.memref_slice %arg5[%arg0, %mul3A_20, %dma_wait3A] : memref<2x10240x128xf32, #tpu.memory_space<hbm>> -> memref<1x640x128xf32, #tpu.memory_space<hbm>>
      %dma_wait3A_26 = tpu.memref_squeeze %dma_wait3A_25 : memref<1x640x128xf32, #tpu.memory_space<hbm>> -> memref<640x128xf32, #tpu.memory_space<hbm>>
      %dma_wait3A_27 = arith.constant 0 : i32
      %dma_wait3A_28 = tpu.memref_slice %arg6[%mul3A_18, %dma_wait3A_27] : memref<10240x128xf32, #tpu.memory_space<vmem_shared>> -> memref<640x128xf32, #tpu.memory_space<vmem_shared>>
      tpu.wait_dma2 semaphore(%run_scoped3A : memref<!tpu.dma_semaphore, #tpu.memory_space<semaphore_mem>>) src(%dma_wait3A_28 : memref<640x128xf32, #tpu.memory_space<vmem_shared>>) dst(%dma_wait3A_26 : memref<640x128xf32, #tpu.memory_space<hbm>>)
      tpu.yield
    }) : () -> ()
    return
  }
}

#map = affine_map<(d0, d1) -> (0, 0, 0)>
module attributes {stable_mosaic.version = 14 : i64} {
  func.func @_sc_deg(%arg0: i32, %arg1: i32, %arg2: memref<1024x1x320xi32, #tpu.memory_space<hbm>>, %arg3: memref<2x10240x16xf32, #tpu.memory_space<hbm>>, %arg4: memref<10240x16xf32, #tpu.memory_space<vmem_shared>>, %arg5: memref<1x320xi32, #tpu.memory_space<vmem>>, %arg6: memref<320x16xf32, #tpu.memory_space<vmem>>, %arg7: memref<320x16xf32, #tpu.memory_space<vmem>>) attributes {dimension_semantics = [#tpu.dimension_semantics<core_parallel>, #tpu.dimension_semantics<subcore_parallel>], iteration_bounds = array<i64: 2, 16>, scalar_prefetch = 0 : i64, scratch_operands = 4 : i64, tpu.core_type = #tpu.core_type<sc_vector_subcore>, window_params = [{transform_indices = #map}, {transform_indices = #map}]} {
    %mul3A = arith.constant 16 : i32
    %mul3A_0 = arith.muli %arg0, %mul3A : i32
    %add3A = arith.addi %mul3A_0, %arg1 : i32
    %iota3A = tpu.iota {dimensions = array<i32: 0>} : vector<16xi32>
    %eq3A = arith.constant 0 : i32
    %eq3A_1 = vector.broadcast %eq3A : i32 to vector<16xi32>
    %eq3A_2 = arith.cmpi eq, %iota3A, %eq3A_1 : vector<16xi32>
    %jit3A = arith.constant 1.000000e+00 : f32
    %jit3A_3 = arith.constant 0.000000e+00 : f32
    %broadcast_in_dim3A = vector.broadcast %jit3A : f32 to vector<16xf32>
    %broadcast_in_dim3A_4 = vector.broadcast %jit3A_3 : f32 to vector<16xf32>
    %select_n3A = arith.select %eq3A_2, %broadcast_in_dim3A, %broadcast_in_dim3A_4 : vector<16xi1>, vector<16xf32>
    %scan3A = arith.constant 0 : i32
    %scan3A_5 = arith.constant 320 : i32
    %scan3A_6 = arith.addi %scan3A, %scan3A_5 : i32
    %scan3A_7 = arith.constant 1 : i32
    scf.for %scan3A_25 = %scan3A to %scan3A_6 step %scan3A_7  : i32 {
      %swap3A = arith.index_cast %scan3A_25 : i32 to index
      %swap3A_26 = arith.constant 0 : index
      %swap3A_27 = tpu.vector_load %arg6[%swap3A, %swap3A_26] {strides = array<i32>} : memref<320x16xf32, #tpu.memory_space<vmem>>, vector<1x16xf32>,
      %swap3A_28 = vector.shape_cast %swap3A_27 : vector<1x16xf32> to vector<16xf32>
      %swap3A_29 = vector.shape_cast %select_n3A : vector<16xf32> to vector<1x16xf32>
      tpu.vector_store %arg6[%swap3A, %swap3A_26], %swap3A_29 {strides = array<i32>} : memref<320x16xf32, #tpu.memory_space<vmem>>, vector<1x16xf32>,
      %broadcast_in_dim3A_30 = arith.constant 0.000000e+00 : f32
      %broadcast_in_dim3A_31 = vector.broadcast %broadcast_in_dim3A_30 : f32 to vector<16xf32>
      %swap3A_32 = arith.index_cast %scan3A_25 : i32 to index
      %swap3A_33 = arith.constant 0 : index
      %swap3A_34 = tpu.vector_load %arg7[%swap3A_32, %swap3A_33] {strides = array<i32>} : memref<320x16xf32, #tpu.memory_space<vmem>>, vector<1x16xf32>,
      %swap3A_35 = vector.shape_cast %swap3A_34 : vector<1x16xf32> to vector<16xf32>
      %swap3A_36 = vector.shape_cast %broadcast_in_dim3A_31 : vector<16xf32> to vector<1x16xf32>
      tpu.vector_store %arg7[%swap3A_32, %swap3A_33], %swap3A_36 {strides = array<i32>} : memref<320x16xf32, #tpu.memory_space<vmem>>, vector<1x16xf32>,
    }
    %scan3A_8 = arith.constant 320 : i32
    %mul3A_9 = arith.constant 640 : i32
    %mul3A_10 = arith.muli %arg1, %mul3A_9 : i32
    %add3A_11 = arith.constant 0 : i32
    %add3A_12 = arith.addi %mul3A_10, %add3A_11 : i32
    "tpu.region"() ({
      %run_scoped3A = tpu.sem_alloc : memref<!tpu.dma_semaphore, #tpu.memory_space<semaphore_mem>>
      %dma_start3A = arith.constant 0 : i32
      %dma_start3A_25 = tpu.memref_slice %arg4[%add3A_12, %dma_start3A] : memref<10240x16xf32, #tpu.memory_space<vmem_shared>> -> memref<320x16xf32, #tpu.memory_space<vmem_shared>>
      %dma_start3A_26 = arith.constant 0 : i32
      %dma_start3A_27 = tpu.memref_slice %arg4[%add3A_12, %dma_start3A_26] : memref<10240x16xf32, #tpu.memory_space<vmem_shared>> -> memref<320x16xf32, #tpu.memory_space<vmem_shared>>
      tpu.enqueue_dma source(%arg7 : memref<320x16xf32, #tpu.memory_space<vmem>>) target(%dma_start3A_27 : memref<320x16xf32, #tpu.memory_space<vmem_shared>>) target_semaphore(%run_scoped3A : memref<!tpu.dma_semaphore, #tpu.memory_space<semaphore_mem>>)
      %dma_wait3A = arith.constant 0 : i32
      %dma_wait3A_28 = tpu.memref_slice %arg4[%add3A_12, %dma_wait3A] : memref<10240x16xf32, #tpu.memory_space<vmem_shared>> -> memref<320x16xf32, #tpu.memory_space<vmem_shared>>
      %dma_wait3A_29 = arith.constant 0 : i32
      %dma_wait3A_30 = tpu.memref_slice %arg4[%add3A_12, %dma_wait3A_29] : memref<10240x16xf32, #tpu.memory_space<vmem_shared>> -> memref<320x16xf32, #tpu.memory_space<vmem_shared>>
      tpu.wait_dma2 semaphore(%run_scoped3A : memref<!tpu.dma_semaphore, #tpu.memory_space<semaphore_mem>>) src(%arg7 : memref<320x16xf32, #tpu.memory_space<vmem>>) dst(%dma_wait3A_30 : memref<320x16xf32, #tpu.memory_space<vmem_shared>>)
      tpu.yield
    }) : () -> ()
    %add3A_13 = arith.constant 320 : i32
    %add3A_14 = arith.addi %mul3A_10, %add3A_13 : i32
    "tpu.region"() ({
      %run_scoped3A = tpu.sem_alloc : memref<!tpu.dma_semaphore, #tpu.memory_space<semaphore_mem>>
      %dma_start3A = arith.constant 0 : i32
      %dma_start3A_25 = tpu.memref_slice %arg4[%add3A_14, %dma_start3A] : memref<10240x16xf32, #tpu.memory_space<vmem_shared>> -> memref<320x16xf32, #tpu.memory_space<vmem_shared>>
      %dma_start3A_26 = arith.constant 0 : i32
      %dma_start3A_27 = tpu.memref_slice %arg4[%add3A_14, %dma_start3A_26] : memref<10240x16xf32, #tpu.memory_space<vmem_shared>> -> memref<320x16xf32, #tpu.memory_space<vmem_shared>>
      tpu.enqueue_dma source(%arg7 : memref<320x16xf32, #tpu.memory_space<vmem>>) target(%dma_start3A_27 : memref<320x16xf32, #tpu.memory_space<vmem_shared>>) target_semaphore(%run_scoped3A : memref<!tpu.dma_semaphore, #tpu.memory_space<semaphore_mem>>)
      %dma_wait3A = arith.constant 0 : i32
      %dma_wait3A_28 = tpu.memref_slice %arg4[%add3A_14, %dma_wait3A] : memref<10240x16xf32, #tpu.memory_space<vmem_shared>> -> memref<320x16xf32, #tpu.memory_space<vmem_shared>>
      %dma_wait3A_29 = arith.constant 0 : i32
      %dma_wait3A_30 = tpu.memref_slice %arg4[%add3A_14, %dma_wait3A_29] : memref<10240x16xf32, #tpu.memory_space<vmem_shared>> -> memref<320x16xf32, #tpu.memory_space<vmem_shared>>
      tpu.wait_dma2 semaphore(%run_scoped3A : memref<!tpu.dma_semaphore, #tpu.memory_space<semaphore_mem>>) src(%arg7 : memref<320x16xf32, #tpu.memory_space<vmem>>) dst(%dma_wait3A_30 : memref<320x16xf32, #tpu.memory_space<vmem_shared>>)
      tpu.yield
    }) : () -> ()
    %barrier3A = arith.constant 0 : index
    tpu.barrier barrier_id(%barrier3A)
    %scan3A_15 = arith.constant 0 : i32
    %scan3A_16 = arith.constant 32 : i32
    %scan3A_17 = arith.addi %scan3A_15, %scan3A_16 : i32
    %scan3A_18 = arith.constant 1 : i32
    scf.for %scan3A_25 = %scan3A_15 to %scan3A_17 step %scan3A_18  : i32 {
      %mul3A_26 = arith.constant 32 : i32
      %mul3A_27 = arith.muli %add3A, %mul3A_26 : i32
      %add3A_28 = arith.addi %mul3A_27, %scan3A_25 : i32
      "tpu.region"() ({
        %run_scoped3A_29 = tpu.sem_alloc : memref<!tpu.dma_semaphore, #tpu.memory_space<semaphore_mem>>
        %dma_start3A = arith.constant 0 : i32
        %dma_start3A_30 = arith.constant 0 : i32
        %dma_start3A_31 = tpu.memref_slice %arg2[%add3A_28, %dma_start3A, %dma_start3A_30] : memref<1024x1x320xi32, #tpu.memory_space<hbm>> -> memref<1x1x320xi32, #tpu.memory_space<hbm>>
        %dma_start3A_32 = tpu.memref_squeeze %dma_start3A_31 : memref<1x1x320xi32, #tpu.memory_space<hbm>> -> memref<1x320xi32, #tpu.memory_space<hbm>>
        %dma_start3A_33 = arith.constant 0 : i32
        %dma_start3A_34 = arith.constant 0 : i32
        %dma_start3A_35 = tpu.memref_slice %arg2[%add3A_28, %dma_start3A_33, %dma_start3A_34] : memref<1024x1x320xi32, #tpu.memory_space<hbm>> -> memref<1x1x320xi32, #tpu.memory_space<hbm>>
        %dma_start3A_36 = tpu.memref_squeeze %dma_start3A_35 : memref<1x1x320xi32, #tpu.memory_space<hbm>> -> memref<1x320xi32, #tpu.memory_space<hbm>>
        tpu.enqueue_dma source(%dma_start3A_36 : memref<1x320xi32, #tpu.memory_space<hbm>>) target(%arg5 : memref<1x320xi32, #tpu.memory_space<vmem>>) target_semaphore(%run_scoped3A_29 : memref<!tpu.dma_semaphore, #tpu.memory_space<semaphore_mem>>)
        %dma_wait3A = arith.constant 0 : i32
        %dma_wait3A_37 = arith.constant 0 : i32
        %dma_wait3A_38 = tpu.memref_slice %arg2[%add3A_28, %dma_wait3A, %dma_wait3A_37] : memref<1024x1x320xi32, #tpu.memory_space<hbm>> -> memref<1x1x320xi32, #tpu.memory_space<hbm>>
        %dma_wait3A_39 = tpu.memref_squeeze %dma_wait3A_38 : memref<1x1x320xi32, #tpu.memory_space<hbm>> -> memref<1x320xi32, #tpu.memory_space<hbm>>
        %dma_wait3A_40 = arith.constant 0 : i32
        %dma_wait3A_41 = arith.constant 0 : i32
        %dma_wait3A_42 = tpu.memref_slice %arg2[%add3A_28, %dma_wait3A_40, %dma_wait3A_41] : memref<1024x1x320xi32, #tpu.memory_space<hbm>> -> memref<1x1x320xi32, #tpu.memory_space<hbm>>
        %dma_wait3A_43 = tpu.memref_squeeze %dma_wait3A_42 : memref<1x1x320xi32, #tpu.memory_space<hbm>> -> memref<1x320xi32, #tpu.memory_space<hbm>>
        tpu.wait_dma2 semaphore(%run_scoped3A_29 : memref<!tpu.dma_semaphore, #tpu.memory_space<semaphore_mem>>) src(%dma_wait3A_43 : memref<1x320xi32, #tpu.memory_space<hbm>>) dst(%arg5 : memref<1x320xi32, #tpu.memory_space<vmem>>)
        tpu.yield
      }) : () -> ()
      %run_scoped3A = arith.constant 0 : i32
      "tpu.region"() ({
        %run_scoped3A_29 = tpu.sem_alloc : memref<!tpu.dma_semaphore, #tpu.memory_space<semaphore_mem>>
        %dma_start3A = arith.constant 0 : i32
        %dma_start3A_30 = tpu.memref_slice %arg5[%run_scoped3A, %dma_start3A] : memref<1x320xi32, #tpu.memory_space<vmem>> -> memref<1x320xi32, #tpu.memory_space<vmem>>
        %dma_start3A_31 = tpu.memref_squeeze %dma_start3A_30 : memref<1x320xi32, #tpu.memory_space<vmem>> -> memref<320xi32, #tpu.memory_space<vmem>>
        %dma_start3A_32 = arith.constant 0 : i32
        %dma_start3A_33 = arith.constant 0 : i32
        %dma_start3A_34 = tpu.memref_slice %arg4[%dma_start3A_32, %dma_start3A_33] : memref<10240x16xf32, #tpu.memory_space<vmem_shared>> -> memref<10240x16xf32, #tpu.memory_space<vmem_shared>>
        tpu.enqueue_indirect_dma source(%arg6 : memref<320x16xf32, #tpu.memory_space<vmem>>) target(%dma_start3A_34 : memref<10240x16xf32, #tpu.memory_space<vmem_shared>>) offsets(%dma_start3A_31 : memref<320xi32, #tpu.memory_space<vmem>>) semaphore(%run_scoped3A_29 : memref<!tpu.dma_semaphore, #tpu.memory_space<semaphore_mem>>) {add = true}
        %dma_wait3A = arith.constant 0 : i32
        %dma_wait3A_35 = tpu.memref_slice %arg5[%run_scoped3A, %dma_wait3A] : memref<1x320xi32, #tpu.memory_space<vmem>> -> memref<1x320xi32, #tpu.memory_space<vmem>>
        %dma_wait3A_36 = tpu.memref_squeeze %dma_wait3A_35 : memref<1x320xi32, #tpu.memory_space<vmem>> -> memref<320xi32, #tpu.memory_space<vmem>>
        %dma_wait3A_37 = arith.constant 0 : i32
        %dma_wait3A_38 = arith.constant 0 : i32
        %dma_wait3A_39 = tpu.memref_slice %arg4[%dma_wait3A_37, %dma_wait3A_38] : memref<10240x16xf32, #tpu.memory_space<vmem_shared>> -> memref<10240x16xf32, #tpu.memory_space<vmem_shared>>
        tpu.wait_indirect_dma semaphore(%run_scoped3A_29 : memref<!tpu.dma_semaphore, #tpu.memory_space<semaphore_mem>>) src(%arg6 : memref<320x16xf32, #tpu.memory_space<vmem>>) dst(%dma_wait3A_39 : memref<10240x16xf32, #tpu.memory_space<vmem_shared>>)
        tpu.yield
      }) : () -> ()
    }
    %scan3A_19 = arith.constant 32 : i32
    %barrier3A_20 = arith.constant 0 : index
    tpu.barrier barrier_id(%barrier3A_20)
    %mul3A_21 = arith.constant 640 : i32
    %mul3A_22 = arith.muli %arg1, %mul3A_21 : i32
    %mul3A_23 = arith.constant 640 : i32
    %mul3A_24 = arith.muli %arg1, %mul3A_23 : i32
    "tpu.region"() ({
      %run_scoped3A = tpu.sem_alloc : memref<!tpu.dma_semaphore, #tpu.memory_space<semaphore_mem>>
      %dma_start3A = arith.constant 0 : i32
      %dma_start3A_25 = tpu.memref_slice %arg3[%arg0, %mul3A_24, %dma_start3A] : memref<2x10240x16xf32, #tpu.memory_space<hbm>> -> memref<1x640x16xf32, #tpu.memory_space<hbm>>
      %dma_start3A_26 = tpu.memref_squeeze %dma_start3A_25 : memref<1x640x16xf32, #tpu.memory_space<hbm>> -> memref<640x16xf32, #tpu.memory_space<hbm>>
      %dma_start3A_27 = arith.constant 0 : i32
      %dma_start3A_28 = tpu.memref_slice %arg4[%mul3A_22, %dma_start3A_27] : memref<10240x16xf32, #tpu.memory_space<vmem_shared>> -> memref<640x16xf32, #tpu.memory_space<vmem_shared>>
      tpu.enqueue_dma source(%dma_start3A_28 : memref<640x16xf32, #tpu.memory_space<vmem_shared>>) target(%dma_start3A_26 : memref<640x16xf32, #tpu.memory_space<hbm>>) target_semaphore(%run_scoped3A : memref<!tpu.dma_semaphore, #tpu.memory_space<semaphore_mem>>)
      %dma_wait3A = arith.constant 0 : i32
      %dma_wait3A_29 = tpu.memref_slice %arg3[%arg0, %mul3A_24, %dma_wait3A] : memref<2x10240x16xf32, #tpu.memory_space<hbm>> -> memref<1x640x16xf32, #tpu.memory_space<hbm>>
      %dma_wait3A_30 = tpu.memref_squeeze %dma_wait3A_29 : memref<1x640x16xf32, #tpu.memory_space<hbm>> -> memref<640x16xf32, #tpu.memory_space<hbm>>
      %dma_wait3A_31 = arith.constant 0 : i32
      %dma_wait3A_32 = tpu.memref_slice %arg4[%mul3A_22, %dma_wait3A_31] : memref<10240x16xf32, #tpu.memory_space<vmem_shared>> -> memref<640x16xf32, #tpu.memory_space<vmem_shared>>
      tpu.wait_dma2 semaphore(%run_scoped3A : memref<!tpu.dma_semaphore, #tpu.memory_space<semaphore_mem>>) src(%dma_wait3A_32 : memref<640x16xf32, #tpu.memory_space<vmem_shared>>) dst(%dma_wait3A_30 : memref<640x16xf32, #tpu.memory_space<hbm>>)
      tpu.yield
    }) : () -> ()
    return
  }
}

#map = affine_map<(d0, d1) -> (0, 0)>
#map1 = affine_map<(d0, d1) -> (0, 0, 0)>
module attributes {stable_mosaic.version = 14 : i64} {
  func.func @_sc_agg(%arg0: i32, %arg1: i32, %arg2: memref<10000x128xf32, #tpu.memory_space<hbm>>, %arg3: memref<1024x1x320xi32, #tpu.memory_space<hbm>>, %arg4: memref<1024x1x320xi32, #tpu.memory_space<hbm>>, %arg5: memref<2x10240x128xf32, #tpu.memory_space<hbm>>, %arg6: memref<10240x128xf32, #tpu.memory_space<vmem_shared>>, %arg7: memref<1x320xi32, #tpu.memory_space<vmem>>, %arg8: memref<1x320xi32, #tpu.memory_space<vmem>>, %arg9: memref<320x128xf32, #tpu.memory_space<vmem>>, %arg10: memref<!tpu.dma_semaphore, #tpu.memory_space<semaphore_mem>>) attributes {dimension_semantics = [#tpu.dimension_semantics<core_parallel>, #tpu.dimension_semantics<subcore_parallel>], iteration_bounds = array<i64: 2, 16>, scalar_prefetch = 0 : i64, scratch_operands = 5 : i64, tpu.core_type = #tpu.core_type<sc_vector_subcore>, window_params = [{transform_indices = #map}, {transform_indices = #map1}, {transform_indices = #map1}, {transform_indices = #map1}]} {
    %mul3A = arith.constant 16 : i32
    %mul3A_0 = arith.muli %arg0, %mul3A : i32
    %add3A = arith.addi %mul3A_0, %arg1 : i32
    %scan3A = arith.constant 0 : i32
    %scan3A_1 = arith.constant 320 : i32
    %scan3A_2 = arith.addi %scan3A, %scan3A_1 : i32
    %scan3A_3 = arith.constant 1 : i32
    scf.for %scan3A_21 = %scan3A to %scan3A_2 step %scan3A_3  : i32 {
      %broadcast_in_dim3A = arith.constant 0.000000e+00 : f32
      %broadcast_in_dim3A_22 = vector.broadcast %broadcast_in_dim3A : f32 to vector<16xf32>
      %swap3A = arith.index_cast %scan3A_21 : i32 to index
      %swap3A_23 = arith.constant 0 : index
      %swap3A_24 = tpu.vector_load %arg9[%swap3A, %swap3A_23] {strides = array<i32>} : memref<320x128xf32, #tpu.memory_space<vmem>>, vector<1x16xf32>,
      %swap3A_25 = vector.shape_cast %swap3A_24 : vector<1x16xf32> to vector<16xf32>
      %swap3A_26 = vector.shape_cast %broadcast_in_dim3A_22 : vector<16xf32> to vector<1x16xf32>
      tpu.vector_store %arg9[%swap3A, %swap3A_23], %swap3A_26 {strides = array<i32>} : memref<320x128xf32, #tpu.memory_space<vmem>>, vector<1x16xf32>,
      %broadcast_in_dim3A_27 = arith.constant 0.000000e+00 : f32
      %broadcast_in_dim3A_28 = vector.broadcast %broadcast_in_dim3A_27 : f32 to vector<16xf32>
      %swap3A_29 = arith.index_cast %scan3A_21 : i32 to index
      %swap3A_30 = arith.constant 16 : index
      %swap3A_31 = tpu.vector_load %arg9[%swap3A_29, %swap3A_30] {strides = array<i32>} : memref<320x128xf32, #tpu.memory_space<vmem>>, vector<1x16xf32>,
      %swap3A_32 = vector.shape_cast %swap3A_31 : vector<1x16xf32> to vector<16xf32>
      %swap3A_33 = vector.shape_cast %broadcast_in_dim3A_28 : vector<16xf32> to vector<1x16xf32>
      tpu.vector_store %arg9[%swap3A_29, %swap3A_30], %swap3A_33 {strides = array<i32>} : memref<320x128xf32, #tpu.memory_space<vmem>>, vector<1x16xf32>,
      %broadcast_in_dim3A_34 = arith.constant 0.000000e+00 : f32
      %broadcast_in_dim3A_35 = vector.broadcast %broadcast_in_dim3A_34 : f32 to vector<16xf32>
      %swap3A_36 = arith.index_cast %scan3A_21 : i32 to index
      %swap3A_37 = arith.constant 32 : index
      %swap3A_38 = tpu.vector_load %arg9[%swap3A_36, %swap3A_37] {strides = array<i32>} : memref<320x128xf32, #tpu.memory_space<vmem>>, vector<1x16xf32>,
      %swap3A_39 = vector.shape_cast %swap3A_38 : vector<1x16xf32> to vector<16xf32>
      %swap3A_40 = vector.shape_cast %broadcast_in_dim3A_35 : vector<16xf32> to vector<1x16xf32>
      tpu.vector_store %arg9[%swap3A_36, %swap3A_37], %swap3A_40 {strides = array<i32>} : memref<320x128xf32, #tpu.memory_space<vmem>>, vector<1x16xf32>,
      %broadcast_in_dim3A_41 = arith.constant 0.000000e+00 : f32
      %broadcast_in_dim3A_42 = vector.broadcast %broadcast_in_dim3A_41 : f32 to vector<16xf32>
      %swap3A_43 = arith.index_cast %scan3A_21 : i32 to index
      %swap3A_44 = arith.constant 48 : index
      %swap3A_45 = tpu.vector_load %arg9[%swap3A_43, %swap3A_44] {strides = array<i32>} : memref<320x128xf32, #tpu.memory_space<vmem>>, vector<1x16xf32>,
      %swap3A_46 = vector.shape_cast %swap3A_45 : vector<1x16xf32> to vector<16xf32>
      %swap3A_47 = vector.shape_cast %broadcast_in_dim3A_42 : vector<16xf32> to vector<1x16xf32>
      tpu.vector_store %arg9[%swap3A_43, %swap3A_44], %swap3A_47 {strides = array<i32>} : memref<320x128xf32, #tpu.memory_space<vmem>>, vector<1x16xf32>,
      %broadcast_in_dim3A_48 = arith.constant 0.000000e+00 : f32
      %broadcast_in_dim3A_49 = vector.broadcast %broadcast_in_dim3A_48 : f32 to vector<16xf32>
      %swap3A_50 = arith.index_cast %scan3A_21 : i32 to index
      %swap3A_51 = arith.constant 64 : index
      %swap3A_52 = tpu.vector_load %arg9[%swap3A_50, %swap3A_51] {strides = array<i32>} : memref<320x128xf32, #tpu.memory_space<vmem>>, vector<1x16xf32>,
      %swap3A_53 = vector.shape_cast %swap3A_52 : vector<1x16xf32> to vector<16xf32>
      %swap3A_54 = vector.shape_cast %broadcast_in_dim3A_49 : vector<16xf32> to vector<1x16xf32>
      tpu.vector_store %arg9[%swap3A_50, %swap3A_51], %swap3A_54 {strides = array<i32>} : memref<320x128xf32, #tpu.memory_space<vmem>>, vector<1x16xf32>,
      %broadcast_in_dim3A_55 = arith.constant 0.000000e+00 : f32
      %broadcast_in_dim3A_56 = vector.broadcast %broadcast_in_dim3A_55 : f32 to vector<16xf32>
      %swap3A_57 = arith.index_cast %scan3A_21 : i32 to index
      %swap3A_58 = arith.constant 80 : index
      %swap3A_59 = tpu.vector_load %arg9[%swap3A_57, %swap3A_58] {strides = array<i32>} : memref<320x128xf32, #tpu.memory_space<vmem>>, vector<1x16xf32>,
      %swap3A_60 = vector.shape_cast %swap3A_59 : vector<1x16xf32> to vector<16xf32>
      %swap3A_61 = vector.shape_cast %broadcast_in_dim3A_56 : vector<16xf32> to vector<1x16xf32>
      tpu.vector_store %arg9[%swap3A_57, %swap3A_58], %swap3A_61 {strides = array<i32>} : memref<320x128xf32, #tpu.memory_space<vmem>>, vector<1x16xf32>,
      %broadcast_in_dim3A_62 = arith.constant 0.000000e+00 : f32
      %broadcast_in_dim3A_63 = vector.broadcast %broadcast_in_dim3A_62 : f32 to vector<16xf32>
      %swap3A_64 = arith.index_cast %scan3A_21 : i32 to index
      %swap3A_65 = arith.constant 96 : index
      %swap3A_66 = tpu.vector_load %arg9[%swap3A_64, %swap3A_65] {strides = array<i32>} : memref<320x128xf32, #tpu.memory_space<vmem>>, vector<1x16xf32>,
      %swap3A_67 = vector.shape_cast %swap3A_66 : vector<1x16xf32> to vector<16xf32>
      %swap3A_68 = vector.shape_cast %broadcast_in_dim3A_63 : vector<16xf32> to vector<1x16xf32>
      tpu.vector_store %arg9[%swap3A_64, %swap3A_65], %swap3A_68 {strides = array<i32>} : memref<320x128xf32, #tpu.memory_space<vmem>>, vector<1x16xf32>,
      %broadcast_in_dim3A_69 = arith.constant 0.000000e+00 : f32
      %broadcast_in_dim3A_70 = vector.broadcast %broadcast_in_dim3A_69 : f32 to vector<16xf32>
      %swap3A_71 = arith.index_cast %scan3A_21 : i32 to index
      %swap3A_72 = arith.constant 112 : index
      %swap3A_73 = tpu.vector_load %arg9[%swap3A_71, %swap3A_72] {strides = array<i32>} : memref<320x128xf32, #tpu.memory_space<vmem>>, vector<1x16xf32>,
      %swap3A_74 = vector.shape_cast %swap3A_73 : vector<1x16xf32> to vector<16xf32>
      %swap3A_75 = vector.shape_cast %broadcast_in_dim3A_70 : vector<16xf32> to vector<1x16xf32>
      tpu.vector_store %arg9[%swap3A_71, %swap3A_72], %swap3A_75 {strides = array<i32>} : memref<320x128xf32, #tpu.memory_space<vmem>>, vector<1x16xf32>,
    }
    %scan3A_4 = arith.constant 320 : i32
    %mul3A_5 = arith.constant 640 : i32
    %mul3A_6 = arith.muli %arg1, %mul3A_5 : i32
    %add3A_7 = arith.constant 0 : i32
    %add3A_8 = arith.addi %mul3A_6, %add3A_7 : i32
    "tpu.region"() ({
      %run_scoped3A = tpu.sem_alloc : memref<!tpu.dma_semaphore, #tpu.memory_space<semaphore_mem>>
      %dma_start3A = arith.constant 0 : i32
      %dma_start3A_21 = tpu.memref_slice %arg6[%add3A_8, %dma_start3A] : memref<10240x128xf32, #tpu.memory_space<vmem_shared>> -> memref<320x128xf32, #tpu.memory_space<vmem_shared>>
      %dma_start3A_22 = arith.constant 0 : i32
      %dma_start3A_23 = tpu.memref_slice %arg6[%add3A_8, %dma_start3A_22] : memref<10240x128xf32, #tpu.memory_space<vmem_shared>> -> memref<320x128xf32, #tpu.memory_space<vmem_shared>>
      tpu.enqueue_dma source(%arg9 : memref<320x128xf32, #tpu.memory_space<vmem>>) target(%dma_start3A_23 : memref<320x128xf32, #tpu.memory_space<vmem_shared>>) target_semaphore(%run_scoped3A : memref<!tpu.dma_semaphore, #tpu.memory_space<semaphore_mem>>)
      %dma_wait3A = arith.constant 0 : i32
      %dma_wait3A_24 = tpu.memref_slice %arg6[%add3A_8, %dma_wait3A] : memref<10240x128xf32, #tpu.memory_space<vmem_shared>> -> memref<320x128xf32, #tpu.memory_space<vmem_shared>>
      %dma_wait3A_25 = arith.constant 0 : i32
      %dma_wait3A_26 = tpu.memref_slice %arg6[%add3A_8, %dma_wait3A_25] : memref<10240x128xf32, #tpu.memory_space<vmem_shared>> -> memref<320x128xf32, #tpu.memory_space<vmem_shared>>
      tpu.wait_dma2 semaphore(%run_scoped3A : memref<!tpu.dma_semaphore, #tpu.memory_space<semaphore_mem>>) src(%arg9 : memref<320x128xf32, #tpu.memory_space<vmem>>) dst(%dma_wait3A_26 : memref<320x128xf32, #tpu.memory_space<vmem_shared>>)
      tpu.yield
    }) : () -> ()
    %add3A_9 = arith.constant 320 : i32
    %add3A_10 = arith.addi %mul3A_6, %add3A_9 : i32
    "tpu.region"() ({
      %run_scoped3A = tpu.sem_alloc : memref<!tpu.dma_semaphore, #tpu.memory_space<semaphore_mem>>
      %dma_start3A = arith.constant 0 : i32
      %dma_start3A_21 = tpu.memref_slice %arg6[%add3A_10, %dma_start3A] : memref<10240x128xf32, #tpu.memory_space<vmem_shared>> -> memref<320x128xf32, #tpu.memory_space<vmem_shared>>
      %dma_start3A_22 = arith.constant 0 : i32
      %dma_start3A_23 = tpu.memref_slice %arg6[%add3A_10, %dma_start3A_22] : memref<10240x128xf32, #tpu.memory_space<vmem_shared>> -> memref<320x128xf32, #tpu.memory_space<vmem_shared>>
      tpu.enqueue_dma source(%arg9 : memref<320x128xf32, #tpu.memory_space<vmem>>) target(%dma_start3A_23 : memref<320x128xf32, #tpu.memory_space<vmem_shared>>) target_semaphore(%run_scoped3A : memref<!tpu.dma_semaphore, #tpu.memory_space<semaphore_mem>>)
      %dma_wait3A = arith.constant 0 : i32
      %dma_wait3A_24 = tpu.memref_slice %arg6[%add3A_10, %dma_wait3A] : memref<10240x128xf32, #tpu.memory_space<vmem_shared>> -> memref<320x128xf32, #tpu.memory_space<vmem_shared>>
      %dma_wait3A_25 = arith.constant 0 : i32
      %dma_wait3A_26 = tpu.memref_slice %arg6[%add3A_10, %dma_wait3A_25] : memref<10240x128xf32, #tpu.memory_space<vmem_shared>> -> memref<320x128xf32, #tpu.memory_space<vmem_shared>>
      tpu.wait_dma2 semaphore(%run_scoped3A : memref<!tpu.dma_semaphore, #tpu.memory_space<semaphore_mem>>) src(%arg9 : memref<320x128xf32, #tpu.memory_space<vmem>>) dst(%dma_wait3A_26 : memref<320x128xf32, #tpu.memory_space<vmem_shared>>)
      tpu.yield
    }) : () -> ()
    %barrier3A = arith.constant 0 : index
    tpu.barrier barrier_id(%barrier3A)
    %scan3A_11 = arith.constant 0 : i32
    %scan3A_12 = arith.constant 32 : i32
    %scan3A_13 = arith.addi %scan3A_11, %scan3A_12 : i32
    %scan3A_14 = arith.constant 1 : i32
    scf.for %scan3A_21 = %scan3A_11 to %scan3A_13 step %scan3A_14  : i32 {
      %mul3A_22 = arith.constant 32 : i32
      %mul3A_23 = arith.muli %add3A, %mul3A_22 : i32
      %add3A_24 = arith.addi %mul3A_23, %scan3A_21 : i32
      "tpu.region"() ({
        %run_scoped3A_37 = tpu.sem_alloc : memref<!tpu.dma_semaphore, #tpu.memory_space<semaphore_mem>>
        %dma_start3A_38 = arith.constant 0 : i32
        %dma_start3A_39 = arith.constant 0 : i32
        %dma_start3A_40 = tpu.memref_slice %arg3[%add3A_24, %dma_start3A_38, %dma_start3A_39] : memref<1024x1x320xi32, #tpu.memory_space<hbm>> -> memref<1x1x320xi32, #tpu.memory_space<hbm>>
        %dma_start3A_41 = tpu.memref_squeeze %dma_start3A_40 : memref<1x1x320xi32, #tpu.memory_space<hbm>> -> memref<1x320xi32, #tpu.memory_space<hbm>>
        %dma_start3A_42 = arith.constant 0 : i32
        %dma_start3A_43 = arith.constant 0 : i32
        %dma_start3A_44 = tpu.memref_slice %arg3[%add3A_24, %dma_start3A_42, %dma_start3A_43] : memref<1024x1x320xi32, #tpu.memory_space<hbm>> -> memref<1x1x320xi32, #tpu.memory_space<hbm>>
        %dma_start3A_45 = tpu.memref_squeeze %dma_start3A_44 : memref<1x1x320xi32, #tpu.memory_space<hbm>> -> memref<1x320xi32, #tpu.memory_space<hbm>>
        tpu.enqueue_dma source(%dma_start3A_45 : memref<1x320xi32, #tpu.memory_space<hbm>>) target(%arg7 : memref<1x320xi32, #tpu.memory_space<vmem>>) target_semaphore(%run_scoped3A_37 : memref<!tpu.dma_semaphore, #tpu.memory_space<semaphore_mem>>)
        %dma_wait3A_46 = arith.constant 0 : i32
        %dma_wait3A_47 = arith.constant 0 : i32
        %dma_wait3A_48 = tpu.memref_slice %arg3[%add3A_24, %dma_wait3A_46, %dma_wait3A_47] : memref<1024x1x320xi32, #tpu.memory_space<hbm>> -> memref<1x1x320xi32, #tpu.memory_space<hbm>>
        %dma_wait3A_49 = tpu.memref_squeeze %dma_wait3A_48 : memref<1x1x320xi32, #tpu.memory_space<hbm>> -> memref<1x320xi32, #tpu.memory_space<hbm>>
        %dma_wait3A_50 = arith.constant 0 : i32
        %dma_wait3A_51 = arith.constant 0 : i32
        %dma_wait3A_52 = tpu.memref_slice %arg3[%add3A_24, %dma_wait3A_50, %dma_wait3A_51] : memref<1024x1x320xi32, #tpu.memory_space<hbm>> -> memref<1x1x320xi32, #tpu.memory_space<hbm>>
        %dma_wait3A_53 = tpu.memref_squeeze %dma_wait3A_52 : memref<1x1x320xi32, #tpu.memory_space<hbm>> -> memref<1x320xi32, #tpu.memory_space<hbm>>
        tpu.wait_dma2 semaphore(%run_scoped3A_37 : memref<!tpu.dma_semaphore, #tpu.memory_space<semaphore_mem>>) src(%dma_wait3A_53 : memref<1x320xi32, #tpu.memory_space<hbm>>) dst(%arg7 : memref<1x320xi32, #tpu.memory_space<vmem>>)
        tpu.yield
      }) : () -> ()
      "tpu.region"() ({
        %run_scoped3A_37 = tpu.sem_alloc : memref<!tpu.dma_semaphore, #tpu.memory_space<semaphore_mem>>
        %dma_start3A_38 = arith.constant 0 : i32
        %dma_start3A_39 = arith.constant 0 : i32
        %dma_start3A_40 = tpu.memref_slice %arg4[%add3A_24, %dma_start3A_38, %dma_start3A_39] : memref<1024x1x320xi32, #tpu.memory_space<hbm>> -> memref<1x1x320xi32, #tpu.memory_space<hbm>>
        %dma_start3A_41 = tpu.memref_squeeze %dma_start3A_40 : memref<1x1x320xi32, #tpu.memory_space<hbm>> -> memref<1x320xi32, #tpu.memory_space<hbm>>
        %dma_start3A_42 = arith.constant 0 : i32
        %dma_start3A_43 = arith.constant 0 : i32
        %dma_start3A_44 = tpu.memref_slice %arg4[%add3A_24, %dma_start3A_42, %dma_start3A_43] : memref<1024x1x320xi32, #tpu.memory_space<hbm>> -> memref<1x1x320xi32, #tpu.memory_space<hbm>>
        %dma_start3A_45 = tpu.memref_squeeze %dma_start3A_44 : memref<1x1x320xi32, #tpu.memory_space<hbm>> -> memref<1x320xi32, #tpu.memory_space<hbm>>
        tpu.enqueue_dma source(%dma_start3A_45 : memref<1x320xi32, #tpu.memory_space<hbm>>) target(%arg8 : memref<1x320xi32, #tpu.memory_space<vmem>>) target_semaphore(%run_scoped3A_37 : memref<!tpu.dma_semaphore, #tpu.memory_space<semaphore_mem>>)
        %dma_wait3A_46 = arith.constant 0 : i32
        %dma_wait3A_47 = arith.constant 0 : i32
        %dma_wait3A_48 = tpu.memref_slice %arg4[%add3A_24, %dma_wait3A_46, %dma_wait3A_47] : memref<1024x1x320xi32, #tpu.memory_space<hbm>> -> memref<1x1x320xi32, #tpu.memory_space<hbm>>
        %dma_wait3A_49 = tpu.memref_squeeze %dma_wait3A_48 : memref<1x1x320xi32, #tpu.memory_space<hbm>> -> memref<1x320xi32, #tpu.memory_space<hbm>>
        %dma_wait3A_50 = arith.constant 0 : i32
        %dma_wait3A_51 = arith.constant 0 : i32
        %dma_wait3A_52 = tpu.memref_slice %arg4[%add3A_24, %dma_wait3A_50, %dma_wait3A_51] : memref<1024x1x320xi32, #tpu.memory_space<hbm>> -> memref<1x1x320xi32, #tpu.memory_space<hbm>>
        %dma_wait3A_53 = tpu.memref_squeeze %dma_wait3A_52 : memref<1x1x320xi32, #tpu.memory_space<hbm>> -> memref<1x320xi32, #tpu.memory_space<hbm>>
        tpu.wait_dma2 semaphore(%run_scoped3A_37 : memref<!tpu.dma_semaphore, #tpu.memory_space<semaphore_mem>>) src(%dma_wait3A_53 : memref<1x320xi32, #tpu.memory_space<hbm>>) dst(%arg8 : memref<1x320xi32, #tpu.memory_space<vmem>>)
        tpu.yield
      }) : () -> ()
      %dma_start3A = arith.constant 0 : i32
      %dma_start3A_25 = arith.constant 0 : i32
      %dma_start3A_26 = tpu.memref_slice %arg7[%dma_start3A, %dma_start3A_25] : memref<1x320xi32, #tpu.memory_space<vmem>> -> memref<1x320xi32, #tpu.memory_space<vmem>>
      %dma_start3A_27 = tpu.memref_squeeze %dma_start3A_26 : memref<1x320xi32, #tpu.memory_space<vmem>> -> memref<320xi32, #tpu.memory_space<vmem>>
      %dma_start3A_28 = arith.constant 0 : i32
      %dma_start3A_29 = arith.constant 0 : i32
      %dma_start3A_30 = tpu.memref_slice %arg2[%dma_start3A_28, %dma_start3A_29] : memref<10000x128xf32, #tpu.memory_space<hbm>> -> memref<10000x128xf32, #tpu.memory_space<hbm>>
      tpu.enqueue_indirect_dma source(%dma_start3A_30 : memref<10000x128xf32, #tpu.memory_space<hbm>>) target(%arg9 : memref<320x128xf32, #tpu.memory_space<vmem>>) offsets(%dma_start3A_27 : memref<320xi32, #tpu.memory_space<vmem>>) semaphore(%arg10 : memref<!tpu.dma_semaphore, #tpu.memory_space<semaphore_mem>>)
      %dma_wait3A = arith.constant 0 : i32
      %dma_wait3A_31 = arith.constant 0 : i32
      %dma_wait3A_32 = tpu.memref_slice %arg7[%dma_wait3A, %dma_wait3A_31] : memref<1x320xi32, #tpu.memory_space<vmem>> -> memref<1x320xi32, #tpu.memory_space<vmem>>
      %dma_wait3A_33 = tpu.memref_squeeze %dma_wait3A_32 : memref<1x320xi32, #tpu.memory_space<vmem>> -> memref<320xi32, #tpu.memory_space<vmem>>
      %dma_wait3A_34 = arith.constant 0 : i32
      %dma_wait3A_35 = arith.constant 0 : i32
      %dma_wait3A_36 = tpu.memref_slice %arg2[%dma_wait3A_34, %dma_wait3A_35] : memref<10000x128xf32, #tpu.memory_space<hbm>> -> memref<10000x128xf32, #tpu.memory_space<hbm>>
      tpu.wait_indirect_dma semaphore(%arg10 : memref<!tpu.dma_semaphore, #tpu.memory_space<semaphore_mem>>) src(%dma_wait3A_36 : memref<10000x128xf32, #tpu.memory_space<hbm>>) dst(%arg9 : memref<320x128xf32, #tpu.memory_space<vmem>>)
      %run_scoped3A = arith.constant 0 : i32
      "tpu.region"() ({
        %run_scoped3A_37 = tpu.sem_alloc : memref<!tpu.dma_semaphore, #tpu.memory_space<semaphore_mem>>
        %dma_start3A_38 = arith.constant 0 : i32
        %dma_start3A_39 = tpu.memref_slice %arg8[%run_scoped3A, %dma_start3A_38] : memref<1x320xi32, #tpu.memory_space<vmem>> -> memref<1x320xi32, #tpu.memory_space<vmem>>
        %dma_start3A_40 = tpu.memref_squeeze %dma_start3A_39 : memref<1x320xi32, #tpu.memory_space<vmem>> -> memref<320xi32, #tpu.memory_space<vmem>>
        %dma_start3A_41 = arith.constant 0 : i32
        %dma_start3A_42 = arith.constant 0 : i32
        %dma_start3A_43 = tpu.memref_slice %arg6[%dma_start3A_41, %dma_start3A_42] : memref<10240x128xf32, #tpu.memory_space<vmem_shared>> -> memref<10240x128xf32, #tpu.memory_space<vmem_shared>>
        tpu.enqueue_indirect_dma source(%arg9 : memref<320x128xf32, #tpu.memory_space<vmem>>) target(%dma_start3A_43 : memref<10240x128xf32, #tpu.memory_space<vmem_shared>>) offsets(%dma_start3A_40 : memref<320xi32, #tpu.memory_space<vmem>>) semaphore(%run_scoped3A_37 : memref<!tpu.dma_semaphore, #tpu.memory_space<semaphore_mem>>) {add = true}
        %dma_wait3A_44 = arith.constant 0 : i32
        %dma_wait3A_45 = tpu.memref_slice %arg8[%run_scoped3A, %dma_wait3A_44] : memref<1x320xi32, #tpu.memory_space<vmem>> -> memref<1x320xi32, #tpu.memory_space<vmem>>
        %dma_wait3A_46 = tpu.memref_squeeze %dma_wait3A_45 : memref<1x320xi32, #tpu.memory_space<vmem>> -> memref<320xi32, #tpu.memory_space<vmem>>
        %dma_wait3A_47 = arith.constant 0 : i32
        %dma_wait3A_48 = arith.constant 0 : i32
        %dma_wait3A_49 = tpu.memref_slice %arg6[%dma_wait3A_47, %dma_wait3A_48] : memref<10240x128xf32, #tpu.memory_space<vmem_shared>> -> memref<10240x128xf32, #tpu.memory_space<vmem_shared>>
        tpu.wait_indirect_dma semaphore(%run_scoped3A_37 : memref<!tpu.dma_semaphore, #tpu.memory_space<semaphore_mem>>) src(%arg9 : memref<320x128xf32, #tpu.memory_space<vmem>>) dst(%dma_wait3A_49 : memref<10240x128xf32, #tpu.memory_space<vmem_shared>>)
        tpu.yield
      }) : () -> ()
    }
    %scan3A_15 = arith.constant 32 : i32
    %barrier3A_16 = arith.constant 0 : index
    tpu.barrier barrier_id(%barrier3A_16)
    %mul3A_17 = arith.constant 640 : i32
    %mul3A_18 = arith.muli %arg1, %mul3A_17 : i32
    %mul3A_19 = arith.constant 640 : i32
    %mul3A_20 = arith.muli %arg1, %mul3A_19 : i32
    "tpu.region"() ({
      %run_scoped3A = tpu.sem_alloc : memref<!tpu.dma_semaphore, #tpu.memory_space<semaphore_mem>>
      %dma_start3A = arith.constant 0 : i32
      %dma_start3A_21 = tpu.memref_slice %arg5[%arg0, %mul3A_20, %dma_start3A] : memref<2x10240x128xf32, #tpu.memory_space<hbm>> -> memref<1x640x128xf32, #tpu.memory_space<hbm>>
      %dma_start3A_22 = tpu.memref_squeeze %dma_start3A_21 : memref<1x640x128xf32, #tpu.memory_space<hbm>> -> memref<640x128xf32, #tpu.memory_space<hbm>>
      %dma_start3A_23 = arith.constant 0 : i32
      %dma_start3A_24 = tpu.memref_slice %arg6[%mul3A_18, %dma_start3A_23] : memref<10240x128xf32, #tpu.memory_space<vmem_shared>> -> memref<640x128xf32, #tpu.memory_space<vmem_shared>>
      tpu.enqueue_dma source(%dma_start3A_24 : memref<640x128xf32, #tpu.memory_space<vmem_shared>>) target(%dma_start3A_22 : memref<640x128xf32, #tpu.memory_space<hbm>>) target_semaphore(%run_scoped3A : memref<!tpu.dma_semaphore, #tpu.memory_space<semaphore_mem>>)
      %dma_wait3A = arith.constant 0 : i32
      %dma_wait3A_25 = tpu.memref_slice %arg5[%arg0, %mul3A_20, %dma_wait3A] : memref<2x10240x128xf32, #tpu.memory_space<hbm>> -> memref<1x640x128xf32, #tpu.memory_space<hbm>>
      %dma_wait3A_26 = tpu.memref_squeeze %dma_wait3A_25 : memref<1x640x128xf32, #tpu.memory_space<hbm>> -> memref<640x128xf32, #tpu.memory_space<hbm>>
      %dma_wait3A_27 = arith.constant 0 : i32
      %dma_wait3A_28 = tpu.memref_slice %arg6[%mul3A_18, %dma_wait3A_27] : memref<10240x128xf32, #tpu.memory_space<vmem_shared>> -> memref<640x128xf32, #tpu.memory_space<vmem_shared>>
      tpu.wait_dma2 semaphore(%run_scoped3A : memref<!tpu.dma_semaphore, #tpu.memory_space<semaphore_mem>>) src(%dma_wait3A_28 : memref<640x128xf32, #tpu.memory_space<vmem_shared>>) dst(%dma_wait3A_26 : memref<640x128xf32, #tpu.memory_space<hbm>>)
      tpu.yield
    }) : () -> ()
    return
  }
}

#map = affine_map<(d0, d1) -> (0, 0)>
#map1 = affine_map<(d0, d1) -> (0, 0, 0)>
module attributes {stable_mosaic.version = 14 : i64} {
  func.func @_sc_agg(%arg0: i32, %arg1: i32, %arg2: memref<10000x128xf32, #tpu.memory_space<hbm>>, %arg3: memref<1024x1x320xi32, #tpu.memory_space<hbm>>, %arg4: memref<1024x1x320xi32, #tpu.memory_space<hbm>>, %arg5: memref<2x10240x128xf32, #tpu.memory_space<hbm>>, %arg6: memref<10240x128xf32, #tpu.memory_space<vmem_shared>>, %arg7: memref<1x320xi32, #tpu.memory_space<vmem>>, %arg8: memref<1x320xi32, #tpu.memory_space<vmem>>, %arg9: memref<320x128xf32, #tpu.memory_space<vmem>>, %arg10: memref<!tpu.dma_semaphore, #tpu.memory_space<semaphore_mem>>) attributes {dimension_semantics = [#tpu.dimension_semantics<core_parallel>, #tpu.dimension_semantics<subcore_parallel>], iteration_bounds = array<i64: 2, 16>, scalar_prefetch = 0 : i64, scratch_operands = 5 : i64, tpu.core_type = #tpu.core_type<sc_vector_subcore>, window_params = [{transform_indices = #map}, {transform_indices = #map1}, {transform_indices = #map1}, {transform_indices = #map1}]} {
    %mul3A = arith.constant 16 : i32
    %mul3A_0 = arith.muli %arg0, %mul3A : i32
    %add3A = arith.addi %mul3A_0, %arg1 : i32
    %scan3A = arith.constant 0 : i32
    %scan3A_1 = arith.constant 320 : i32
    %scan3A_2 = arith.addi %scan3A, %scan3A_1 : i32
    %scan3A_3 = arith.constant 1 : i32
    scf.for %scan3A_21 = %scan3A to %scan3A_2 step %scan3A_3  : i32 {
      %broadcast_in_dim3A = arith.constant 0.000000e+00 : f32
      %broadcast_in_dim3A_22 = vector.broadcast %broadcast_in_dim3A : f32 to vector<16xf32>
      %swap3A = arith.index_cast %scan3A_21 : i32 to index
      %swap3A_23 = arith.constant 0 : index
      %swap3A_24 = tpu.vector_load %arg9[%swap3A, %swap3A_23] {strides = array<i32>} : memref<320x128xf32, #tpu.memory_space<vmem>>, vector<1x16xf32>,
      %swap3A_25 = vector.shape_cast %swap3A_24 : vector<1x16xf32> to vector<16xf32>
      %swap3A_26 = vector.shape_cast %broadcast_in_dim3A_22 : vector<16xf32> to vector<1x16xf32>
      tpu.vector_store %arg9[%swap3A, %swap3A_23], %swap3A_26 {strides = array<i32>} : memref<320x128xf32, #tpu.memory_space<vmem>>, vector<1x16xf32>,
      %broadcast_in_dim3A_27 = arith.constant 0.000000e+00 : f32
      %broadcast_in_dim3A_28 = vector.broadcast %broadcast_in_dim3A_27 : f32 to vector<16xf32>
      %swap3A_29 = arith.index_cast %scan3A_21 : i32 to index
      %swap3A_30 = arith.constant 16 : index
      %swap3A_31 = tpu.vector_load %arg9[%swap3A_29, %swap3A_30] {strides = array<i32>} : memref<320x128xf32, #tpu.memory_space<vmem>>, vector<1x16xf32>,
      %swap3A_32 = vector.shape_cast %swap3A_31 : vector<1x16xf32> to vector<16xf32>
      %swap3A_33 = vector.shape_cast %broadcast_in_dim3A_28 : vector<16xf32> to vector<1x16xf32>
      tpu.vector_store %arg9[%swap3A_29, %swap3A_30], %swap3A_33 {strides = array<i32>} : memref<320x128xf32, #tpu.memory_space<vmem>>, vector<1x16xf32>,
      %broadcast_in_dim3A_34 = arith.constant 0.000000e+00 : f32
      %broadcast_in_dim3A_35 = vector.broadcast %broadcast_in_dim3A_34 : f32 to vector<16xf32>
      %swap3A_36 = arith.index_cast %scan3A_21 : i32 to index
      %swap3A_37 = arith.constant 32 : index
      %swap3A_38 = tpu.vector_load %arg9[%swap3A_36, %swap3A_37] {strides = array<i32>} : memref<320x128xf32, #tpu.memory_space<vmem>>, vector<1x16xf32>,
      %swap3A_39 = vector.shape_cast %swap3A_38 : vector<1x16xf32> to vector<16xf32>
      %swap3A_40 = vector.shape_cast %broadcast_in_dim3A_35 : vector<16xf32> to vector<1x16xf32>
      tpu.vector_store %arg9[%swap3A_36, %swap3A_37], %swap3A_40 {strides = array<i32>} : memref<320x128xf32, #tpu.memory_space<vmem>>, vector<1x16xf32>,
      %broadcast_in_dim3A_41 = arith.constant 0.000000e+00 : f32
      %broadcast_in_dim3A_42 = vector.broadcast %broadcast_in_dim3A_41 : f32 to vector<16xf32>
      %swap3A_43 = arith.index_cast %scan3A_21 : i32 to index
      %swap3A_44 = arith.constant 48 : index
      %swap3A_45 = tpu.vector_load %arg9[%swap3A_43, %swap3A_44] {strides = array<i32>} : memref<320x128xf32, #tpu.memory_space<vmem>>, vector<1x16xf32>,
      %swap3A_46 = vector.shape_cast %swap3A_45 : vector<1x16xf32> to vector<16xf32>
      %swap3A_47 = vector.shape_cast %broadcast_in_dim3A_42 : vector<16xf32> to vector<1x16xf32>
      tpu.vector_store %arg9[%swap3A_43, %swap3A_44], %swap3A_47 {strides = array<i32>} : memref<320x128xf32, #tpu.memory_space<vmem>>, vector<1x16xf32>,
      %broadcast_in_dim3A_48 = arith.constant 0.000000e+00 : f32
      %broadcast_in_dim3A_49 = vector.broadcast %broadcast_in_dim3A_48 : f32 to vector<16xf32>
      %swap3A_50 = arith.index_cast %scan3A_21 : i32 to index
      %swap3A_51 = arith.constant 64 : index
      %swap3A_52 = tpu.vector_load %arg9[%swap3A_50, %swap3A_51] {strides = array<i32>} : memref<320x128xf32, #tpu.memory_space<vmem>>, vector<1x16xf32>,
      %swap3A_53 = vector.shape_cast %swap3A_52 : vector<1x16xf32> to vector<16xf32>
      %swap3A_54 = vector.shape_cast %broadcast_in_dim3A_49 : vector<16xf32> to vector<1x16xf32>
      tpu.vector_store %arg9[%swap3A_50, %swap3A_51], %swap3A_54 {strides = array<i32>} : memref<320x128xf32, #tpu.memory_space<vmem>>, vector<1x16xf32>,
      %broadcast_in_dim3A_55 = arith.constant 0.000000e+00 : f32
      %broadcast_in_dim3A_56 = vector.broadcast %broadcast_in_dim3A_55 : f32 to vector<16xf32>
      %swap3A_57 = arith.index_cast %scan3A_21 : i32 to index
      %swap3A_58 = arith.constant 80 : index
      %swap3A_59 = tpu.vector_load %arg9[%swap3A_57, %swap3A_58] {strides = array<i32>} : memref<320x128xf32, #tpu.memory_space<vmem>>, vector<1x16xf32>,
      %swap3A_60 = vector.shape_cast %swap3A_59 : vector<1x16xf32> to vector<16xf32>
      %swap3A_61 = vector.shape_cast %broadcast_in_dim3A_56 : vector<16xf32> to vector<1x16xf32>
      tpu.vector_store %arg9[%swap3A_57, %swap3A_58], %swap3A_61 {strides = array<i32>} : memref<320x128xf32, #tpu.memory_space<vmem>>, vector<1x16xf32>,
      %broadcast_in_dim3A_62 = arith.constant 0.000000e+00 : f32
      %broadcast_in_dim3A_63 = vector.broadcast %broadcast_in_dim3A_62 : f32 to vector<16xf32>
      %swap3A_64 = arith.index_cast %scan3A_21 : i32 to index
      %swap3A_65 = arith.constant 96 : index
      %swap3A_66 = tpu.vector_load %arg9[%swap3A_64, %swap3A_65] {strides = array<i32>} : memref<320x128xf32, #tpu.memory_space<vmem>>, vector<1x16xf32>,
      %swap3A_67 = vector.shape_cast %swap3A_66 : vector<1x16xf32> to vector<16xf32>
      %swap3A_68 = vector.shape_cast %broadcast_in_dim3A_63 : vector<16xf32> to vector<1x16xf32>
      tpu.vector_store %arg9[%swap3A_64, %swap3A_65], %swap3A_68 {strides = array<i32>} : memref<320x128xf32, #tpu.memory_space<vmem>>, vector<1x16xf32>,
      %broadcast_in_dim3A_69 = arith.constant 0.000000e+00 : f32
      %broadcast_in_dim3A_70 = vector.broadcast %broadcast_in_dim3A_69 : f32 to vector<16xf32>
      %swap3A_71 = arith.index_cast %scan3A_21 : i32 to index
      %swap3A_72 = arith.constant 112 : index
      %swap3A_73 = tpu.vector_load %arg9[%swap3A_71, %swap3A_72] {strides = array<i32>} : memref<320x128xf32, #tpu.memory_space<vmem>>, vector<1x16xf32>,
      %swap3A_74 = vector.shape_cast %swap3A_73 : vector<1x16xf32> to vector<16xf32>
      %swap3A_75 = vector.shape_cast %broadcast_in_dim3A_70 : vector<16xf32> to vector<1x16xf32>
      tpu.vector_store %arg9[%swap3A_71, %swap3A_72], %swap3A_75 {strides = array<i32>} : memref<320x128xf32, #tpu.memory_space<vmem>>, vector<1x16xf32>,
    }
    %scan3A_4 = arith.constant 320 : i32
    %mul3A_5 = arith.constant 640 : i32
    %mul3A_6 = arith.muli %arg1, %mul3A_5 : i32
    %add3A_7 = arith.constant 0 : i32
    %add3A_8 = arith.addi %mul3A_6, %add3A_7 : i32
    "tpu.region"() ({
      %run_scoped3A = tpu.sem_alloc : memref<!tpu.dma_semaphore, #tpu.memory_space<semaphore_mem>>
      %dma_start3A = arith.constant 0 : i32
      %dma_start3A_21 = tpu.memref_slice %arg6[%add3A_8, %dma_start3A] : memref<10240x128xf32, #tpu.memory_space<vmem_shared>> -> memref<320x128xf32, #tpu.memory_space<vmem_shared>>
      %dma_start3A_22 = arith.constant 0 : i32
      %dma_start3A_23 = tpu.memref_slice %arg6[%add3A_8, %dma_start3A_22] : memref<10240x128xf32, #tpu.memory_space<vmem_shared>> -> memref<320x128xf32, #tpu.memory_space<vmem_shared>>
      tpu.enqueue_dma source(%arg9 : memref<320x128xf32, #tpu.memory_space<vmem>>) target(%dma_start3A_23 : memref<320x128xf32, #tpu.memory_space<vmem_shared>>) target_semaphore(%run_scoped3A : memref<!tpu.dma_semaphore, #tpu.memory_space<semaphore_mem>>)
      %dma_wait3A = arith.constant 0 : i32
      %dma_wait3A_24 = tpu.memref_slice %arg6[%add3A_8, %dma_wait3A] : memref<10240x128xf32, #tpu.memory_space<vmem_shared>> -> memref<320x128xf32, #tpu.memory_space<vmem_shared>>
      %dma_wait3A_25 = arith.constant 0 : i32
      %dma_wait3A_26 = tpu.memref_slice %arg6[%add3A_8, %dma_wait3A_25] : memref<10240x128xf32, #tpu.memory_space<vmem_shared>> -> memref<320x128xf32, #tpu.memory_space<vmem_shared>>
      tpu.wait_dma2 semaphore(%run_scoped3A : memref<!tpu.dma_semaphore, #tpu.memory_space<semaphore_mem>>) src(%arg9 : memref<320x128xf32, #tpu.memory_space<vmem>>) dst(%dma_wait3A_26 : memref<320x128xf32, #tpu.memory_space<vmem_shared>>)
      tpu.yield
    }) : () -> ()
    %add3A_9 = arith.constant 320 : i32
    %add3A_10 = arith.addi %mul3A_6, %add3A_9 : i32
    "tpu.region"() ({
      %run_scoped3A = tpu.sem_alloc : memref<!tpu.dma_semaphore, #tpu.memory_space<semaphore_mem>>
      %dma_start3A = arith.constant 0 : i32
      %dma_start3A_21 = tpu.memref_slice %arg6[%add3A_10, %dma_start3A] : memref<10240x128xf32, #tpu.memory_space<vmem_shared>> -> memref<320x128xf32, #tpu.memory_space<vmem_shared>>
      %dma_start3A_22 = arith.constant 0 : i32
      %dma_start3A_23 = tpu.memref_slice %arg6[%add3A_10, %dma_start3A_22] : memref<10240x128xf32, #tpu.memory_space<vmem_shared>> -> memref<320x128xf32, #tpu.memory_space<vmem_shared>>
      tpu.enqueue_dma source(%arg9 : memref<320x128xf32, #tpu.memory_space<vmem>>) target(%dma_start3A_23 : memref<320x128xf32, #tpu.memory_space<vmem_shared>>) target_semaphore(%run_scoped3A : memref<!tpu.dma_semaphore, #tpu.memory_space<semaphore_mem>>)
      %dma_wait3A = arith.constant 0 : i32
      %dma_wait3A_24 = tpu.memref_slice %arg6[%add3A_10, %dma_wait3A] : memref<10240x128xf32, #tpu.memory_space<vmem_shared>> -> memref<320x128xf32, #tpu.memory_space<vmem_shared>>
      %dma_wait3A_25 = arith.constant 0 : i32
      %dma_wait3A_26 = tpu.memref_slice %arg6[%add3A_10, %dma_wait3A_25] : memref<10240x128xf32, #tpu.memory_space<vmem_shared>> -> memref<320x128xf32, #tpu.memory_space<vmem_shared>>
      tpu.wait_dma2 semaphore(%run_scoped3A : memref<!tpu.dma_semaphore, #tpu.memory_space<semaphore_mem>>) src(%arg9 : memref<320x128xf32, #tpu.memory_space<vmem>>) dst(%dma_wait3A_26 : memref<320x128xf32, #tpu.memory_space<vmem_shared>>)
      tpu.yield
    }) : () -> ()
    %barrier3A = arith.constant 0 : index
    tpu.barrier barrier_id(%barrier3A)
    %scan3A_11 = arith.constant 0 : i32
    %scan3A_12 = arith.constant 32 : i32
    %scan3A_13 = arith.addi %scan3A_11, %scan3A_12 : i32
    %scan3A_14 = arith.constant 1 : i32
    scf.for %scan3A_21 = %scan3A_11 to %scan3A_13 step %scan3A_14  : i32 {
      %mul3A_22 = arith.constant 32 : i32
      %mul3A_23 = arith.muli %add3A, %mul3A_22 : i32
      %add3A_24 = arith.addi %mul3A_23, %scan3A_21 : i32
      "tpu.region"() ({
        %run_scoped3A_37 = tpu.sem_alloc : memref<!tpu.dma_semaphore, #tpu.memory_space<semaphore_mem>>
        %dma_start3A_38 = arith.constant 0 : i32
        %dma_start3A_39 = arith.constant 0 : i32
        %dma_start3A_40 = tpu.memref_slice %arg3[%add3A_24, %dma_start3A_38, %dma_start3A_39] : memref<1024x1x320xi32, #tpu.memory_space<hbm>> -> memref<1x1x320xi32, #tpu.memory_space<hbm>>
        %dma_start3A_41 = tpu.memref_squeeze %dma_start3A_40 : memref<1x1x320xi32, #tpu.memory_space<hbm>> -> memref<1x320xi32, #tpu.memory_space<hbm>>
        %dma_start3A_42 = arith.constant 0 : i32
        %dma_start3A_43 = arith.constant 0 : i32
        %dma_start3A_44 = tpu.memref_slice %arg3[%add3A_24, %dma_start3A_42, %dma_start3A_43] : memref<1024x1x320xi32, #tpu.memory_space<hbm>> -> memref<1x1x320xi32, #tpu.memory_space<hbm>>
        %dma_start3A_45 = tpu.memref_squeeze %dma_start3A_44 : memref<1x1x320xi32, #tpu.memory_space<hbm>> -> memref<1x320xi32, #tpu.memory_space<hbm>>
        tpu.enqueue_dma source(%dma_start3A_45 : memref<1x320xi32, #tpu.memory_space<hbm>>) target(%arg7 : memref<1x320xi32, #tpu.memory_space<vmem>>) target_semaphore(%run_scoped3A_37 : memref<!tpu.dma_semaphore, #tpu.memory_space<semaphore_mem>>)
        %dma_wait3A_46 = arith.constant 0 : i32
        %dma_wait3A_47 = arith.constant 0 : i32
        %dma_wait3A_48 = tpu.memref_slice %arg3[%add3A_24, %dma_wait3A_46, %dma_wait3A_47] : memref<1024x1x320xi32, #tpu.memory_space<hbm>> -> memref<1x1x320xi32, #tpu.memory_space<hbm>>
        %dma_wait3A_49 = tpu.memref_squeeze %dma_wait3A_48 : memref<1x1x320xi32, #tpu.memory_space<hbm>> -> memref<1x320xi32, #tpu.memory_space<hbm>>
        %dma_wait3A_50 = arith.constant 0 : i32
        %dma_wait3A_51 = arith.constant 0 : i32
        %dma_wait3A_52 = tpu.memref_slice %arg3[%add3A_24, %dma_wait3A_50, %dma_wait3A_51] : memref<1024x1x320xi32, #tpu.memory_space<hbm>> -> memref<1x1x320xi32, #tpu.memory_space<hbm>>
        %dma_wait3A_53 = tpu.memref_squeeze %dma_wait3A_52 : memref<1x1x320xi32, #tpu.memory_space<hbm>> -> memref<1x320xi32, #tpu.memory_space<hbm>>
        tpu.wait_dma2 semaphore(%run_scoped3A_37 : memref<!tpu.dma_semaphore, #tpu.memory_space<semaphore_mem>>) src(%dma_wait3A_53 : memref<1x320xi32, #tpu.memory_space<hbm>>) dst(%arg7 : memref<1x320xi32, #tpu.memory_space<vmem>>)
        tpu.yield
      }) : () -> ()
      "tpu.region"() ({
        %run_scoped3A_37 = tpu.sem_alloc : memref<!tpu.dma_semaphore, #tpu.memory_space<semaphore_mem>>
        %dma_start3A_38 = arith.constant 0 : i32
        %dma_start3A_39 = arith.constant 0 : i32
        %dma_start3A_40 = tpu.memref_slice %arg4[%add3A_24, %dma_start3A_38, %dma_start3A_39] : memref<1024x1x320xi32, #tpu.memory_space<hbm>> -> memref<1x1x320xi32, #tpu.memory_space<hbm>>
        %dma_start3A_41 = tpu.memref_squeeze %dma_start3A_40 : memref<1x1x320xi32, #tpu.memory_space<hbm>> -> memref<1x320xi32, #tpu.memory_space<hbm>>
        %dma_start3A_42 = arith.constant 0 : i32
        %dma_start3A_43 = arith.constant 0 : i32
        %dma_start3A_44 = tpu.memref_slice %arg4[%add3A_24, %dma_start3A_42, %dma_start3A_43] : memref<1024x1x320xi32, #tpu.memory_space<hbm>> -> memref<1x1x320xi32, #tpu.memory_space<hbm>>
        %dma_start3A_45 = tpu.memref_squeeze %dma_start3A_44 : memref<1x1x320xi32, #tpu.memory_space<hbm>> -> memref<1x320xi32, #tpu.memory_space<hbm>>
        tpu.enqueue_dma source(%dma_start3A_45 : memref<1x320xi32, #tpu.memory_space<hbm>>) target(%arg8 : memref<1x320xi32, #tpu.memory_space<vmem>>) target_semaphore(%run_scoped3A_37 : memref<!tpu.dma_semaphore, #tpu.memory_space<semaphore_mem>>)
        %dma_wait3A_46 = arith.constant 0 : i32
        %dma_wait3A_47 = arith.constant 0 : i32
        %dma_wait3A_48 = tpu.memref_slice %arg4[%add3A_24, %dma_wait3A_46, %dma_wait3A_47] : memref<1024x1x320xi32, #tpu.memory_space<hbm>> -> memref<1x1x320xi32, #tpu.memory_space<hbm>>
        %dma_wait3A_49 = tpu.memref_squeeze %dma_wait3A_48 : memref<1x1x320xi32, #tpu.memory_space<hbm>> -> memref<1x320xi32, #tpu.memory_space<hbm>>
        %dma_wait3A_50 = arith.constant 0 : i32
        %dma_wait3A_51 = arith.constant 0 : i32
        %dma_wait3A_52 = tpu.memref_slice %arg4[%add3A_24, %dma_wait3A_50, %dma_wait3A_51] : memref<1024x1x320xi32, #tpu.memory_space<hbm>> -> memref<1x1x320xi32, #tpu.memory_space<hbm>>
        %dma_wait3A_53 = tpu.memref_squeeze %dma_wait3A_52 : memref<1x1x320xi32, #tpu.memory_space<hbm>> -> memref<1x320xi32, #tpu.memory_space<hbm>>
        tpu.wait_dma2 semaphore(%run_scoped3A_37 : memref<!tpu.dma_semaphore, #tpu.memory_space<semaphore_mem>>) src(%dma_wait3A_53 : memref<1x320xi32, #tpu.memory_space<hbm>>) dst(%arg8 : memref<1x320xi32, #tpu.memory_space<vmem>>)
        tpu.yield
      }) : () -> ()
      %dma_start3A = arith.constant 0 : i32
      %dma_start3A_25 = arith.constant 0 : i32
      %dma_start3A_26 = tpu.memref_slice %arg7[%dma_start3A, %dma_start3A_25] : memref<1x320xi32, #tpu.memory_space<vmem>> -> memref<1x320xi32, #tpu.memory_space<vmem>>
      %dma_start3A_27 = tpu.memref_squeeze %dma_start3A_26 : memref<1x320xi32, #tpu.memory_space<vmem>> -> memref<320xi32, #tpu.memory_space<vmem>>
      %dma_start3A_28 = arith.constant 0 : i32
      %dma_start3A_29 = arith.constant 0 : i32
      %dma_start3A_30 = tpu.memref_slice %arg2[%dma_start3A_28, %dma_start3A_29] : memref<10000x128xf32, #tpu.memory_space<hbm>> -> memref<10000x128xf32, #tpu.memory_space<hbm>>
      tpu.enqueue_indirect_dma source(%dma_start3A_30 : memref<10000x128xf32, #tpu.memory_space<hbm>>) target(%arg9 : memref<320x128xf32, #tpu.memory_space<vmem>>) offsets(%dma_start3A_27 : memref<320xi32, #tpu.memory_space<vmem>>) semaphore(%arg10 : memref<!tpu.dma_semaphore, #tpu.memory_space<semaphore_mem>>)
      %dma_wait3A = arith.constant 0 : i32
      %dma_wait3A_31 = arith.constant 0 : i32
      %dma_wait3A_32 = tpu.memref_slice %arg7[%dma_wait3A, %dma_wait3A_31] : memref<1x320xi32, #tpu.memory_space<vmem>> -> memref<1x320xi32, #tpu.memory_space<vmem>>
      %dma_wait3A_33 = tpu.memref_squeeze %dma_wait3A_32 : memref<1x320xi32, #tpu.memory_space<vmem>> -> memref<320xi32, #tpu.memory_space<vmem>>
      %dma_wait3A_34 = arith.constant 0 : i32
      %dma_wait3A_35 = arith.constant 0 : i32
      %dma_wait3A_36 = tpu.memref_slice %arg2[%dma_wait3A_34, %dma_wait3A_35] : memref<10000x128xf32, #tpu.memory_space<hbm>> -> memref<10000x128xf32, #tpu.memory_space<hbm>>
      tpu.wait_indirect_dma semaphore(%arg10 : memref<!tpu.dma_semaphore, #tpu.memory_space<semaphore_mem>>) src(%dma_wait3A_36 : memref<10000x128xf32, #tpu.memory_space<hbm>>) dst(%arg9 : memref<320x128xf32, #tpu.memory_space<vmem>>)
      %run_scoped3A = arith.constant 0 : i32
      "tpu.region"() ({
        %run_scoped3A_37 = tpu.sem_alloc : memref<!tpu.dma_semaphore, #tpu.memory_space<semaphore_mem>>
        %dma_start3A_38 = arith.constant 0 : i32
        %dma_start3A_39 = tpu.memref_slice %arg8[%run_scoped3A, %dma_start3A_38] : memref<1x320xi32, #tpu.memory_space<vmem>> -> memref<1x320xi32, #tpu.memory_space<vmem>>
        %dma_start3A_40 = tpu.memref_squeeze %dma_start3A_39 : memref<1x320xi32, #tpu.memory_space<vmem>> -> memref<320xi32, #tpu.memory_space<vmem>>
        %dma_start3A_41 = arith.constant 0 : i32
        %dma_start3A_42 = arith.constant 0 : i32
        %dma_start3A_43 = tpu.memref_slice %arg6[%dma_start3A_41, %dma_start3A_42] : memref<10240x128xf32, #tpu.memory_space<vmem_shared>> -> memref<10240x128xf32, #tpu.memory_space<vmem_shared>>
        tpu.enqueue_indirect_dma source(%arg9 : memref<320x128xf32, #tpu.memory_space<vmem>>) target(%dma_start3A_43 : memref<10240x128xf32, #tpu.memory_space<vmem_shared>>) offsets(%dma_start3A_40 : memref<320xi32, #tpu.memory_space<vmem>>) semaphore(%run_scoped3A_37 : memref<!tpu.dma_semaphore, #tpu.memory_space<semaphore_mem>>) {add = true}
        %dma_wait3A_44 = arith.constant 0 : i32
        %dma_wait3A_45 = tpu.memref_slice %arg8[%run_scoped3A, %dma_wait3A_44] : memref<1x320xi32, #tpu.memory_space<vmem>> -> memref<1x320xi32, #tpu.memory_space<vmem>>
        %dma_wait3A_46 = tpu.memref_squeeze %dma_wait3A_45 : memref<1x320xi32, #tpu.memory_space<vmem>> -> memref<320xi32, #tpu.memory_space<vmem>>
        %dma_wait3A_47 = arith.constant 0 : i32
        %dma_wait3A_48 = arith.constant 0 : i32
        %dma_wait3A_49 = tpu.memref_slice %arg6[%dma_wait3A_47, %dma_wait3A_48] : memref<10240x128xf32, #tpu.memory_space<vmem_shared>> -> memref<10240x128xf32, #tpu.memory_space<vmem_shared>>
        tpu.wait_indirect_dma semaphore(%run_scoped3A_37 : memref<!tpu.dma_semaphore, #tpu.memory_space<semaphore_mem>>) src(%arg9 : memref<320x128xf32, #tpu.memory_space<vmem>>) dst(%dma_wait3A_49 : memref<10240x128xf32, #tpu.memory_space<vmem_shared>>)
        tpu.yield
      }) : () -> ()
    }
    %scan3A_15 = arith.constant 32 : i32
    %barrier3A_16 = arith.constant 0 : index
    tpu.barrier barrier_id(%barrier3A_16)
    %mul3A_17 = arith.constant 640 : i32
    %mul3A_18 = arith.muli %arg1, %mul3A_17 : i32
    %mul3A_19 = arith.constant 640 : i32
    %mul3A_20 = arith.muli %arg1, %mul3A_19 : i32
    "tpu.region"() ({
      %run_scoped3A = tpu.sem_alloc : memref<!tpu.dma_semaphore, #tpu.memory_space<semaphore_mem>>
      %dma_start3A = arith.constant 0 : i32
      %dma_start3A_21 = tpu.memref_slice %arg5[%arg0, %mul3A_20, %dma_start3A] : memref<2x10240x128xf32, #tpu.memory_space<hbm>> -> memref<1x640x128xf32, #tpu.memory_space<hbm>>
      %dma_start3A_22 = tpu.memref_squeeze %dma_start3A_21 : memref<1x640x128xf32, #tpu.memory_space<hbm>> -> memref<640x128xf32, #tpu.memory_space<hbm>>
      %dma_start3A_23 = arith.constant 0 : i32
      %dma_start3A_24 = tpu.memref_slice %arg6[%mul3A_18, %dma_start3A_23] : memref<10240x128xf32, #tpu.memory_space<vmem_shared>> -> memref<640x128xf32, #tpu.memory_space<vmem_shared>>
      tpu.enqueue_dma source(%dma_start3A_24 : memref<640x128xf32, #tpu.memory_space<vmem_shared>>) target(%dma_start3A_22 : memref<640x128xf32, #tpu.memory_space<hbm>>) target_semaphore(%run_scoped3A : memref<!tpu.dma_semaphore, #tpu.memory_space<semaphore_mem>>)
      %dma_wait3A = arith.constant 0 : i32
      %dma_wait3A_25 = tpu.memref_slice %arg5[%arg0, %mul3A_20, %dma_wait3A] : memref<2x10240x128xf32, #tpu.memory_space<hbm>> -> memref<1x640x128xf32, #tpu.memory_space<hbm>>
      %dma_wait3A_26 = tpu.memref_squeeze %dma_wait3A_25 : memref<1x640x128xf32, #tpu.memory_space<hbm>> -> memref<640x128xf32, #tpu.memory_space<hbm>>
      %dma_wait3A_27 = arith.constant 0 : i32
      %dma_wait3A_28 = tpu.memref_slice %arg6[%mul3A_18, %dma_wait3A_27] : memref<10240x128xf32, #tpu.memory_space<vmem_shared>> -> memref<640x128xf32, #tpu.memory_space<vmem_shared>>
      tpu.wait_dma2 semaphore(%run_scoped3A : memref<!tpu.dma_semaphore, #tpu.memory_space<semaphore_mem>>) src(%dma_wait3A_28 : memref<640x128xf32, #tpu.memory_space<vmem_shared>>) dst(%dma_wait3A_26 : memref<640x128xf32, #tpu.memory_space<hbm>>)
      tpu.yield
    }) : () -> ()
    return
  }
}

#map = affine_map<(d0, d1) -> (0, 0)>
#map1 = affine_map<(d0, d1) -> (0, 0, 0)>
module attributes {stable_mosaic.version = 14 : i64} {
  func.func @_sc_agg(%arg0: i32, %arg1: i32, %arg2: memref<10000x128xf32, #tpu.memory_space<hbm>>, %arg3: memref<1024x1x320xi32, #tpu.memory_space<hbm>>, %arg4: memref<1024x1x320xi32, #tpu.memory_space<hbm>>, %arg5: memref<2x10240x128xf32, #tpu.memory_space<hbm>>, %arg6: memref<10240x128xf32, #tpu.memory_space<vmem_shared>>, %arg7: memref<1x320xi32, #tpu.memory_space<vmem>>, %arg8: memref<1x320xi32, #tpu.memory_space<vmem>>, %arg9: memref<320x128xf32, #tpu.memory_space<vmem>>, %arg10: memref<!tpu.dma_semaphore, #tpu.memory_space<semaphore_mem>>) attributes {dimension_semantics = [#tpu.dimension_semantics<core_parallel>, #tpu.dimension_semantics<subcore_parallel>], iteration_bounds = array<i64: 2, 16>, scalar_prefetch = 0 : i64, scratch_operands = 5 : i64, tpu.core_type = #tpu.core_type<sc_vector_subcore>, window_params = [{transform_indices = #map}, {transform_indices = #map1}, {transform_indices = #map1}, {transform_indices = #map1}]} {
    %mul3A = arith.constant 16 : i32
    %mul3A_0 = arith.muli %arg0, %mul3A : i32
    %add3A = arith.addi %mul3A_0, %arg1 : i32
    %scan3A = arith.constant 0 : i32
    %scan3A_1 = arith.constant 320 : i32
    %scan3A_2 = arith.addi %scan3A, %scan3A_1 : i32
    %scan3A_3 = arith.constant 1 : i32
    scf.for %scan3A_21 = %scan3A to %scan3A_2 step %scan3A_3  : i32 {
      %broadcast_in_dim3A = arith.constant 0.000000e+00 : f32
      %broadcast_in_dim3A_22 = vector.broadcast %broadcast_in_dim3A : f32 to vector<16xf32>
      %swap3A = arith.index_cast %scan3A_21 : i32 to index
      %swap3A_23 = arith.constant 0 : index
      %swap3A_24 = tpu.vector_load %arg9[%swap3A, %swap3A_23] {strides = array<i32>} : memref<320x128xf32, #tpu.memory_space<vmem>>, vector<1x16xf32>,
      %swap3A_25 = vector.shape_cast %swap3A_24 : vector<1x16xf32> to vector<16xf32>
      %swap3A_26 = vector.shape_cast %broadcast_in_dim3A_22 : vector<16xf32> to vector<1x16xf32>
      tpu.vector_store %arg9[%swap3A, %swap3A_23], %swap3A_26 {strides = array<i32>} : memref<320x128xf32, #tpu.memory_space<vmem>>, vector<1x16xf32>,
      %broadcast_in_dim3A_27 = arith.constant 0.000000e+00 : f32
      %broadcast_in_dim3A_28 = vector.broadcast %broadcast_in_dim3A_27 : f32 to vector<16xf32>
      %swap3A_29 = arith.index_cast %scan3A_21 : i32 to index
      %swap3A_30 = arith.constant 16 : index
      %swap3A_31 = tpu.vector_load %arg9[%swap3A_29, %swap3A_30] {strides = array<i32>} : memref<320x128xf32, #tpu.memory_space<vmem>>, vector<1x16xf32>,
      %swap3A_32 = vector.shape_cast %swap3A_31 : vector<1x16xf32> to vector<16xf32>
      %swap3A_33 = vector.shape_cast %broadcast_in_dim3A_28 : vector<16xf32> to vector<1x16xf32>
      tpu.vector_store %arg9[%swap3A_29, %swap3A_30], %swap3A_33 {strides = array<i32>} : memref<320x128xf32, #tpu.memory_space<vmem>>, vector<1x16xf32>,
      %broadcast_in_dim3A_34 = arith.constant 0.000000e+00 : f32
      %broadcast_in_dim3A_35 = vector.broadcast %broadcast_in_dim3A_34 : f32 to vector<16xf32>
      %swap3A_36 = arith.index_cast %scan3A_21 : i32 to index
      %swap3A_37 = arith.constant 32 : index
      %swap3A_38 = tpu.vector_load %arg9[%swap3A_36, %swap3A_37] {strides = array<i32>} : memref<320x128xf32, #tpu.memory_space<vmem>>, vector<1x16xf32>,
      %swap3A_39 = vector.shape_cast %swap3A_38 : vector<1x16xf32> to vector<16xf32>
      %swap3A_40 = vector.shape_cast %broadcast_in_dim3A_35 : vector<16xf32> to vector<1x16xf32>
      tpu.vector_store %arg9[%swap3A_36, %swap3A_37], %swap3A_40 {strides = array<i32>} : memref<320x128xf32, #tpu.memory_space<vmem>>, vector<1x16xf32>,
      %broadcast_in_dim3A_41 = arith.constant 0.000000e+00 : f32
      %broadcast_in_dim3A_42 = vector.broadcast %broadcast_in_dim3A_41 : f32 to vector<16xf32>
      %swap3A_43 = arith.index_cast %scan3A_21 : i32 to index
      %swap3A_44 = arith.constant 48 : index
      %swap3A_45 = tpu.vector_load %arg9[%swap3A_43, %swap3A_44] {strides = array<i32>} : memref<320x128xf32, #tpu.memory_space<vmem>>, vector<1x16xf32>,
      %swap3A_46 = vector.shape_cast %swap3A_45 : vector<1x16xf32> to vector<16xf32>
      %swap3A_47 = vector.shape_cast %broadcast_in_dim3A_42 : vector<16xf32> to vector<1x16xf32>
      tpu.vector_store %arg9[%swap3A_43, %swap3A_44], %swap3A_47 {strides = array<i32>} : memref<320x128xf32, #tpu.memory_space<vmem>>, vector<1x16xf32>,
      %broadcast_in_dim3A_48 = arith.constant 0.000000e+00 : f32
      %broadcast_in_dim3A_49 = vector.broadcast %broadcast_in_dim3A_48 : f32 to vector<16xf32>
      %swap3A_50 = arith.index_cast %scan3A_21 : i32 to index
      %swap3A_51 = arith.constant 64 : index
      %swap3A_52 = tpu.vector_load %arg9[%swap3A_50, %swap3A_51] {strides = array<i32>} : memref<320x128xf32, #tpu.memory_space<vmem>>, vector<1x16xf32>,
      %swap3A_53 = vector.shape_cast %swap3A_52 : vector<1x16xf32> to vector<16xf32>
      %swap3A_54 = vector.shape_cast %broadcast_in_dim3A_49 : vector<16xf32> to vector<1x16xf32>
      tpu.vector_store %arg9[%swap3A_50, %swap3A_51], %swap3A_54 {strides = array<i32>} : memref<320x128xf32, #tpu.memory_space<vmem>>, vector<1x16xf32>,
      %broadcast_in_dim3A_55 = arith.constant 0.000000e+00 : f32
      %broadcast_in_dim3A_56 = vector.broadcast %broadcast_in_dim3A_55 : f32 to vector<16xf32>
      %swap3A_57 = arith.index_cast %scan3A_21 : i32 to index
      %swap3A_58 = arith.constant 80 : index
      %swap3A_59 = tpu.vector_load %arg9[%swap3A_57, %swap3A_58] {strides = array<i32>} : memref<320x128xf32, #tpu.memory_space<vmem>>, vector<1x16xf32>,
      %swap3A_60 = vector.shape_cast %swap3A_59 : vector<1x16xf32> to vector<16xf32>
      %swap3A_61 = vector.shape_cast %broadcast_in_dim3A_56 : vector<16xf32> to vector<1x16xf32>
      tpu.vector_store %arg9[%swap3A_57, %swap3A_58], %swap3A_61 {strides = array<i32>} : memref<320x128xf32, #tpu.memory_space<vmem>>, vector<1x16xf32>,
      %broadcast_in_dim3A_62 = arith.constant 0.000000e+00 : f32
      %broadcast_in_dim3A_63 = vector.broadcast %broadcast_in_dim3A_62 : f32 to vector<16xf32>
      %swap3A_64 = arith.index_cast %scan3A_21 : i32 to index
      %swap3A_65 = arith.constant 96 : index
      %swap3A_66 = tpu.vector_load %arg9[%swap3A_64, %swap3A_65] {strides = array<i32>} : memref<320x128xf32, #tpu.memory_space<vmem>>, vector<1x16xf32>,
      %swap3A_67 = vector.shape_cast %swap3A_66 : vector<1x16xf32> to vector<16xf32>
      %swap3A_68 = vector.shape_cast %broadcast_in_dim3A_63 : vector<16xf32> to vector<1x16xf32>
      tpu.vector_store %arg9[%swap3A_64, %swap3A_65], %swap3A_68 {strides = array<i32>} : memref<320x128xf32, #tpu.memory_space<vmem>>, vector<1x16xf32>,
      %broadcast_in_dim3A_69 = arith.constant 0.000000e+00 : f32
      %broadcast_in_dim3A_70 = vector.broadcast %broadcast_in_dim3A_69 : f32 to vector<16xf32>
      %swap3A_71 = arith.index_cast %scan3A_21 : i32 to index
      %swap3A_72 = arith.constant 112 : index
      %swap3A_73 = tpu.vector_load %arg9[%swap3A_71, %swap3A_72] {strides = array<i32>} : memref<320x128xf32, #tpu.memory_space<vmem>>, vector<1x16xf32>,
      %swap3A_74 = vector.shape_cast %swap3A_73 : vector<1x16xf32> to vector<16xf32>
      %swap3A_75 = vector.shape_cast %broadcast_in_dim3A_70 : vector<16xf32> to vector<1x16xf32>
      tpu.vector_store %arg9[%swap3A_71, %swap3A_72], %swap3A_75 {strides = array<i32>} : memref<320x128xf32, #tpu.memory_space<vmem>>, vector<1x16xf32>,
    }
    %scan3A_4 = arith.constant 320 : i32
    %mul3A_5 = arith.constant 640 : i32
    %mul3A_6 = arith.muli %arg1, %mul3A_5 : i32
    %add3A_7 = arith.constant 0 : i32
    %add3A_8 = arith.addi %mul3A_6, %add3A_7 : i32
    "tpu.region"() ({
      %run_scoped3A = tpu.sem_alloc : memref<!tpu.dma_semaphore, #tpu.memory_space<semaphore_mem>>
      %dma_start3A = arith.constant 0 : i32
      %dma_start3A_21 = tpu.memref_slice %arg6[%add3A_8, %dma_start3A] : memref<10240x128xf32, #tpu.memory_space<vmem_shared>> -> memref<320x128xf32, #tpu.memory_space<vmem_shared>>
      %dma_start3A_22 = arith.constant 0 : i32
      %dma_start3A_23 = tpu.memref_slice %arg6[%add3A_8, %dma_start3A_22] : memref<10240x128xf32, #tpu.memory_space<vmem_shared>> -> memref<320x128xf32, #tpu.memory_space<vmem_shared>>
      tpu.enqueue_dma source(%arg9 : memref<320x128xf32, #tpu.memory_space<vmem>>) target(%dma_start3A_23 : memref<320x128xf32, #tpu.memory_space<vmem_shared>>) target_semaphore(%run_scoped3A : memref<!tpu.dma_semaphore, #tpu.memory_space<semaphore_mem>>)
      %dma_wait3A = arith.constant 0 : i32
      %dma_wait3A_24 = tpu.memref_slice %arg6[%add3A_8, %dma_wait3A] : memref<10240x128xf32, #tpu.memory_space<vmem_shared>> -> memref<320x128xf32, #tpu.memory_space<vmem_shared>>
      %dma_wait3A_25 = arith.constant 0 : i32
      %dma_wait3A_26 = tpu.memref_slice %arg6[%add3A_8, %dma_wait3A_25] : memref<10240x128xf32, #tpu.memory_space<vmem_shared>> -> memref<320x128xf32, #tpu.memory_space<vmem_shared>>
      tpu.wait_dma2 semaphore(%run_scoped3A : memref<!tpu.dma_semaphore, #tpu.memory_space<semaphore_mem>>) src(%arg9 : memref<320x128xf32, #tpu.memory_space<vmem>>) dst(%dma_wait3A_26 : memref<320x128xf32, #tpu.memory_space<vmem_shared>>)
      tpu.yield
    }) : () -> ()
    %add3A_9 = arith.constant 320 : i32
    %add3A_10 = arith.addi %mul3A_6, %add3A_9 : i32
    "tpu.region"() ({
      %run_scoped3A = tpu.sem_alloc : memref<!tpu.dma_semaphore, #tpu.memory_space<semaphore_mem>>
      %dma_start3A = arith.constant 0 : i32
      %dma_start3A_21 = tpu.memref_slice %arg6[%add3A_10, %dma_start3A] : memref<10240x128xf32, #tpu.memory_space<vmem_shared>> -> memref<320x128xf32, #tpu.memory_space<vmem_shared>>
      %dma_start3A_22 = arith.constant 0 : i32
      %dma_start3A_23 = tpu.memref_slice %arg6[%add3A_10, %dma_start3A_22] : memref<10240x128xf32, #tpu.memory_space<vmem_shared>> -> memref<320x128xf32, #tpu.memory_space<vmem_shared>>
      tpu.enqueue_dma source(%arg9 : memref<320x128xf32, #tpu.memory_space<vmem>>) target(%dma_start3A_23 : memref<320x128xf32, #tpu.memory_space<vmem_shared>>) target_semaphore(%run_scoped3A : memref<!tpu.dma_semaphore, #tpu.memory_space<semaphore_mem>>)
      %dma_wait3A = arith.constant 0 : i32
      %dma_wait3A_24 = tpu.memref_slice %arg6[%add3A_10, %dma_wait3A] : memref<10240x128xf32, #tpu.memory_space<vmem_shared>> -> memref<320x128xf32, #tpu.memory_space<vmem_shared>>
      %dma_wait3A_25 = arith.constant 0 : i32
      %dma_wait3A_26 = tpu.memref_slice %arg6[%add3A_10, %dma_wait3A_25] : memref<10240x128xf32, #tpu.memory_space<vmem_shared>> -> memref<320x128xf32, #tpu.memory_space<vmem_shared>>
      tpu.wait_dma2 semaphore(%run_scoped3A : memref<!tpu.dma_semaphore, #tpu.memory_space<semaphore_mem>>) src(%arg9 : memref<320x128xf32, #tpu.memory_space<vmem>>) dst(%dma_wait3A_26 : memref<320x128xf32, #tpu.memory_space<vmem_shared>>)
      tpu.yield
    }) : () -> ()
    %barrier3A = arith.constant 0 : index
    tpu.barrier barrier_id(%barrier3A)
    %scan3A_11 = arith.constant 0 : i32
    %scan3A_12 = arith.constant 32 : i32
    %scan3A_13 = arith.addi %scan3A_11, %scan3A_12 : i32
    %scan3A_14 = arith.constant 1 : i32
    scf.for %scan3A_21 = %scan3A_11 to %scan3A_13 step %scan3A_14  : i32 {
      %mul3A_22 = arith.constant 32 : i32
      %mul3A_23 = arith.muli %add3A, %mul3A_22 : i32
      %add3A_24 = arith.addi %mul3A_23, %scan3A_21 : i32
      "tpu.region"() ({
        %run_scoped3A_37 = tpu.sem_alloc : memref<!tpu.dma_semaphore, #tpu.memory_space<semaphore_mem>>
        %dma_start3A_38 = arith.constant 0 : i32
        %dma_start3A_39 = arith.constant 0 : i32
        %dma_start3A_40 = tpu.memref_slice %arg3[%add3A_24, %dma_start3A_38, %dma_start3A_39] : memref<1024x1x320xi32, #tpu.memory_space<hbm>> -> memref<1x1x320xi32, #tpu.memory_space<hbm>>
        %dma_start3A_41 = tpu.memref_squeeze %dma_start3A_40 : memref<1x1x320xi32, #tpu.memory_space<hbm>> -> memref<1x320xi32, #tpu.memory_space<hbm>>
        %dma_start3A_42 = arith.constant 0 : i32
        %dma_start3A_43 = arith.constant 0 : i32
        %dma_start3A_44 = tpu.memref_slice %arg3[%add3A_24, %dma_start3A_42, %dma_start3A_43] : memref<1024x1x320xi32, #tpu.memory_space<hbm>> -> memref<1x1x320xi32, #tpu.memory_space<hbm>>
        %dma_start3A_45 = tpu.memref_squeeze %dma_start3A_44 : memref<1x1x320xi32, #tpu.memory_space<hbm>> -> memref<1x320xi32, #tpu.memory_space<hbm>>
        tpu.enqueue_dma source(%dma_start3A_45 : memref<1x320xi32, #tpu.memory_space<hbm>>) target(%arg7 : memref<1x320xi32, #tpu.memory_space<vmem>>) target_semaphore(%run_scoped3A_37 : memref<!tpu.dma_semaphore, #tpu.memory_space<semaphore_mem>>)
        %dma_wait3A_46 = arith.constant 0 : i32
        %dma_wait3A_47 = arith.constant 0 : i32
        %dma_wait3A_48 = tpu.memref_slice %arg3[%add3A_24, %dma_wait3A_46, %dma_wait3A_47] : memref<1024x1x320xi32, #tpu.memory_space<hbm>> -> memref<1x1x320xi32, #tpu.memory_space<hbm>>
        %dma_wait3A_49 = tpu.memref_squeeze %dma_wait3A_48 : memref<1x1x320xi32, #tpu.memory_space<hbm>> -> memref<1x320xi32, #tpu.memory_space<hbm>>
        %dma_wait3A_50 = arith.constant 0 : i32
        %dma_wait3A_51 = arith.constant 0 : i32
        %dma_wait3A_52 = tpu.memref_slice %arg3[%add3A_24, %dma_wait3A_50, %dma_wait3A_51] : memref<1024x1x320xi32, #tpu.memory_space<hbm>> -> memref<1x1x320xi32, #tpu.memory_space<hbm>>
        %dma_wait3A_53 = tpu.memref_squeeze %dma_wait3A_52 : memref<1x1x320xi32, #tpu.memory_space<hbm>> -> memref<1x320xi32, #tpu.memory_space<hbm>>
        tpu.wait_dma2 semaphore(%run_scoped3A_37 : memref<!tpu.dma_semaphore, #tpu.memory_space<semaphore_mem>>) src(%dma_wait3A_53 : memref<1x320xi32, #tpu.memory_space<hbm>>) dst(%arg7 : memref<1x320xi32, #tpu.memory_space<vmem>>)
        tpu.yield
      }) : () -> ()
      "tpu.region"() ({
        %run_scoped3A_37 = tpu.sem_alloc : memref<!tpu.dma_semaphore, #tpu.memory_space<semaphore_mem>>
        %dma_start3A_38 = arith.constant 0 : i32
        %dma_start3A_39 = arith.constant 0 : i32
        %dma_start3A_40 = tpu.memref_slice %arg4[%add3A_24, %dma_start3A_38, %dma_start3A_39] : memref<1024x1x320xi32, #tpu.memory_space<hbm>> -> memref<1x1x320xi32, #tpu.memory_space<hbm>>
        %dma_start3A_41 = tpu.memref_squeeze %dma_start3A_40 : memref<1x1x320xi32, #tpu.memory_space<hbm>> -> memref<1x320xi32, #tpu.memory_space<hbm>>
        %dma_start3A_42 = arith.constant 0 : i32
        %dma_start3A_43 = arith.constant 0 : i32
        %dma_start3A_44 = tpu.memref_slice %arg4[%add3A_24, %dma_start3A_42, %dma_start3A_43] : memref<1024x1x320xi32, #tpu.memory_space<hbm>> -> memref<1x1x320xi32, #tpu.memory_space<hbm>>
        %dma_start3A_45 = tpu.memref_squeeze %dma_start3A_44 : memref<1x1x320xi32, #tpu.memory_space<hbm>> -> memref<1x320xi32, #tpu.memory_space<hbm>>
        tpu.enqueue_dma source(%dma_start3A_45 : memref<1x320xi32, #tpu.memory_space<hbm>>) target(%arg8 : memref<1x320xi32, #tpu.memory_space<vmem>>) target_semaphore(%run_scoped3A_37 : memref<!tpu.dma_semaphore, #tpu.memory_space<semaphore_mem>>)
        %dma_wait3A_46 = arith.constant 0 : i32
        %dma_wait3A_47 = arith.constant 0 : i32
        %dma_wait3A_48 = tpu.memref_slice %arg4[%add3A_24, %dma_wait3A_46, %dma_wait3A_47] : memref<1024x1x320xi32, #tpu.memory_space<hbm>> -> memref<1x1x320xi32, #tpu.memory_space<hbm>>
        %dma_wait3A_49 = tpu.memref_squeeze %dma_wait3A_48 : memref<1x1x320xi32, #tpu.memory_space<hbm>> -> memref<1x320xi32, #tpu.memory_space<hbm>>
        %dma_wait3A_50 = arith.constant 0 : i32
        %dma_wait3A_51 = arith.constant 0 : i32
        %dma_wait3A_52 = tpu.memref_slice %arg4[%add3A_24, %dma_wait3A_50, %dma_wait3A_51] : memref<1024x1x320xi32, #tpu.memory_space<hbm>> -> memref<1x1x320xi32, #tpu.memory_space<hbm>>
        %dma_wait3A_53 = tpu.memref_squeeze %dma_wait3A_52 : memref<1x1x320xi32, #tpu.memory_space<hbm>> -> memref<1x320xi32, #tpu.memory_space<hbm>>
        tpu.wait_dma2 semaphore(%run_scoped3A_37 : memref<!tpu.dma_semaphore, #tpu.memory_space<semaphore_mem>>) src(%dma_wait3A_53 : memref<1x320xi32, #tpu.memory_space<hbm>>) dst(%arg8 : memref<1x320xi32, #tpu.memory_space<vmem>>)
        tpu.yield
      }) : () -> ()
      %dma_start3A = arith.constant 0 : i32
      %dma_start3A_25 = arith.constant 0 : i32
      %dma_start3A_26 = tpu.memref_slice %arg7[%dma_start3A, %dma_start3A_25] : memref<1x320xi32, #tpu.memory_space<vmem>> -> memref<1x320xi32, #tpu.memory_space<vmem>>
      %dma_start3A_27 = tpu.memref_squeeze %dma_start3A_26 : memref<1x320xi32, #tpu.memory_space<vmem>> -> memref<320xi32, #tpu.memory_space<vmem>>
      %dma_start3A_28 = arith.constant 0 : i32
      %dma_start3A_29 = arith.constant 0 : i32
      %dma_start3A_30 = tpu.memref_slice %arg2[%dma_start3A_28, %dma_start3A_29] : memref<10000x128xf32, #tpu.memory_space<hbm>> -> memref<10000x128xf32, #tpu.memory_space<hbm>>
      tpu.enqueue_indirect_dma source(%dma_start3A_30 : memref<10000x128xf32, #tpu.memory_space<hbm>>) target(%arg9 : memref<320x128xf32, #tpu.memory_space<vmem>>) offsets(%dma_start3A_27 : memref<320xi32, #tpu.memory_space<vmem>>) semaphore(%arg10 : memref<!tpu.dma_semaphore, #tpu.memory_space<semaphore_mem>>)
      %dma_wait3A = arith.constant 0 : i32
      %dma_wait3A_31 = arith.constant 0 : i32
      %dma_wait3A_32 = tpu.memref_slice %arg7[%dma_wait3A, %dma_wait3A_31] : memref<1x320xi32, #tpu.memory_space<vmem>> -> memref<1x320xi32, #tpu.memory_space<vmem>>
      %dma_wait3A_33 = tpu.memref_squeeze %dma_wait3A_32 : memref<1x320xi32, #tpu.memory_space<vmem>> -> memref<320xi32, #tpu.memory_space<vmem>>
      %dma_wait3A_34 = arith.constant 0 : i32
      %dma_wait3A_35 = arith.constant 0 : i32
      %dma_wait3A_36 = tpu.memref_slice %arg2[%dma_wait3A_34, %dma_wait3A_35] : memref<10000x128xf32, #tpu.memory_space<hbm>> -> memref<10000x128xf32, #tpu.memory_space<hbm>>
      tpu.wait_indirect_dma semaphore(%arg10 : memref<!tpu.dma_semaphore, #tpu.memory_space<semaphore_mem>>) src(%dma_wait3A_36 : memref<10000x128xf32, #tpu.memory_space<hbm>>) dst(%arg9 : memref<320x128xf32, #tpu.memory_space<vmem>>)
      %run_scoped3A = arith.constant 0 : i32
      "tpu.region"() ({
        %run_scoped3A_37 = tpu.sem_alloc : memref<!tpu.dma_semaphore, #tpu.memory_space<semaphore_mem>>
        %dma_start3A_38 = arith.constant 0 : i32
        %dma_start3A_39 = tpu.memref_slice %arg8[%run_scoped3A, %dma_start3A_38] : memref<1x320xi32, #tpu.memory_space<vmem>> -> memref<1x320xi32, #tpu.memory_space<vmem>>
        %dma_start3A_40 = tpu.memref_squeeze %dma_start3A_39 : memref<1x320xi32, #tpu.memory_space<vmem>> -> memref<320xi32, #tpu.memory_space<vmem>>
        %dma_start3A_41 = arith.constant 0 : i32
        %dma_start3A_42 = arith.constant 0 : i32
        %dma_start3A_43 = tpu.memref_slice %arg6[%dma_start3A_41, %dma_start3A_42] : memref<10240x128xf32, #tpu.memory_space<vmem_shared>> -> memref<10240x128xf32, #tpu.memory_space<vmem_shared>>
        tpu.enqueue_indirect_dma source(%arg9 : memref<320x128xf32, #tpu.memory_space<vmem>>) target(%dma_start3A_43 : memref<10240x128xf32, #tpu.memory_space<vmem_shared>>) offsets(%dma_start3A_40 : memref<320xi32, #tpu.memory_space<vmem>>) semaphore(%run_scoped3A_37 : memref<!tpu.dma_semaphore, #tpu.memory_space<semaphore_mem>>) {add = true}
        %dma_wait3A_44 = arith.constant 0 : i32
        %dma_wait3A_45 = tpu.memref_slice %arg8[%run_scoped3A, %dma_wait3A_44] : memref<1x320xi32, #tpu.memory_space<vmem>> -> memref<1x320xi32, #tpu.memory_space<vmem>>
        %dma_wait3A_46 = tpu.memref_squeeze %dma_wait3A_45 : memref<1x320xi32, #tpu.memory_space<vmem>> -> memref<320xi32, #tpu.memory_space<vmem>>
        %dma_wait3A_47 = arith.constant 0 : i32
        %dma_wait3A_48 = arith.constant 0 : i32
        %dma_wait3A_49 = tpu.memref_slice %arg6[%dma_wait3A_47, %dma_wait3A_48] : memref<10240x128xf32, #tpu.memory_space<vmem_shared>> -> memref<10240x128xf32, #tpu.memory_space<vmem_shared>>
        tpu.wait_indirect_dma semaphore(%run_scoped3A_37 : memref<!tpu.dma_semaphore, #tpu.memory_space<semaphore_mem>>) src(%arg9 : memref<320x128xf32, #tpu.memory_space<vmem>>) dst(%dma_wait3A_49 : memref<10240x128xf32, #tpu.memory_space<vmem_shared>>)
        tpu.yield
      }) : () -> ()
    }
    %scan3A_15 = arith.constant 32 : i32
    %barrier3A_16 = arith.constant 0 : index
    tpu.barrier barrier_id(%barrier3A_16)
    %mul3A_17 = arith.constant 640 : i32
    %mul3A_18 = arith.muli %arg1, %mul3A_17 : i32
    %mul3A_19 = arith.constant 640 : i32
    %mul3A_20 = arith.muli %arg1, %mul3A_19 : i32
    "tpu.region"() ({
      %run_scoped3A = tpu.sem_alloc : memref<!tpu.dma_semaphore, #tpu.memory_space<semaphore_mem>>
      %dma_start3A = arith.constant 0 : i32
      %dma_start3A_21 = tpu.memref_slice %arg5[%arg0, %mul3A_20, %dma_start3A] : memref<2x10240x128xf32, #tpu.memory_space<hbm>> -> memref<1x640x128xf32, #tpu.memory_space<hbm>>
      %dma_start3A_22 = tpu.memref_squeeze %dma_start3A_21 : memref<1x640x128xf32, #tpu.memory_space<hbm>> -> memref<640x128xf32, #tpu.memory_space<hbm>>
      %dma_start3A_23 = arith.constant 0 : i32
      %dma_start3A_24 = tpu.memref_slice %arg6[%mul3A_18, %dma_start3A_23] : memref<10240x128xf32, #tpu.memory_space<vmem_shared>> -> memref<640x128xf32, #tpu.memory_space<vmem_shared>>
      tpu.enqueue_dma source(%dma_start3A_24 : memref<640x128xf32, #tpu.memory_space<vmem_shared>>) target(%dma_start3A_22 : memref<640x128xf32, #tpu.memory_space<hbm>>) target_semaphore(%run_scoped3A : memref<!tpu.dma_semaphore, #tpu.memory_space<semaphore_mem>>)
      %dma_wait3A = arith.constant 0 : i32
      %dma_wait3A_25 = tpu.memref_slice %arg5[%arg0, %mul3A_20, %dma_wait3A] : memref<2x10240x128xf32, #tpu.memory_space<hbm>> -> memref<1x640x128xf32, #tpu.memory_space<hbm>>
      %dma_wait3A_26 = tpu.memref_squeeze %dma_wait3A_25 : memref<1x640x128xf32, #tpu.memory_space<hbm>> -> memref<640x128xf32, #tpu.memory_space<hbm>>
      %dma_wait3A_27 = arith.constant 0 : i32
      %dma_wait3A_28 = tpu.memref_slice %arg6[%mul3A_18, %dma_wait3A_27] : memref<10240x128xf32, #tpu.memory_space<vmem_shared>> -> memref<640x128xf32, #tpu.memory_space<vmem_shared>>
      tpu.wait_dma2 semaphore(%run_scoped3A : memref<!tpu.dma_semaphore, #tpu.memory_space<semaphore_mem>>) src(%dma_wait3A_28 : memref<640x128xf32, #tpu.memory_space<vmem_shared>>) dst(%dma_wait3A_26 : memref<640x128xf32, #tpu.memory_space<hbm>>)
      tpu.yield
    }) : () -> ()
    return
  }
}

module attributes {stable_mosaic.version = 14 : i64} {
  func.func @_tc_prep_body(%arg0: i32, %arg1: memref<1000x128xf32, #tpu.memory_space<vmem>>, %arg2: memref<1x1000x16xf32, #tpu.memory_space<vmem>>, %arg3: memref<1x1000x16xf32, #tpu.memory_space<vmem>>, %arg4: memref<1000x128xf32, #tpu.memory_space<vmem>>) attributes {dimension_semantics = [#tpu.dimension_semantics<arbitrary>], iteration_bounds = array<i64: 10>, scalar_prefetch = 0 : i64, scratch_operands = 0 : i64, tpu.core_type = #tpu.core_type<tc>, window_params = [{transform_indices = @transform_0, window_bounds = array<i64: 1000, 128>}, {transform_indices = @transform_1, window_bounds = array<i64: 1, 1000, 16>}, {transform_indices = @transform_2, window_bounds = array<i64: 1, 1000, 16>}, {transform_indices = @transform_3, window_bounds = array<i64: 1000, 128>}]} {
    %get3A = arith.constant 0 : index
    %get3A_0 = arith.constant 0 : index
    %get3A_1 = vector.load %arg1[%get3A, %get3A_0] : memref<1000x128xf32, #tpu.memory_space<vmem>>, vector<1000x128xf32>
    %get3A_2 = arith.constant 0 : index
    %get3A_3 = arith.constant 0 : index
    %get3A_4 = arith.constant 0 : index
    %get3A_5 = vector.load %arg2[%get3A_2, %get3A_3, %get3A_4] : memref<1x1000x16xf32, #tpu.memory_space<vmem>>, vector<1x1000x16xf32>
    %get3A_6 = arith.constant 0 : index
    %get3A_7 = arith.constant 0 : index
    %get3A_8 = arith.constant 0 : index
    %get3A_9 = vector.load %arg3[%get3A_6, %get3A_7, %get3A_8] : memref<1x1000x16xf32, #tpu.memory_space<vmem>>, vector<1x1000x16xf32>
    %squeeze3A = vector.shape_cast %get3A_5 : vector<1x1000x16xf32> to vector<1000x16xf32>
    %slice3A = vector.extract_strided_slice %squeeze3A {offsets = [0, 0], sizes = [1000, 1], strides = [1, 1]} : vector<1000x16xf32> to vector<1000x1xf32>
    %add3A = arith.constant 1.000000e+00 : f32
    %add3A_10 = vector.broadcast %add3A : f32 to vector<1000x1xf32>
    %add3A_11 = arith.addf %add3A_10, %slice3A : vector<1000x1xf32>
    %squeeze3A_12 = vector.shape_cast %get3A_9 : vector<1x1000x16xf32> to vector<1000x16xf32>
    %slice3A_13 = vector.extract_strided_slice %squeeze3A_12 {offsets = [0, 0], sizes = [1000, 1], strides = [1, 1]} : vector<1000x16xf32> to vector<1000x1xf32>
    %add3A_14 = arith.addf %add3A_11, %slice3A_13 : vector<1000x1xf32>
    %rsqrt3A = math.rsqrt %add3A_14 : vector<1000x1xf32>
    %mul3A = vector.broadcast %rsqrt3A : vector<1000x1xf32> to vector<1000x128xf32>
    %mul3A_15 = arith.mulf %get3A_1, %mul3A : vector<1000x128xf32>
    %swap3A = arith.constant 0 : index
    %swap3A_16 = arith.constant 0 : index
    %swap3A_17 = vector.load %arg4[%swap3A, %swap3A_16] : memref<1000x128xf32, #tpu.memory_space<vmem>>, vector<1000x128xf32>
    tpu.vector_store %arg4[%swap3A, %swap3A_16], %mul3A_15 {strides = array<i32>} : memref<1000x128xf32, #tpu.memory_space<vmem>>, vector<1000x128xf32>,
    return
  }
  func.func @transform_0(%arg0: i32) -> (i32, i32) {
    %c0_i32 = arith.constant 0 : i32
    %c0_i32_0 = arith.constant 0 : i32
    return %arg0, %c0_i32 : i32, i32
  }
  func.func @transform_1(%arg0: i32) -> (i32, i32, i32) {
    %c0_i32 = arith.constant 0 : i32
    %c0_i32_0 = arith.constant 0 : i32
    %c0_i32_1 = arith.constant 0 : i32
    return %c0_i32, %arg0, %c0_i32_0 : i32, i32, i32
  }
  func.func @transform_2(%arg0: i32) -> (i32, i32, i32) {
    %c1_i32 = arith.constant 1 : i32
    %c0_i32 = arith.constant 0 : i32
    %c0_i32_0 = arith.constant 0 : i32
    return %c1_i32, %arg0, %c0_i32 : i32, i32, i32
  }
  func.func @transform_3(%arg0: i32) -> (i32, i32) {
    %c0_i32 = arith.constant 0 : i32
    %c0_i32_0 = arith.constant 0 : i32
    return %arg0, %c0_i32 : i32, i32
  }
}

module attributes {stable_mosaic.version = 14 : i64} {
  func.func @_tc_l1_body(%arg0: i32, %arg1: memref<1x1000x128xf32, #tpu.memory_space<vmem>>, %arg2: memref<1x1000x128xf32, #tpu.memory_space<vmem>>, %arg3: memref<1000x128xf32, #tpu.memory_space<vmem>>, %arg4: memref<1x1000x16xf32, #tpu.memory_space<vmem>>, %arg5: memref<1x1000x16xf32, #tpu.memory_space<vmem>>, %arg6: memref<128x256xf32, #tpu.memory_space<vmem>>, %arg7: memref<256xf32, #tpu.memory_space<vmem>>, %arg8: memref<256xf32, #tpu.memory_space<vmem>>, %arg9: memref<256xf32, #tpu.memory_space<vmem>>, %arg10: memref<1000x128xf32, #tpu.memory_space<vmem>>, %arg11: memref<1000x128xf32, #tpu.memory_space<vmem>>) attributes {dimension_semantics = [#tpu.dimension_semantics<arbitrary>], iteration_bounds = array<i64: 10>, scalar_prefetch = 0 : i64, scratch_operands = 0 : i64, tpu.core_type = #tpu.core_type<tc>, window_params = [{transform_indices = @transform_0, window_bounds = array<i64: 1, 1000, 128>}, {transform_indices = @transform_1, window_bounds = array<i64: 1, 1000, 128>}, {transform_indices = @transform_2, window_bounds = array<i64: 1000, 128>}, {transform_indices = @transform_3, window_bounds = array<i64: 1, 1000, 16>}, {transform_indices = @transform_4, window_bounds = array<i64: 1, 1000, 16>}, {pipeline_mode = #tpu.pipeline_mode<synchronous>, transform_indices = @transform_5, window_bounds = array<i64: 128, 256>}, {pipeline_mode = #tpu.pipeline_mode<synchronous>, transform_indices = @transform_6, window_bounds = array<i64: 256>}, {pipeline_mode = #tpu.pipeline_mode<synchronous>, transform_indices = @transform_7, window_bounds = array<i64: 256>}, {pipeline_mode = #tpu.pipeline_mode<synchronous>, transform_indices = @transform_8, window_bounds = array<i64: 256>}, {transform_indices = @transform_9, window_bounds = array<i64: 1000, 128>}, {transform_indices = @transform_10, window_bounds = array<i64: 1000, 128>}]} {
    %get3A = arith.constant 0 : index
    %get3A_0 = arith.constant 0 : index
    %get3A_1 = arith.constant 0 : index
    %get3A_2 = vector.load %arg4[%get3A, %get3A_0, %get3A_1] : memref<1x1000x16xf32, #tpu.memory_space<vmem>>, vector<1x1000x16xf32>
    %get3A_3 = arith.constant 0 : index
    %get3A_4 = arith.constant 0 : index
    %get3A_5 = arith.constant 0 : index
    %get3A_6 = vector.load %arg5[%get3A_3, %get3A_4, %get3A_5] : memref<1x1000x16xf32, #tpu.memory_space<vmem>>, vector<1x1000x16xf32>
    %squeeze3A = vector.shape_cast %get3A_2 : vector<1x1000x16xf32> to vector<1000x16xf32>
    %slice3A = vector.extract_strided_slice %squeeze3A {offsets = [0, 0], sizes = [1000, 1], strides = [1, 1]} : vector<1000x16xf32> to vector<1000x1xf32>
    %add3A = arith.constant 1.000000e+00 : f32
    %add3A_7 = vector.broadcast %add3A : f32 to vector<1000x1xf32>
    %add3A_8 = arith.addf %add3A_7, %slice3A : vector<1000x1xf32>
    %squeeze3A_9 = vector.shape_cast %get3A_6 : vector<1x1000x16xf32> to vector<1000x16xf32>
    %slice3A_10 = vector.extract_strided_slice %squeeze3A_9 {offsets = [0, 0], sizes = [1000, 1], strides = [1, 1]} : vector<1000x16xf32> to vector<1000x1xf32>
    %add3A_11 = arith.addf %add3A_8, %slice3A_10 : vector<1000x1xf32>
    %rsqrt3A = math.rsqrt %add3A_11 : vector<1000x1xf32>
    %get3A_12 = arith.constant 0 : index
    %get3A_13 = arith.constant 0 : index
    %get3A_14 = arith.constant 0 : index
    %get3A_15 = vector.load %arg1[%get3A_12, %get3A_13, %get3A_14] : memref<1x1000x128xf32, #tpu.memory_space<vmem>>, vector<1x1000x128xf32>
    %get3A_16 = vector.shape_cast %get3A_15 : vector<1x1000x128xf32> to vector<1000x128xf32>
    %get3A_17 = arith.constant 0 : index
    %get3A_18 = arith.constant 0 : index
    %get3A_19 = arith.constant 0 : index
    %get3A_20 = vector.load %arg2[%get3A_17, %get3A_18, %get3A_19] : memref<1x1000x128xf32, #tpu.memory_space<vmem>>, vector<1x1000x128xf32>
    %get3A_21 = vector.shape_cast %get3A_20 : vector<1x1000x128xf32> to vector<1000x128xf32>
    %add3A_22 = arith.addf %get3A_16, %get3A_21 : vector<1000x128xf32>
    %get3A_23 = arith.constant 0 : index
    %get3A_24 = arith.constant 0 : index
    %get3A_25 = vector.load %arg3[%get3A_23, %get3A_24] : memref<1000x128xf32, #tpu.memory_space<vmem>>, vector<1000x128xf32>
    %add3A_26 = arith.addf %add3A_22, %get3A_25 : vector<1000x128xf32>
    %mul3A = vector.broadcast %rsqrt3A : vector<1000x1xf32> to vector<1000x128xf32>
    %mul3A_27 = arith.mulf %add3A_26, %mul3A : vector<1000x128xf32>
    %get3A_28 = arith.constant 0 : index
    %get3A_29 = arith.constant 0 : index
    %get3A_30 = vector.load %arg6[%get3A_28, %get3A_29] : memref<128x256xf32, #tpu.memory_space<vmem>>, vector<128x256xf32>
    %dot_general3A = arith.constant dense<0.000000e+00> : vector<1000x256xf32>
    %dot_general3A_31 = tpu.matmul %mul3A_27, %get3A_30, %dot_general3A {dimension_numbers = #tpu.dot_dimension_numbers<[1], [0], [0], [1], [0, 0, 1, 1], [], []>, transpose_lhs_hint = false} : vector<1000x128xf32>, vector<128x256xf32>, vector<1000x256xf32> -> vector<1000x256xf32>
    %get3A_32 = arith.constant 0 : index
    %get3A_33 = vector.load %arg7[%get3A_32] : memref<256xf32, #tpu.memory_space<vmem>>, vector<256xf32>
    %broadcast_in_dim3A = vector.shape_cast %get3A_33 : vector<256xf32> to vector<1x256xf32>
    %add3A_34 = vector.broadcast %broadcast_in_dim3A : vector<1x256xf32> to vector<1000x256xf32>
    %add3A_35 = arith.addf %dot_general3A_31, %add3A_34 : vector<1000x256xf32>
    %get3A_36 = arith.constant 0 : index
    %get3A_37 = vector.load %arg8[%get3A_36] : memref<256xf32, #tpu.memory_space<vmem>>, vector<256xf32>
    %mul3A_38 = arith.constant 0.999994993 : f32
    %mul3A_39 = vector.broadcast %mul3A_38 : f32 to vector<256xf32>
    %mul3A_40 = arith.mulf %get3A_37, %mul3A_39 : vector<256xf32>
    %broadcast_in_dim3A_41 = vector.shape_cast %mul3A_40 : vector<256xf32> to vector<1x256xf32>
    %mul3A_42 = vector.broadcast %broadcast_in_dim3A_41 : vector<1x256xf32> to vector<1000x256xf32>
    %mul3A_43 = arith.mulf %add3A_35, %mul3A_42 : vector<1000x256xf32>
    %get3A_44 = arith.constant 0 : index
    %get3A_45 = vector.load %arg9[%get3A_44] : memref<256xf32, #tpu.memory_space<vmem>>, vector<256xf32>
    %broadcast_in_dim3A_46 = vector.shape_cast %get3A_45 : vector<256xf32> to vector<1x256xf32>
    %add3A_47 = vector.broadcast %broadcast_in_dim3A_46 : vector<1x256xf32> to vector<1000x256xf32>
    %add3A_48 = arith.addf %mul3A_43, %add3A_47 : vector<1000x256xf32>
    %max3A = arith.constant 0.000000e+00 : f32
    %max3A_49 = vector.broadcast %max3A : f32 to vector<1000x256xf32>
    %max3A_50 = arith.maximumf %add3A_48, %max3A_49 : vector<1000x256xf32>
    %mul3A_51 = vector.broadcast %rsqrt3A : vector<1000x1xf32> to vector<1000x256xf32>
    %mul3A_52 = arith.mulf %max3A_50, %mul3A_51 : vector<1000x256xf32>
    %slice3A_53 = vector.extract_strided_slice %mul3A_52 {offsets = [0, 0], sizes = [1000, 128], strides = [1, 1]} : vector<1000x256xf32> to vector<1000x128xf32>
    %swap3A = arith.constant 0 : index
    %swap3A_54 = arith.constant 0 : index
    %swap3A_55 = vector.load %arg10[%swap3A, %swap3A_54] : memref<1000x128xf32, #tpu.memory_space<vmem>>, vector<1000x128xf32>
    tpu.vector_store %arg10[%swap3A, %swap3A_54], %slice3A_53 {strides = array<i32>} : memref<1000x128xf32, #tpu.memory_space<vmem>>, vector<1000x128xf32>,
    %slice3A_56 = vector.extract_strided_slice %mul3A_52 {offsets = [0, 128], sizes = [1000, 128], strides = [1, 1]} : vector<1000x256xf32> to vector<1000x128xf32>
    %swap3A_57 = arith.constant 0 : index
    %swap3A_58 = arith.constant 0 : index
    %swap3A_59 = vector.load %arg11[%swap3A_57, %swap3A_58] : memref<1000x128xf32, #tpu.memory_space<vmem>>, vector<1000x128xf32>
    tpu.vector_store %arg11[%swap3A_57, %swap3A_58], %slice3A_56 {strides = array<i32>} : memref<1000x128xf32, #tpu.memory_space<vmem>>, vector<1000x128xf32>,
    return
  }
  func.func @transform_0(%arg0: i32) -> (i32, i32, i32) {
    %c0_i32 = arith.constant 0 : i32
    %c0_i32_0 = arith.constant 0 : i32
    %c0_i32_1 = arith.constant 0 : i32
    return %c0_i32, %arg0, %c0_i32_0 : i32, i32, i32
  }
  func.func @transform_1(%arg0: i32) -> (i32, i32, i32) {
    %c1_i32 = arith.constant 1 : i32
    %c0_i32 = arith.constant 0 : i32
    %c0_i32_0 = arith.constant 0 : i32
    return %c1_i32, %arg0, %c0_i32 : i32, i32, i32
  }
  func.func @transform_2(%arg0: i32) -> (i32, i32) {
    %c0_i32 = arith.constant 0 : i32
    %c0_i32_0 = arith.constant 0 : i32
    return %arg0, %c0_i32 : i32, i32
  }
  func.func @transform_3(%arg0: i32) -> (i32, i32, i32) {
    %c0_i32 = arith.constant 0 : i32
    %c0_i32_0 = arith.constant 0 : i32
    %c0_i32_1 = arith.constant 0 : i32
    return %c0_i32, %arg0, %c0_i32_0 : i32, i32, i32
  }
  func.func @transform_4(%arg0: i32) -> (i32, i32, i32) {
    %c1_i32 = arith.constant 1 : i32
    %c0_i32 = arith.constant 0 : i32
    %c0_i32_0 = arith.constant 0 : i32
    return %c1_i32, %arg0, %c0_i32 : i32, i32, i32
  }
  func.func @transform_5(%arg0: i32) -> (i32, i32) {
    %c0_i32 = arith.constant 0 : i32
    %c0_i32_0 = arith.constant 0 : i32
    %c0_i32_1 = arith.constant 0 : i32
    return %c0_i32, %c0_i32_0 : i32, i32
  }
  func.func @transform_6(%arg0: i32) -> i32 {
    %c0_i32 = arith.constant 0 : i32
    %c0_i32_0 = arith.constant 0 : i32
    return %c0_i32 : i32
  }
  func.func @transform_7(%arg0: i32) -> i32 {
    %c0_i32 = arith.constant 0 : i32
    %c0_i32_0 = arith.constant 0 : i32
    return %c0_i32 : i32
  }
  func.func @transform_8(%arg0: i32) -> i32 {
    %c0_i32 = arith.constant 0 : i32
    %c0_i32_0 = arith.constant 0 : i32
    return %c0_i32 : i32
  }
  func.func @transform_9(%arg0: i32) -> (i32, i32) {
    %c0_i32 = arith.constant 0 : i32
    %c0_i32_0 = arith.constant 0 : i32
    return %arg0, %c0_i32 : i32, i32
  }
  func.func @transform_10(%arg0: i32) -> (i32, i32) {
    %c0_i32 = arith.constant 0 : i32
    %c0_i32_0 = arith.constant 0 : i32
    return %arg0, %c0_i32 : i32, i32
  }
}

module attributes {stable_mosaic.version = 14 : i64} {
  func.func @_tc_l2_body(%arg0: i32, %arg1: memref<1x1000x128xf32, #tpu.memory_space<vmem>>, %arg2: memref<1x1000x128xf32, #tpu.memory_space<vmem>>, %arg3: memref<1x1000x128xf32, #tpu.memory_space<vmem>>, %arg4: memref<1x1000x128xf32, #tpu.memory_space<vmem>>, %arg5: memref<1000x128xf32, #tpu.memory_space<vmem>>, %arg6: memref<1000x128xf32, #tpu.memory_space<vmem>>, %arg7: memref<1x1000x16xf32, #tpu.memory_space<vmem>>, %arg8: memref<1x1000x16xf32, #tpu.memory_space<vmem>>, %arg9: memref<256x256xf32, #tpu.memory_space<vmem>>, %arg10: memref<256xf32, #tpu.memory_space<vmem>>, %arg11: memref<256xf32, #tpu.memory_space<vmem>>, %arg12: memref<256xf32, #tpu.memory_space<vmem>>, %arg13: memref<256x128xf32, #tpu.memory_space<vmem>>, %arg14: memref<1000x128xf32, #tpu.memory_space<vmem>>) attributes {dimension_semantics = [#tpu.dimension_semantics<arbitrary>], iteration_bounds = array<i64: 10>, scalar_prefetch = 0 : i64, scratch_operands = 0 : i64, tpu.core_type = #tpu.core_type<tc>, window_params = [{transform_indices = @transform_0, window_bounds = array<i64: 1, 1000, 128>}, {transform_indices = @transform_1, window_bounds = array<i64: 1, 1000, 128>}, {transform_indices = @transform_2, window_bounds = array<i64: 1, 1000, 128>}, {transform_indices = @transform_3, window_bounds = array<i64: 1, 1000, 128>}, {transform_indices = @transform_4, window_bounds = array<i64: 1000, 128>}, {transform_indices = @transform_5, window_bounds = array<i64: 1000, 128>}, {transform_indices = @transform_6, window_bounds = array<i64: 1, 1000, 16>}, {transform_indices = @transform_7, window_bounds = array<i64: 1, 1000, 16>}, {pipeline_mode = #tpu.pipeline_mode<synchronous>, transform_indices = @transform_8, window_bounds = array<i64: 256, 256>}, {pipeline_mode = #tpu.pipeline_mode<synchronous>, transform_indices = @transform_9, window_bounds = array<i64: 256>}, {pipeline_mode = #tpu.pipeline_mode<synchronous>, transform_indices = @transform_10, window_bounds = array<i64: 256>}, {pipeline_mode = #tpu.pipeline_mode<synchronous>, transform_indices = @transform_11, window_bounds = array<i64: 256>}, {pipeline_mode = #tpu.pipeline_mode<synchronous>, transform_indices = @transform_12, window_bounds = array<i64: 256, 128>}, {transform_indices = @transform_13, window_bounds = array<i64: 1000, 128>}]} {
    %get3A = arith.constant 0 : index
    %get3A_0 = arith.constant 0 : index
    %get3A_1 = arith.constant 0 : index
    %get3A_2 = vector.load %arg7[%get3A, %get3A_0, %get3A_1] : memref<1x1000x16xf32, #tpu.memory_space<vmem>>, vector<1x1000x16xf32>
    %get3A_3 = arith.constant 0 : index
    %get3A_4 = arith.constant 0 : index
    %get3A_5 = arith.constant 0 : index
    %get3A_6 = vector.load %arg8[%get3A_3, %get3A_4, %get3A_5] : memref<1x1000x16xf32, #tpu.memory_space<vmem>>, vector<1x1000x16xf32>
    %squeeze3A = vector.shape_cast %get3A_2 : vector<1x1000x16xf32> to vector<1000x16xf32>
    %slice3A = vector.extract_strided_slice %squeeze3A {offsets = [0, 0], sizes = [1000, 1], strides = [1, 1]} : vector<1000x16xf32> to vector<1000x1xf32>
    %add3A = arith.constant 1.000000e+00 : f32
    %add3A_7 = vector.broadcast %add3A : f32 to vector<1000x1xf32>
    %add3A_8 = arith.addf %add3A_7, %slice3A : vector<1000x1xf32>
    %squeeze3A_9 = vector.shape_cast %get3A_6 : vector<1x1000x16xf32> to vector<1000x16xf32>
    %slice3A_10 = vector.extract_strided_slice %squeeze3A_9 {offsets = [0, 0], sizes = [1000, 1], strides = [1, 1]} : vector<1000x16xf32> to vector<1000x1xf32>
    %add3A_11 = arith.addf %add3A_8, %slice3A_10 : vector<1000x1xf32>
    %rsqrt3A = math.rsqrt %add3A_11 : vector<1000x1xf32>
    %get3A_12 = arith.constant 0 : index
    %get3A_13 = arith.constant 0 : index
    %get3A_14 = arith.constant 0 : index
    %get3A_15 = vector.load %arg1[%get3A_12, %get3A_13, %get3A_14] : memref<1x1000x128xf32, #tpu.memory_space<vmem>>, vector<1x1000x128xf32>
    %get3A_16 = vector.shape_cast %get3A_15 : vector<1x1000x128xf32> to vector<1000x128xf32>
    %get3A_17 = arith.constant 0 : index
    %get3A_18 = arith.constant 0 : index
    %get3A_19 = arith.constant 0 : index
    %get3A_20 = vector.load %arg2[%get3A_17, %get3A_18, %get3A_19] : memref<1x1000x128xf32, #tpu.memory_space<vmem>>, vector<1x1000x128xf32>
    %get3A_21 = vector.shape_cast %get3A_20 : vector<1x1000x128xf32> to vector<1000x128xf32>
    %add3A_22 = arith.addf %get3A_16, %get3A_21 : vector<1000x128xf32>
    %get3A_23 = arith.constant 0 : index
    %get3A_24 = arith.constant 0 : index
    %get3A_25 = vector.load %arg5[%get3A_23, %get3A_24] : memref<1000x128xf32, #tpu.memory_space<vmem>>, vector<1000x128xf32>
    %add3A_26 = arith.addf %add3A_22, %get3A_25 : vector<1000x128xf32>
    %get3A_27 = arith.constant 0 : index
    %get3A_28 = arith.constant 0 : index
    %get3A_29 = arith.constant 0 : index
    %get3A_30 = vector.load %arg3[%get3A_27, %get3A_28, %get3A_29] : memref<1x1000x128xf32, #tpu.memory_space<vmem>>, vector<1x1000x128xf32>
    %get3A_31 = vector.shape_cast %get3A_30 : vector<1x1000x128xf32> to vector<1000x128xf32>
    %get3A_32 = arith.constant 0 : index
    %get3A_33 = arith.constant 0 : index
    %get3A_34 = arith.constant 0 : index
    %get3A_35 = vector.load %arg4[%get3A_32, %get3A_33, %get3A_34] : memref<1x1000x128xf32, #tpu.memory_space<vmem>>, vector<1x1000x128xf32>
    %get3A_36 = vector.shape_cast %get3A_35 : vector<1x1000x128xf32> to vector<1000x128xf32>
    %add3A_37 = arith.addf %get3A_31, %get3A_36 : vector<1000x128xf32>
    %get3A_38 = arith.constant 0 : index
    %get3A_39 = arith.constant 0 : index
    %get3A_40 = vector.load %arg6[%get3A_38, %get3A_39] : memref<1000x128xf32, #tpu.memory_space<vmem>>, vector<1000x128xf32>
    %add3A_41 = arith.addf %add3A_37, %get3A_40 : vector<1000x128xf32>
    %concatenate3A = tpu.concatenate %add3A_26, %add3A_41 in 1 : vector<1000x128xf32>, vector<1000x128xf32> -> vector<1000x256xf32>
    %mul3A = vector.broadcast %rsqrt3A : vector<1000x1xf32> to vector<1000x256xf32>
    %mul3A_42 = arith.mulf %concatenate3A, %mul3A : vector<1000x256xf32>
    %get3A_43 = arith.constant 0 : index
    %get3A_44 = arith.constant 0 : index
    %get3A_45 = vector.load %arg9[%get3A_43, %get3A_44] : memref<256x256xf32, #tpu.memory_space<vmem>>, vector<256x256xf32>
    %dot_general3A = arith.constant dense<0.000000e+00> : vector<1000x256xf32>
    %dot_general3A_46 = tpu.matmul %mul3A_42, %get3A_45, %dot_general3A {dimension_numbers = #tpu.dot_dimension_numbers<[1], [0], [0], [1], [0, 0, 1, 1], [], []>, transpose_lhs_hint = false} : vector<1000x256xf32>, vector<256x256xf32>, vector<1000x256xf32> -> vector<1000x256xf32>
    %get3A_47 = arith.constant 0 : index
    %get3A_48 = vector.load %arg10[%get3A_47] : memref<256xf32, #tpu.memory_space<vmem>>, vector<256xf32>
    %broadcast_in_dim3A = vector.shape_cast %get3A_48 : vector<256xf32> to vector<1x256xf32>
    %add3A_49 = vector.broadcast %broadcast_in_dim3A : vector<1x256xf32> to vector<1000x256xf32>
    %add3A_50 = arith.addf %dot_general3A_46, %add3A_49 : vector<1000x256xf32>
    %get3A_51 = arith.constant 0 : index
    %get3A_52 = vector.load %arg11[%get3A_51] : memref<256xf32, #tpu.memory_space<vmem>>, vector<256xf32>
    %mul3A_53 = arith.constant 0.999994993 : f32
    %mul3A_54 = vector.broadcast %mul3A_53 : f32 to vector<256xf32>
    %mul3A_55 = arith.mulf %get3A_52, %mul3A_54 : vector<256xf32>
    %broadcast_in_dim3A_56 = vector.shape_cast %mul3A_55 : vector<256xf32> to vector<1x256xf32>
    %mul3A_57 = vector.broadcast %broadcast_in_dim3A_56 : vector<1x256xf32> to vector<1000x256xf32>
    %mul3A_58 = arith.mulf %add3A_50, %mul3A_57 : vector<1000x256xf32>
    %get3A_59 = arith.constant 0 : index
    %get3A_60 = vector.load %arg12[%get3A_59] : memref<256xf32, #tpu.memory_space<vmem>>, vector<256xf32>
    %broadcast_in_dim3A_61 = vector.shape_cast %get3A_60 : vector<256xf32> to vector<1x256xf32>
    %add3A_62 = vector.broadcast %broadcast_in_dim3A_61 : vector<1x256xf32> to vector<1000x256xf32>
    %add3A_63 = arith.addf %mul3A_58, %add3A_62 : vector<1000x256xf32>
    %max3A = arith.constant 0.000000e+00 : f32
    %max3A_64 = vector.broadcast %max3A : f32 to vector<1000x256xf32>
    %max3A_65 = arith.maximumf %add3A_63, %max3A_64 : vector<1000x256xf32>
    %get3A_66 = arith.constant 0 : index
    %get3A_67 = arith.constant 0 : index
    %get3A_68 = vector.load %arg13[%get3A_66, %get3A_67] : memref<256x128xf32, #tpu.memory_space<vmem>>, vector<256x128xf32>
    %dot_general3A_69 = arith.constant dense<0.000000e+00> : vector<1000x128xf32>
    %dot_general3A_70 = tpu.matmul %max3A_65, %get3A_68, %dot_general3A_69 {dimension_numbers = #tpu.dot_dimension_numbers<[1], [0], [0], [1], [0, 0, 1, 1], [], []>, transpose_lhs_hint = false} : vector<1000x256xf32>, vector<256x128xf32>, vector<1000x128xf32> -> vector<1000x128xf32>
    %mul3A_71 = vector.broadcast %rsqrt3A : vector<1000x1xf32> to vector<1000x128xf32>
    %mul3A_72 = arith.mulf %dot_general3A_70, %mul3A_71 : vector<1000x128xf32>
    %swap3A = arith.constant 0 : index
    %swap3A_73 = arith.constant 0 : index
    %swap3A_74 = vector.load %arg14[%swap3A, %swap3A_73] : memref<1000x128xf32, #tpu.memory_space<vmem>>, vector<1000x128xf32>
    tpu.vector_store %arg14[%swap3A, %swap3A_73], %mul3A_72 {strides = array<i32>} : memref<1000x128xf32, #tpu.memory_space<vmem>>, vector<1000x128xf32>,
    return
  }
  func.func @transform_0(%arg0: i32) -> (i32, i32, i32) {
    %c0_i32 = arith.constant 0 : i32
    %c0_i32_0 = arith.constant 0 : i32
    %c0_i32_1 = arith.constant 0 : i32
    return %c0_i32, %arg0, %c0_i32_0 : i32, i32, i32
  }
  func.func @transform_1(%arg0: i32) -> (i32, i32, i32) {
    %c1_i32 = arith.constant 1 : i32
    %c0_i32 = arith.constant 0 : i32
    %c0_i32_0 = arith.constant 0 : i32
    return %c1_i32, %arg0, %c0_i32 : i32, i32, i32
  }
  func.func @transform_2(%arg0: i32) -> (i32, i32, i32) {
    %c0_i32 = arith.constant 0 : i32
    %c0_i32_0 = arith.constant 0 : i32
    %c0_i32_1 = arith.constant 0 : i32
    return %c0_i32, %arg0, %c0_i32_0 : i32, i32, i32
  }
  func.func @transform_3(%arg0: i32) -> (i32, i32, i32) {
    %c1_i32 = arith.constant 1 : i32
    %c0_i32 = arith.constant 0 : i32
    %c0_i32_0 = arith.constant 0 : i32
    return %c1_i32, %arg0, %c0_i32 : i32, i32, i32
  }
  func.func @transform_4(%arg0: i32) -> (i32, i32) {
    %c0_i32 = arith.constant 0 : i32
    %c0_i32_0 = arith.constant 0 : i32
    return %arg0, %c0_i32 : i32, i32
  }
  func.func @transform_5(%arg0: i32) -> (i32, i32) {
    %c0_i32 = arith.constant 0 : i32
    %c0_i32_0 = arith.constant 0 : i32
    return %arg0, %c0_i32 : i32, i32
  }
  func.func @transform_6(%arg0: i32) -> (i32, i32, i32) {
    %c0_i32 = arith.constant 0 : i32
    %c0_i32_0 = arith.constant 0 : i32
    %c0_i32_1 = arith.constant 0 : i32
    return %c0_i32, %arg0, %c0_i32_0 : i32, i32, i32
  }
  func.func @transform_7(%arg0: i32) -> (i32, i32, i32) {
    %c1_i32 = arith.constant 1 : i32
    %c0_i32 = arith.constant 0 : i32
    %c0_i32_0 = arith.constant 0 : i32
    return %c1_i32, %arg0, %c0_i32 : i32, i32, i32
  }
  func.func @transform_8(%arg0: i32) -> (i32, i32) {
    %c0_i32 = arith.constant 0 : i32
    %c0_i32_0 = arith.constant 0 : i32
    %c0_i32_1 = arith.constant 0 : i32
    return %c0_i32, %c0_i32_0 : i32, i32
  }
  func.func @transform_9(%arg0: i32) -> i32 {
    %c0_i32 = arith.constant 0 : i32
    %c0_i32_0 = arith.constant 0 : i32
    return %c0_i32 : i32
  }
  func.func @transform_10(%arg0: i32) -> i32 {
    %c0_i32 = arith.constant 0 : i32
    %c0_i32_0 = arith.constant 0 : i32
    return %c0_i32 : i32
  }
  func.func @transform_11(%arg0: i32) -> i32 {
    %c0_i32 = arith.constant 0 : i32
    %c0_i32_0 = arith.constant 0 : i32
    return %c0_i32 : i32
  }
  func.func @transform_12(%arg0: i32) -> (i32, i32) {
    %c0_i32 = arith.constant 0 : i32
    %c0_i32_0 = arith.constant 0 : i32
    %c0_i32_1 = arith.constant 0 : i32
    return %c0_i32, %c0_i32_0 : i32, i32
  }
  func.func @transform_13(%arg0: i32) -> (i32, i32) {
    %c0_i32 = arith.constant 0 : i32
    %c0_i32_0 = arith.constant 0 : i32
    return %arg0, %c0_i32 : i32, i32
  }
}

module attributes {stable_mosaic.version = 14 : i64} {
  func.func @_tc_fin_body(%arg0: i32, %arg1: memref<1x1000x128xf32, #tpu.memory_space<vmem>>, %arg2: memref<1x1000x128xf32, #tpu.memory_space<vmem>>, %arg3: memref<1000x128xf32, #tpu.memory_space<vmem>>, %arg4: memref<1x1000x16xf32, #tpu.memory_space<vmem>>, %arg5: memref<1x1000x16xf32, #tpu.memory_space<vmem>>, %arg6: memref<128xf32, #tpu.memory_space<vmem>>, %arg7: memref<1000x128xf32, #tpu.memory_space<vmem>>) attributes {dimension_semantics = [#tpu.dimension_semantics<arbitrary>], iteration_bounds = array<i64: 10>, scalar_prefetch = 0 : i64, scratch_operands = 0 : i64, tpu.core_type = #tpu.core_type<tc>, window_params = [{transform_indices = @transform_0, window_bounds = array<i64: 1, 1000, 128>}, {transform_indices = @transform_1, window_bounds = array<i64: 1, 1000, 128>}, {transform_indices = @transform_2, window_bounds = array<i64: 1000, 128>}, {transform_indices = @transform_3, window_bounds = array<i64: 1, 1000, 16>}, {transform_indices = @transform_4, window_bounds = array<i64: 1, 1000, 16>}, {pipeline_mode = #tpu.pipeline_mode<synchronous>, transform_indices = @transform_5, window_bounds = array<i64: 128>}, {transform_indices = @transform_6, window_bounds = array<i64: 1000, 128>}]} {
    %get3A = arith.constant 0 : index
    %get3A_0 = arith.constant 0 : index
    %get3A_1 = arith.constant 0 : index
    %get3A_2 = vector.load %arg4[%get3A, %get3A_0, %get3A_1] : memref<1x1000x16xf32, #tpu.memory_space<vmem>>, vector<1x1000x16xf32>
    %get3A_3 = arith.constant 0 : index
    %get3A_4 = arith.constant 0 : index
    %get3A_5 = arith.constant 0 : index
    %get3A_6 = vector.load %arg5[%get3A_3, %get3A_4, %get3A_5] : memref<1x1000x16xf32, #tpu.memory_space<vmem>>, vector<1x1000x16xf32>
    %squeeze3A = vector.shape_cast %get3A_2 : vector<1x1000x16xf32> to vector<1000x16xf32>
    %slice3A = vector.extract_strided_slice %squeeze3A {offsets = [0, 0], sizes = [1000, 1], strides = [1, 1]} : vector<1000x16xf32> to vector<1000x1xf32>
    %add3A = arith.constant 1.000000e+00 : f32
    %add3A_7 = vector.broadcast %add3A : f32 to vector<1000x1xf32>
    %add3A_8 = arith.addf %add3A_7, %slice3A : vector<1000x1xf32>
    %squeeze3A_9 = vector.shape_cast %get3A_6 : vector<1x1000x16xf32> to vector<1000x16xf32>
    %slice3A_10 = vector.extract_strided_slice %squeeze3A_9 {offsets = [0, 0], sizes = [1000, 1], strides = [1, 1]} : vector<1000x16xf32> to vector<1000x1xf32>
    %add3A_11 = arith.addf %add3A_8, %slice3A_10 : vector<1000x1xf32>
    %rsqrt3A = math.rsqrt %add3A_11 : vector<1000x1xf32>
    %get3A_12 = arith.constant 0 : index
    %get3A_13 = arith.constant 0 : index
    %get3A_14 = arith.constant 0 : index
    %get3A_15 = vector.load %arg1[%get3A_12, %get3A_13, %get3A_14] : memref<1x1000x128xf32, #tpu.memory_space<vmem>>, vector<1x1000x128xf32>
    %get3A_16 = vector.shape_cast %get3A_15 : vector<1x1000x128xf32> to vector<1000x128xf32>
    %get3A_17 = arith.constant 0 : index
    %get3A_18 = arith.constant 0 : index
    %get3A_19 = arith.constant 0 : index
    %get3A_20 = vector.load %arg2[%get3A_17, %get3A_18, %get3A_19] : memref<1x1000x128xf32, #tpu.memory_space<vmem>>, vector<1x1000x128xf32>
    %get3A_21 = vector.shape_cast %get3A_20 : vector<1x1000x128xf32> to vector<1000x128xf32>
    %add3A_22 = arith.addf %get3A_16, %get3A_21 : vector<1000x128xf32>
    %get3A_23 = arith.constant 0 : index
    %get3A_24 = arith.constant 0 : index
    %get3A_25 = vector.load %arg3[%get3A_23, %get3A_24] : memref<1000x128xf32, #tpu.memory_space<vmem>>, vector<1000x128xf32>
    %add3A_26 = arith.addf %add3A_22, %get3A_25 : vector<1000x128xf32>
    %mul3A = vector.broadcast %rsqrt3A : vector<1000x1xf32> to vector<1000x128xf32>
    %mul3A_27 = arith.mulf %add3A_26, %mul3A : vector<1000x128xf32>
    %get3A_28 = arith.constant 0 : index
    %get3A_29 = vector.load %arg6[%get3A_28] : memref<128xf32, #tpu.memory_space<vmem>>, vector<128xf32>
    %broadcast_in_dim3A = vector.shape_cast %get3A_29 : vector<128xf32> to vector<1x128xf32>
    %add3A_30 = vector.broadcast %broadcast_in_dim3A : vector<1x128xf32> to vector<1000x128xf32>
    %add3A_31 = arith.addf %mul3A_27, %add3A_30 : vector<1000x128xf32>
    %swap3A = arith.constant 0 : index
    %swap3A_32 = arith.constant 0 : index
    %swap3A_33 = vector.load %arg7[%swap3A, %swap3A_32] : memref<1000x128xf32, #tpu.memory_space<vmem>>, vector<1000x128xf32>
    tpu.vector_store %arg7[%swap3A, %swap3A_32], %add3A_31 {strides = array<i32>} : memref<1000x128xf32, #tpu.memory_space<vmem>>, vector<1000x128xf32>,
    return
  }
  func.func @transform_0(%arg0: i32) -> (i32, i32, i32) {
    %c0_i32 = arith.constant 0 : i32
    %c0_i32_0 = arith.constant 0 : i32
    %c0_i32_1 = arith.constant 0 : i32
    return %c0_i32, %arg0, %c0_i32_0 : i32, i32, i32
  }
  func.func @transform_1(%arg0: i32) -> (i32, i32, i32) {
    %c1_i32 = arith.constant 1 : i32
    %c0_i32 = arith.constant 0 : i32
    %c0_i32_0 = arith.constant 0 : i32
    return %c1_i32, %arg0, %c0_i32 : i32, i32, i32
  }
  func.func @transform_2(%arg0: i32) -> (i32, i32) {
    %c0_i32 = arith.constant 0 : i32
    %c0_i32_0 = arith.constant 0 : i32
    return %arg0, %c0_i32 : i32, i32
  }
  func.func @transform_3(%arg0: i32) -> (i32, i32, i32) {
    %c0_i32 = arith.constant 0 : i32
    %c0_i32_0 = arith.constant 0 : i32
    %c0_i32_1 = arith.constant 0 : i32
    return %c0_i32, %arg0, %c0_i32_0 : i32, i32, i32
  }
  func.func @transform_4(%arg0: i32) -> (i32, i32, i32) {
    %c1_i32 = arith.constant 1 : i32
    %c0_i32 = arith.constant 0 : i32
    %c0_i32_0 = arith.constant 0 : i32
    return %c1_i32, %arg0, %c0_i32 : i32, i32, i32
  }
  func.func @transform_5(%arg0: i32) -> i32 {
    %c0_i32 = arith.constant 0 : i32
    %c0_i32_0 = arith.constant 0 : i32
    return %c0_i32 : i32
  }
  func.func @transform_6(%arg0: i32) -> (i32, i32) {
    %c0_i32 = arith.constant 0 : i32
    %c0_i32_0 = arith.constant 0 : i32
    return %arg0, %c0_i32 : i32, i32
  }
}

</mosaic_0001>

<sc_bundles>
// kernel: kernel.11.cloned.1.call-start
scs
__scs_entry_jumppad:
0x0: {  	(pc) =	sbr.rel $0x88, $3  }
0x1: {  	(tag) =	ssettag $0x0;
	lr =	simm.s32 $0x1  }
0x2: {  	[smem:$0x3F95] =	sst lr;
	_ =	strace $0xD0000000  }
0x3: {  	_ = 	snop  }
0x4: {  	_ = 	snop  }
0x5: {  	_ = 	snop  }
0x6: {  	_ = 	snop  }
0x7: {  	_ = 	snop  }
__scs_overlays_trampoline_lowered:
0x8: {  	[smem:$0x3FA4] =	sst s0  }
0x9: {  	[smem:$0x3FA5] =	sst s1  }
0xa: {  	[smem:$0x3FA6] =	sst s2  }
0xb: {  	[smem:$0x3FA7] =	sst s3  }
0xc: {  	[smem:$0x3FA8] =	sst s4  }
0xd: {  	[smem:$0x3FA9] =	sst s5  }
0xe: {  	[smem:$0x3FAA] =	sst s6  }
0xf: {  	[smem:$0x3FAB] =	sst s7  }
0x10: {  	[smem:$0x3FAC] =	sst s8  }
0x11: {  	[smem:$0x3FAD] =	sst s9;
	s0 =	simm.s32 @!p0 $0x0  }
0x12: {  	s1 =	sld [smem:$0x3F93];
	s0 =	simm.s32 @p0 $0x1  }
0x13: {  	[smem:$0x3FAE] =	sst s0;
	s0 =	simm.s32 @!p1 $0x0  }
0x14: {  	s2 =	sld [smem:$0x3F92];
	s0 =	simm.s32 @p1 $0x1  }
0x15: {  	[smem:$0x3FAF] =	sst s0;
	s0 =	simm.s32 @!p2 $0x0  }
0x16: {  	s3 =	sld [smem:$0x3FDB];
	s0 =	simm.s32 @p2 $0x1  }
0x17: {  	s4 =	simm.s32 $0x1BF5;
	[smem:$0x3FB1] =	sst s0  }
0x18: {  	s0 =	sld [smem:$0x3F94];
	_ =	swait.ge [sflag:s4], $0x0  }
0x19: {  	s7 =	sld [smem:$0x3F95]  }
0x1a: {  	s8 =	sadd.s32 $0xFFFFE003, lr  }
0x1b: {  	s9 =	sadd.s32 $0xFFFFFEF7, lr;
	s5 =	simm.s32 $0xFFFFFFFF;
	p2 =	slt.u32 s8, $0xFFFFF086  }
0x1c: {  	p1 =	slt.u32 s9, $0xF7A;
	s5 =	simm.s32 @!p2 $0x0  }
0x1d: {  	s5 =	simm.s32 @p1 $0x1;
	p0 =	seq.s32 s7, s2  }
0x1e: {  	s7 =	smul.u32 @!p0 $0xF7A, s2;
	p2 =	seq.s32 @!p0 s5, $0x0  }
0x1f: {  	s9 =	smul.u32 $0xF7A, s1;
	s8 =	simm.s32 @!p0 $0x1BF5;
	p2 =	por !p2, p0  }
0x20: {  	[sflag:s8] =	ssyncset.s32 @!p0 $0xFFFFF086;
	s6 =	sadd.s32 @!p0 s3, s7;
	s7 =	simm.s32 @!p0 $0x108  }
0x21: {  	s3 =	sadd.s32 s3, s9;
	s6 =	sadd.s32 @!p0 $0x88, s6;
	s7 =	simm.s32 @p2 $0x1082  }
0x22: {  	[simem:s7], [sflag:s8] =	dma.local @!p0 [hbm:s6], $0xF7A  }
0x23: {  	s9 =	sor.u32 $0xD0000000, s2;
	s6 =	simm.s32 $0x108;
	_ =	swait.ge @!p0 [sflag:s8], $0x0  }
0x24: {  	s3 =	sadd.s32 $0x88, s3;
	s6 =	simm.s32 @!p1 $0x1082;
	[sflag:s4] =	ssyncset.s32 $0xFFFFF086  }
0x25: {  	[simem:s6], [sflag:s4] =	dma.local [hbm:s3], $0xF7A  }
0x26: {  	[smem:$0x3F95] =	sst s1;
	(tag) =	ssettag s2;
	_ =	strace s9  }
0x27: {  	s1 =	sld [smem:$0x3FA5]  }
0x28: {  	s2 =	sld [smem:$0x3FA6]  }
0x29: {  	s4 =	sld [smem:$0x3FA8]  }
0x2a: {  	p0 =	seq.s32 s5, $0x0;
	s5 =	sld [smem:$0x3FA9]  }
0x2b: {  	s6 =	sld [smem:$0x3FAA]  }
0x2c: {  	s7 =	sld [smem:$0x3FAB]  }
0x2d: {  	s3 =	simm.s32 $0x108;
	s8 =	sld [smem:$0x3FAC]  }
0x2e: {  	s3 =	simm.s32 @!p0 $0x1082;
	s9 =	sld [smem:$0x3FAD]  }
0x2f: {  	lr =	sadd.s32 s0, s3;
	s0 =	sld [smem:$0x3FA4]  }
0x30: {  	s3 =	sld [smem:$0x3FA7]  }
0x31: {  	[smem:$0x3FB0] =	sst s10  }
0x32: {  	s10 =	sld [smem:$0x3FAE];
	_ =	sdelay $0x3  }
0x33: {  	p0 =	seq.s32 s10, $0x1;
	s10 =	sld [smem:$0x3FB0];
	_ =	sdelay $0x3  }
0x34: {  	[smem:$0x3FB0] =	sst s10  }
0x35: {  	s10 =	sld [smem:$0x3FAF];
	_ =	sdelay $0x3  }
0x36: {  	p1 =	seq.s32 s10, $0x1;
	s10 =	sld [smem:$0x3FB0];
	_ =	sdelay $0x3  }
0x37: {  	[smem:$0x3FB0] =	sst s10  }
0x38: {  	s10 =	sld [smem:$0x3FB1]  }
0x39: {  	_ = 	snop;
	(pc) =	sbr.ind lr, $3  }
0x3a: {  	_ = 	snop  }
0x3b: {  	_ = 	snop  }
0x3c: {  	p2 =	seq.s32 s10, $0x1;
	s10 =	sld [smem:$0x3FB0]  }
0x3d: {  	_ =	shalt  }
0x3e: {  	_ =	shalt  }
0x3f: {  	_ =	shalt  }
0x40: {  	_ =	shalt  }
0x41: {  	_ =	shalt  }
0x42: {  	_ =	shalt  }
0x43: {  	_ =	shalt  }
0x44: {  	_ =	shalt  }
0x45: {  	_ =	shalt  }
0x46: {  	_ =	shalt  }
0x47: {  	_ =	shalt  }
0x48: {  	_ =	shalt  }
0x49: {  	_ =	shalt  }
0x4a: {  	_ =	shalt  }
0x4b: {  	_ =	shalt  }
0x4c: {  	_ =	shalt  }
0x4d: {  	_ =	shalt  }
0x4e: {  	_ =	shalt  }
0x4f: {  	_ =	shalt  }
0x50: {  	_ =	shalt  }
0x51: {  	_ =	shalt  }
0x52: {  	_ =	shalt  }
0x53: {  	_ =	shalt  }
0x54: {  	_ =	shalt  }
0x55: {  	_ =	shalt  }
0x56: {  	_ =	shalt  }
0x57: {  	_ =	shalt  }
0x58: {  	_ =	shalt  }
0x59: {  	_ =	shalt  }
0x5a: {  	_ =	shalt  }
0x5b: {  	_ =	shalt  }
0x5c: {  	_ =	shalt  }
0x5d: {  	_ =	shalt  }
0x5e: {  	_ =	shalt  }
0x5f: {  	_ =	shalt  }
0x60: {  	_ =	shalt  }
0x61: {  	_ =	shalt  }
0x62: {  	_ =	shalt  }
0x63: {  	_ =	shalt  }
0x64: {  	_ =	shalt  }
0x65: {  	_ =	shalt  }
0x66: {  	_ =	shalt  }
0x67: {  	_ =	shalt  }
0x68: {  	_ =	shalt  }
0x69: {  	_ =	shalt  }
0x6a: {  	_ =	shalt  }
0x6b: {  	_ =	shalt  }
0x6c: {  	_ =	shalt  }
0x6d: {  	_ =	shalt  }
0x6e: {  	_ =	shalt  }
0x6f: {  	_ =	shalt  }
0x70: {  	_ =	shalt  }
0x71: {  	_ =	shalt  }
0x72: {  	_ =	shalt  }
0x73: {  	_ =	shalt  }
0x74: {  	_ =	shalt  }
0x75: {  	_ =	shalt  }
0x76: {  	_ =	shalt  }
0x77: {  	_ =	shalt  }
0x78: {  	_ =	shalt  }
0x79: {  	_ =	shalt  }
0x7a: {  	_ =	shalt  }
0x7b: {  	_ =	shalt  }
0x7c: {  	_ =	shalt  }
0x7d: {  	_ =	shalt  }
0x7e: {  	_ =	shalt  }
0x7f: {  	_ =	shalt  }
0x80: {  	_ =	shalt  }
0x81: {  	_ =	shalt  }
0x82: {  	_ =	shalt  }
0x83: {  	_ =	shalt  }
0x84: {  	_ =	shalt  }
0x85: {  	_ =	shalt  }
0x86: {  	_ =	shalt  }
0x87: {  	_ =	shalt  }
.Lfunc_end0:
.L_simem_size_0:
called_computation_lowered:
.L_overlay_start_0:
0x88: {  	s2 =	sld [smem:$0x3FD9]  }
0x89: {  	s3 =	sld [smem:$0x3FFE];
	_ =	sdelay $0x1  }
0x8a: {  	s1 =	srdreg.scid  }
0x8b: {  	s0 =	sand.u32 $0x1, s1  }
0x8c: {  	s16 =	sshll.u32 s0, $0xA;
	s2 =	sadd.s32 s3, s2  }
0x8d: {  	s2 =	sadd.s32 s2, s16  }
0x8e: {  	[smem:$0x3FBC] =	sst s2  }
0x8f: {  	_ = 	snop  }
0x90: {  	(tm) =	ssettm $0x1  }
0x91: {  	s17 =	sld [smem:$0x3FFB];
	_ =	sdelay $0x3  }
0x92: {  	_ =	strace s17  }
0x93: {  	s2 =	sld [smem:$0x3FFC];
	_ =	sdelay $0x3  }
0x94: {  	_ =	strace s2  }
0x95: {  	s2 =	sld [smem:$0x3FFD];
	_ =	sdelay $0x3  }
0x96: {  	_ =	strace s2  }
0x97: {  	_ =	strace $0x8FFFFFFF  }
0x98: {  	s18 =	sld [smem:$0x3FDB];
	_ =	sdelay $0x1  }
0x99: {  	s19 =	simm.s32 $_scs_section_size  }
0x9a: {  	s4 =	simm.s32 $_size__tile_overlayer_lowered;
	s5 =	simm.s32 $_tile_overlayer_lowered  }
0x9b: {  	s22 =	simm.s32 $0x1BFF;
	s21 =	sshll.u32 s5, $0x1;
	s2 =	sadd.s32 s19, s18  }
0x9c: {  	s6 =	simm.s32 $0x0;
	s20 =	sshll.u32 s4, $0x1;
	s4 =	sadd.s32 s21, s2  }
0x9d: {  	[timem:s6], [sflag:s22] =	dma.local [hbm:s4], s20  }
0x9e: {  	_ =	swait.ge [sflag:s22], s20  }
0x9f: {  	s3 =	ssub.s32 $0x0, s20;
	[sflag:s22] =	ssyncset.done $0x0  }
0xa0: {  	[sflag:s22] =	ssyncadd.s32 s3;
	_ =	sdelay $0x1  }
0xa1: {  	s23 =	simm.s32 $0x1B8B  }
0xa2: {  	_ =	swait.ge [sflag:s23], $0x1  }
0xa3: {  	[sflag:s23] =	ssyncset.done $0x0  }
0xa4: {  	s25 =	simm.s32 $0x1B8E;
	s24 =	sld [smem:$0x3FFE];
	[sflag:s23] =	ssyncadd.s32 $0xFFFFFFFF  }
0xa5: {  	s26 =	simm.s32 $execute0_lowered;
	[smem:$0x3FD2] =	sst s25  }
0xa6: {  	s4 =	sshll.u32 s26, $0x1;
	_ =	strace $0x80000046;
	[dreg:$0x1] =	wrdreg $0xFFFFFFFF  }
0xa7: {  	s28 =	simm.s32 $_size_execute0_lowered;
	s2 =	sadd.s32 s2, s4;
	[dreg:$0x0] =	wrdreg $0x0  }
0xa8: {  	s4 =	sshll.u32 s28, $0x1;
	[dreg:$0x2] =	wrdreg s2  }
0xa9: {  	[dreg:$0x3] =	wrdreg s4  }
0xaa: {  	[dreg:$0x4] =	wrdreg $0xC0  }
0xab: {  	_ =	task [dreg:s6], $0x5FFFF  }
0xac: {  	[dreg:$0x1] =	wrdreg $0xFFFFFFFF  }
0xad: {  	[dreg:$0x0] =	wrdreg $0x60  }
0xae: {  	[dreg:$0x2] =	wrdreg s24  }
0xaf: {  	[dreg:$0x3] =	wrdreg $0x0  }
0xb0: {  	[dreg:$0x4] =	wrdreg $0x9  }
0xb1: {  	_ =	task.clear_ibuf [dreg:s6], $0x5FFFF;
	_ =	strace $0x90000046  }
0xb2: {  	s29 =	simm.s32 $0x9;
	_ =	strace $0x80000048  }
0xb3: {  	_ =	swait.ge [sflag:s29], $0x1  }
0xb4: {  	[sflag:s29] =	ssyncadd.s32 $0xFFFFFFFF  }
0xb5: {  	_ =	strace $0x90000048  }
0xb6: {  	_ =	sfence  }
0xb7: {  	s30 =	sld [smem:$0x0];
	_ =	sdelay $0x2  }
0xb8: {  	s31 =	sshll.u32 s1, $0xD;
	s1 =	sshrl.u32 s1, $0x2  }
0xb9: {  	s3 =	sand.u32 $0x4000, s31;
	s1 =	sadd.s32 s1, s30  }
0xba: {  	s0 =	sor.u32 s3, s0;
	s1 =	sshll.u32 s1, $0x11  }
0xbb: {  	s0 =	sor.u32 s1, s0  }
0xbc: {  	s0 =	sadd.s32 $0x8F2B, s0  }
0xbd: {  	[sflag:s0] =	ssyncadd.remote.s32 $0x1  }
0xbe: {  	_ =	sfence.sel $0xFFFF  }
0xbf: {  	[dreg:$0x0] =	wrdreg $0xFFFFFFFF;
	(pc) =	sbr.abs _section_cstart, $3  }
0xc0: {  	[dreg:$0x1] =	wrdreg $0xFFFFFFFF  }
0xc1: {  	_ =	task.clear_ibuf [dreg:s6], $0x2FFFF;
	_ =	strace $0x9FFFFFFF  }
0xc2: {  	(tm) =	ssettm $0x7FFFFFFF  }
0xc3: {  	_ =	shalt  }
tec
execute0_lowered:
.L_overlay_start_1:
0x0: {  	(tag) =	ssettag $0x1  }
0x1: {  	s4 =	rddreg [dreg:$0x0]  }
0x2: {  	s0 =	srdreg.scid;
	s2 =	rddreg [dreg:$0x1]  }
0x3: {  	s1 =	rddreg [dreg:$0x2];
	s5 =	sand.u32 $0x1, s0  }
0x4: {  	s0 =	stileid.u32;
	s6 =	smul.u32 $0x140000, s5  }
0x5: {  	s3 =	simm.s32 $0x0;
	s11 =	simm.s32 $0x2800;
	s7 =	smul.u32 $0x14000, s0  }
0x6: {  	s12 =	simm.s32 $0x140;
	s13 =	simm.s32 $0x2980;
	s8 =	smul.u32 $0x6000, s5  }
0x7: {  	s16 =	simm.s32 $0x0;
	[smem:$0x7FF] =	sst s3;
	s30 =	smul.u32 $0x50000, s0  }
0x8: {  	_ =	strace $0x80000047;
	s5 =	ssub.s32 $0x2, s5;
	s14 =	sshll.u32 s0, $0x6  }
0x9: {  	s9 =	smul.u32 $0x600, s0;
	s10 =	sshrl.u32 s5, $0x1;
	s14 =	sor.u32 $0x1C01, s14  }
0xa: {  	s6 =	sadd.s32 s7, s6;
	s8 =	sadd.s32 s8, s4;
	s7 =	sshrl.u32 s30, $0x2  }
0xb: {  	s31 =	ssub.s32 s5, s10;
	s10 =	simm.s32 $0x1;
	s6 =	sshrl.u32 s6, $0x3  }
0xc: {  	s8 =	sadd.s32 s9, s8;
	s9 =	simm.s32 $0xC980;
	s6 =	sadd.s32 s6, s4  }
0xd: {  	vm0 =	vcmask $0x300;
	v0 =	vimm.f32 $0.0e+00;
	s4 =	sadd.s32 s7, s2;
	s7 =	smax.u32 s31, $0x1;
	s8 =	sadd.s32 $0x4C00, s8  }
0xe: {  	v1 =	vsel vm0, $0x3F800000, v0;
	s5 =	sadd.s32 $0xA000, s4;
	s6 =	sadd.s32 $0x10C00, s6;
	s15 =	sshrl.u32 s4, $0x3  }
.LBB2_1:
0xf: {  	s17 =	simm.s32 $0x200;
	s18 =	simm.s32 $0x0  }
.LBB2_2:
0x10: {  	p0 =	sne.s32 s17, $0x27E00;
	[tilespmem:s18+$0x2980] =	vst v1;
	s19 =	smov.u32 s17;
	s17 =	sadd.s32 $0x200, s17  }
.Ltmp0:
0x11: {  	[tilespmem:s18+$0xC980] =	vst v0;
	(pc) =	sbr.rel @p0 .LBB2_2-.Ltmp0, $2  }
0x12: {  	_ =	sdelay $0x2  }
0x13: {  	s18 =	sshra.s32 s19, $0x2  }
0x14: {  	[tilespmem:s18+$0x2980] =	vst v1  }
0x15: {  	[tilespmem:s18+$0xC980] =	vst v0  }
0x16: {  	[spmem:s4] =	stream.linear.scatter [tilespmem:s9], [sflag:$0x1], $0xA000, $0x38;
	[tilespmem:$0x16980] =	vst v63  }
0x17: {  	_ =	swait.ge [sflag:s10], $0xA000  }
0x18: {  	[sflag:s10] =	ssyncset.done $0x0  }
0x19: {  	[sflag:s10] =	ssyncadd.s32 $0xFFFF6000  }
0x1a: {  	[spmem:s5] =	stream.linear.scatter [tilespmem:s9], [sflag:$0x1], $0xA000, $0x38;
	[tilespmem:$0x16980] =	vst v63  }
0x1b: {  	_ =	swait.ge [sflag:s10], $0xA000  }
0x1c: {  	[sflag:s10] =	ssyncset.done $0x0  }
0x1d: {  	[sflag:s10] =	ssyncadd.s32 $0xFFFF6000  }
0x1e: {  	s17 =	sadd.s32 $0x0, s8;
	[bflag:$0x0] =	sbarrier.arrive $0xFFFF  }
0x1f: {  	[tilespmem:s11], [sflag:$0x1] =	stream.linear.gather [hbm4b:s17+s3], $0x180, $0x38;
	[tilespmem:$0x16980] =	vst v63  }
0x20: {  	_ =	swait.ge [sflag:s10], $0x180  }
0x21: {  	[sflag:s10] =	ssyncset.done $0x0  }
0x22: {  	[sflag:s10] =	ssyncadd.s32 $0xFFFFFE80  }
0x23: {  	[spmem:s2] =	stream.indirect.scatter.add.f32 [tilespmem:s13], [sflag:$0x1], $0x10, s11, s12, $0xb8;
	[tilespmem:$0x16980] =	vst v63  }
0x24: {  	_ =	swait.ge [sflag:s10], $0x1400  }
0x25: {  	s18 =	simm.s32 $0x60;
	s17 =	simm.s32 $0x30;
	[sflag:s10] =	ssyncset.done $0x0  }
.LBB2_4:
0x26: {  	s19 =	sadd.s32 s17, s8  }
0x27: {  	[sflag:s10] =	ssyncadd.s32 $0xFFFFEC00;
	s17 =	smov.u32 s18;
	s20 =	sadd.s32 $0x30, s18  }
0x28: {  	[tilespmem:s11], [sflag:$0x1] =	stream.linear.gather [hbm4b:s19+s3], $0x180, $0x38;
	[tilespmem:$0x16980] =	vst v63  }
0x29: {  	p0 =	sne.s32 s18, $0x5D0;
	_ =	swait.ge [sflag:s10], $0x180  }
.Ltmp1:
0x2a: {  	[sflag:s10] =	ssyncset.done $0x0;
	(pc) =	sbr.rel @p0 .LBB2_4-.Ltmp1, $4  }
0x2b: {  	[sflag:s10] =	ssyncadd.s32 $0xFFFFFE80  }
0x2c: {  	[spmem:s2] =	stream.indirect.scatter.add.f32 [tilespmem:s13], [sflag:$0x1], $0x10, s11, s12, $0xb8;
	[tilespmem:$0x16980] =	vst v63  }
0x2d: {  	_ =	swait.ge [sflag:s10], $0x1400  }
0x2e: {  	s18 =	smov.u32 s20;
	[sflag:s10] =	ssyncset.done $0x0  }
0x2f: {  	s17 =	sadd.s32 s17, s8;
	[sflag:s10] =	ssyncadd.s32 $0xFFFFEC00  }
0x30: {  	[tilespmem:s11], [sflag:$0x1] =	stream.linear.gather [hbm4b:s17+s3], $0x180, $0x38;
	[tilespmem:$0x16980] =	vst v63  }
0x31: {  	_ =	swait.ge [sflag:s10], $0x180  }
0x32: {  	[sflag:s10] =	ssyncset.done $0x0  }
0x33: {  	[sflag:s10] =	ssyncadd.s32 $0xFFFFFE80  }
0x34: {  	[spmem:s2] =	stream.indirect.scatter.add.f32 [tilespmem:s13], [sflag:$0x1], $0x10, s11, s12, $0xb8;
	[tilespmem:$0x16980] =	vst v63  }
0x35: {  	_ =	swait.ge [sflag:s10], $0x1400  }
0x36: {  	s16 =	sadd.s32 $0x1, s16;
	[sflag:s10] =	ssyncset.done $0x0  }
0x37: {  	p0 =	sne.s32 s16, s7;
	[sflag:s10] =	ssyncadd.s32 $0xFFFFEC00  }
.Ltmp2:
0x38: {  	[bflag:$0x0] =	sbarrier.arrive $0xFFFF;
	(pc) =	sbr.rel @p0 .LBB2_1-.Ltmp2, $4  }
0x39: {  	[hbm:s6], [sflag:s14] =	dma.local [spmem:s15], $0x2800  }
0x3a: {  	_ =	swait.ge [sflag:s10], $0x2800  }
0x3b: {  	[sflag:s10] =	ssyncset.done $0x0  }
0x3c: {  	[sflag:s10] =	ssyncadd.s32 $0xFFFFD800  }
0x3d: {  	_ =	sfence.sel $0x180000  }
0x3e: {  	[bflag:$0x0] =	sbarrier.arrive $0xFFFF  }
0x3f: {  	p0 =	sne.s32 s0, $0x0;
	_ =	strace $0x90000047  }
0x40: {  	s0 =	sadd.s32 @!p0 $0x100000, s1;
	[bflag:$0x2] =	sbarrier.arrive $0xFFFF  }
0x41: {  	[sflag:s0] =	ssyncadd.tile.s32 @!p0 $0x1;
	_ =	shalt  }
.Lfunc_end2:
_tile_overlayer_lowered:
.L_overlay_start_2:
0x42: {  	(tag) =	ssettag $0x2  }
0x43: {  	s0 =	rddreg [dreg:$0x0];
	s2 =	stileid.u32  }
0x44: {  	s1 =	rddreg [dreg:$0x1];
	p0 =	sne.s32 s2, $0x0  }
0x45: {  	s3 =	rddreg [dreg:$0x2];
	[bflag:$0x3] =	sbarrier.arrive $0xFFFF;
	s2 =	simm.s32 @!p0 $0x1C01  }
0x46: {  	[timem:s3], [sflag:s2] =	dma.local @!p0 [hbm:s0], s1  }
0x47: {  	s0 =	simm.s32 @!p0 $0x1  }
0x48: {  	_ =	swait.ge @!p0 [sflag:s0], s1  }
0x49: {  	s1 =	ssub.s32 @!p0 $0x0, s1;
	[sflag:s0] =	ssyncset.done @!p0 $0x0  }
0x4a: {  	[sflag:s0] =	ssyncadd.s32 @!p0 s1  }
0x4b: {  	[bflag:$0x3] =	sbarrier.arrive $0xFFFF  }
0x4c: {  	_ =	shalt  }

// kernel: kernel.14.cloned.1.call-start
scs
__scs_entry_jumppad:
0x0: {  	(pc) =	sbr.rel $0x88, $3  }
0x1: {  	(tag) =	ssettag $0x0;
	lr =	simm.s32 $0x1  }
0x2: {  	[smem:$0x3F95] =	sst lr;
	_ =	strace $0xD0000000  }
0x3: {  	_ = 	snop  }
0x4: {  	_ = 	snop  }
0x5: {  	_ = 	snop  }
0x6: {  	_ = 	snop  }
0x7: {  	_ = 	snop  }
__scs_overlays_trampoline_lowered:
0x8: {  	[smem:$0x3FA4] =	sst s0  }
0x9: {  	[smem:$0x3FA5] =	sst s1  }
0xa: {  	[smem:$0x3FA6] =	sst s2  }
0xb: {  	[smem:$0x3FA7] =	sst s3  }
0xc: {  	[smem:$0x3FA8] =	sst s4  }
0xd: {  	[smem:$0x3FA9] =	sst s5  }
0xe: {  	[smem:$0x3FAA] =	sst s6  }
0xf: {  	[smem:$0x3FAB] =	sst s7  }
0x10: {  	[smem:$0x3FAC] =	sst s8  }
0x11: {  	[smem:$0x3FAD] =	sst s9;
	s0 =	simm.s32 @!p0 $0x0  }
0x12: {  	s1 =	sld [smem:$0x3F93];
	s0 =	simm.s32 @p0 $0x1  }
0x13: {  	[smem:$0x3FAE] =	sst s0;
	s0 =	simm.s32 @!p1 $0x0  }
0x14: {  	s2 =	sld [smem:$0x3F92];
	s0 =	simm.s32 @p1 $0x1  }
0x15: {  	[smem:$0x3FAF] =	sst s0;
	s0 =	simm.s32 @!p2 $0x0  }
0x16: {  	s3 =	sld [smem:$0x3FDB];
	s0 =	simm.s32 @p2 $0x1  }
0x17: {  	s4 =	simm.s32 $0x1BF5;
	[smem:$0x3FB1] =	sst s0  }
0x18: {  	s0 =	sld [smem:$0x3F94];
	_ =	swait.ge [sflag:s4], $0x0  }
0x19: {  	s7 =	sld [smem:$0x3F95]  }
0x1a: {  	s8 =	sadd.s32 $0xFFFFE003, lr  }
0x1b: {  	s9 =	sadd.s32 $0xFFFFFEF7, lr;
	s5 =	simm.s32 $0xFFFFFFFF;
	p2 =	slt.u32 s8, $0xFFFFF086  }
0x1c: {  	p1 =	slt.u32 s9, $0xF7A;
	s5 =	simm.s32 @!p2 $0x0  }
0x1d: {  	s5 =	simm.s32 @p1 $0x1;
	p0 =	seq.s32 s7, s2  }
0x1e: {  	s7 =	smul.u32 @!p0 $0xF7A, s2;
	p2 =	seq.s32 @!p0 s5, $0x0  }
0x1f: {  	s9 =	smul.u32 $0xF7A, s1;
	s8 =	simm.s32 @!p0 $0x1BF5;
	p2 =	por !p2, p0  }
0x20: {  	[sflag:s8] =	ssyncset.s32 @!p0 $0xFFFFF086;
	s6 =	sadd.s32 @!p0 s3, s7;
	s7 =	simm.s32 @!p0 $0x108  }
0x21: {  	s3 =	sadd.s32 s3, s9;
	s6 =	sadd.s32 @!p0 $0x88, s6;
	s7 =	simm.s32 @p2 $0x1082  }
0x22: {  	[simem:s7], [sflag:s8] =	dma.local @!p0 [hbm:s6], $0xF7A  }
0x23: {  	s9 =	sor.u32 $0xD0000000, s2;
	s6 =	simm.s32 $0x108;
	_ =	swait.ge @!p0 [sflag:s8], $0x0  }
0x24: {  	s3 =	sadd.s32 $0x88, s3;
	s6 =	simm.s32 @!p1 $0x1082;
	[sflag:s4] =	ssyncset.s32 $0xFFFFF086  }
0x25: {  	[simem:s6], [sflag:s4] =	dma.local [hbm:s3], $0xF7A  }
0x26: {  	[smem:$0x3F95] =	sst s1;
	(tag) =	ssettag s2;
	_ =	strace s9  }
0x27: {  	s1 =	sld [smem:$0x3FA5]  }
0x28: {  	s2 =	sld [smem:$0x3FA6]  }
0x29: {  	s4 =	sld [smem:$0x3FA8]  }
0x2a: {  	p0 =	seq.s32 s5, $0x0;
	s5 =	sld [smem:$0x3FA9]  }
0x2b: {  	s6 =	sld [smem:$0x3FAA]  }
0x2c: {  	s7 =	sld [smem:$0x3FAB]  }
0x2d: {  	s3 =	simm.s32 $0x108;
	s8 =	sld [smem:$0x3FAC]  }
0x2e: {  	s3 =	simm.s32 @!p0 $0x1082;
	s9 =	sld [smem:$0x3FAD]  }
0x2f: {  	lr =	sadd.s32 s0, s3;
	s0 =	sld [smem:$0x3FA4]  }
0x30: {  	s3 =	sld [smem:$0x3FA7]  }
0x31: {  	[smem:$0x3FB0] =	sst s10  }
0x32: {  	s10 =	sld [smem:$0x3FAE];
	_ =	sdelay $0x3  }
0x33: {  	p0 =	seq.s32 s10, $0x1;
	s10 =	sld [smem:$0x3FB0];
	_ =	sdelay $0x3  }
0x34: {  	[smem:$0x3FB0] =	sst s10  }
0x35: {  	s10 =	sld [smem:$0x3FAF];
	_ =	sdelay $0x3  }
0x36: {  	p1 =	seq.s32 s10, $0x1;
	s10 =	sld [smem:$0x3FB0];
	_ =	sdelay $0x3  }
0x37: {  	[smem:$0x3FB0] =	sst s10  }
0x38: {  	s10 =	sld [smem:$0x3FB1]  }
0x39: {  	_ = 	snop;
	(pc) =	sbr.ind lr, $3  }
0x3a: {  	_ = 	snop  }
0x3b: {  	_ = 	snop  }
0x3c: {  	p2 =	seq.s32 s10, $0x1;
	s10 =	sld [smem:$0x3FB0]  }
0x3d: {  	_ =	shalt  }
0x3e: {  	_ =	shalt  }
0x3f: {  	_ =	shalt  }
0x40: {  	_ =	shalt  }
0x41: {  	_ =	shalt  }
0x42: {  	_ =	shalt  }
0x43: {  	_ =	shalt  }
0x44: {  	_ =	shalt  }
0x45: {  	_ =	shalt  }
0x46: {  	_ =	shalt  }
0x47: {  	_ =	shalt  }
0x48: {  	_ =	shalt  }
0x49: {  	_ =	shalt  }
0x4a: {  	_ =	shalt  }
0x4b: {  	_ =	shalt  }
0x4c: {  	_ =	shalt  }
0x4d: {  	_ =	shalt  }
0x4e: {  	_ =	shalt  }
0x4f: {  	_ =	shalt  }
0x50: {  	_ =	shalt  }
0x51: {  	_ =	shalt  }
0x52: {  	_ =	shalt  }
0x53: {  	_ =	shalt  }
0x54: {  	_ =	shalt  }
0x55: {  	_ =	shalt  }
0x56: {  	_ =	shalt  }
0x57: {  	_ =	shalt  }
0x58: {  	_ =	shalt  }
0x59: {  	_ =	shalt  }
0x5a: {  	_ =	shalt  }
0x5b: {  	_ =	shalt  }
0x5c: {  	_ =	shalt  }
0x5d: {  	_ =	shalt  }
0x5e: {  	_ =	shalt  }
0x5f: {  	_ =	shalt  }
0x60: {  	_ =	shalt  }
0x61: {  	_ =	shalt  }
0x62: {  	_ =	shalt  }
0x63: {  	_ =	shalt  }
0x64: {  	_ =	shalt  }
0x65: {  	_ =	shalt  }
0x66: {  	_ =	shalt  }
0x67: {  	_ =	shalt  }
0x68: {  	_ =	shalt  }
0x69: {  	_ =	shalt  }
0x6a: {  	_ =	shalt  }
0x6b: {  	_ =	shalt  }
0x6c: {  	_ =	shalt  }
0x6d: {  	_ =	shalt  }
0x6e: {  	_ =	shalt  }
0x6f: {  	_ =	shalt  }
0x70: {  	_ =	shalt  }
0x71: {  	_ =	shalt  }
0x72: {  	_ =	shalt  }
0x73: {  	_ =	shalt  }
0x74: {  	_ =	shalt  }
0x75: {  	_ =	shalt  }
0x76: {  	_ =	shalt  }
0x77: {  	_ =	shalt  }
0x78: {  	_ =	shalt  }
0x79: {  	_ =	shalt  }
0x7a: {  	_ =	shalt  }
0x7b: {  	_ =	shalt  }
0x7c: {  	_ =	shalt  }
0x7d: {  	_ =	shalt  }
0x7e: {  	_ =	shalt  }
0x7f: {  	_ =	shalt  }
0x80: {  	_ =	shalt  }
0x81: {  	_ =	shalt  }
0x82: {  	_ =	shalt  }
0x83: {  	_ =	shalt  }
0x84: {  	_ =	shalt  }
0x85: {  	_ =	shalt  }
0x86: {  	_ =	shalt  }
0x87: {  	_ =	shalt  }
.Lfunc_end0:
.L_simem_size_0:
called_computation.1_lowered:
.L_overlay_start_0:
0x88: {  	s2 =	sld [smem:$0x3FD9]  }
0x89: {  	s3 =	sld [smem:$0x3FFE];
	_ =	sdelay $0x1  }
0x8a: {  	s1 =	srdreg.scid  }
0x8b: {  	s0 =	sand.u32 $0x1, s1  }
0x8c: {  	s17 =	sshll.u32 s0, $0xA;
	s2 =	sadd.s32 s3, s2  }
0x8d: {  	s2 =	sadd.s32 s2, s17  }
0x8e: {  	[smem:$0x3FBC] =	sst s2  }
0x8f: {  	_ = 	snop  }
0x90: {  	s2 =	sld [smem:$0x3FD0];
	(tm) =	ssettm $0x1  }
0x91: {  	s18 =	sld [smem:$0x3FFB];
	_ =	sdelay $0x3  }
0x92: {  	_ =	strace s18  }
0x93: {  	s3 =	sld [smem:$0x3FFC];
	_ =	sdelay $0x3  }
0x94: {  	_ =	strace s3  }
0x95: {  	s3 =	sld [smem:$0x3FFD];
	_ =	sdelay $0x3  }
0x96: {  	_ =	strace s3  }
0x97: {  	_ =	strace $0x8FFFFFFF  }
0x98: {  	s19 =	sld [smem:$0x3FDB];
	_ =	sdelay $0x1  }
0x99: {  	s4 =	simm.s32 $_scs_section_size  }
0x9a: {  	s5 =	simm.s32 $_size__tile_overlayer_lowered;
	s6 =	simm.s32 $_tile_overlayer_lowered  }
0x9b: {  	s22 =	simm.s32 $0x1BFF;
	s21 =	sshll.u32 s6, $0x1;
	s3 =	sadd.s32 s4, s19  }
0x9c: {  	s7 =	simm.s32 $0x0;
	s20 =	sshll.u32 s5, $0x1;
	s5 =	sadd.s32 s21, s3  }
0x9d: {  	[timem:s7], [sflag:s22] =	dma.local [hbm:s5], s20  }
0x9e: {  	_ =	swait.ge [sflag:s22], s20  }
0x9f: {  	s4 =	ssub.s32 $0x0, s20;
	[sflag:s22] =	ssyncset.done $0x0  }
0xa0: {  	[sflag:s22] =	ssyncadd.s32 s4;
	_ =	sdelay $0x1  }
0xa1: {  	s23 =	simm.s32 $0x1B8B  }
0xa2: {  	_ =	swait.ge [sflag:s23], $0x1  }
0xa3: {  	[sflag:s23] =	ssyncset.done $0x0  }
0xa4: {  	s25 =	simm.s32 $0x1B8E;
	s24 =	sld [smem:$0x3FFE];
	[sflag:s23] =	ssyncadd.s32 $0xFFFFFFFF  }
0xa5: {  	s26 =	simm.s32 $execute0_lowered;
	[smem:$0x3FD2] =	sst s25  }
0xa6: {  	s5 =	sshll.u32 s26, $0x1;
	_ =	strace $0x80000049;
	[dreg:$0x1] =	wrdreg $0xFFFFFFFF  }
0xa7: {  	s28 =	simm.s32 $_size_execute0_lowered;
	s3 =	sadd.s32 s3, s5;
	[dreg:$0x0] =	wrdreg $0x0  }
0xa8: {  	s5 =	sshll.u32 s28, $0x1;
	[dreg:$0x2] =	wrdreg s3  }
0xa9: {  	[dreg:$0x3] =	wrdreg s5  }
0xaa: {  	[dreg:$0x4] =	wrdreg $0xC0  }
0xab: {  	_ =	task [dreg:s7], $0x5FFFF  }
0xac: {  	[dreg:$0x1] =	wrdreg $0xFFFFFFFF  }
0xad: {  	[dreg:$0x0] =	wrdreg $0x60  }
0xae: {  	[dreg:$0x2] =	wrdreg s2  }
0xaf: {  	[dreg:$0x3] =	wrdreg s24  }
0xb0: {  	[dreg:$0x4] =	wrdreg $0x0  }
0xb1: {  	[dreg:$0x5] =	wrdreg $0x9  }
0xb2: {  	_ =	task.clear_ibuf [dreg:s7], $0x6FFFF;
	_ =	strace $0x90000049  }
0xb3: {  	s29 =	simm.s32 $0x9;
	_ =	strace $0x8000004B  }
0xb4: {  	_ =	swait.ge [sflag:s29], $0x1  }
0xb5: {  	[sflag:s29] =	ssyncadd.s32 $0xFFFFFFFF  }
0xb6: {  	_ =	strace $0x9000004B  }
0xb7: {  	_ =	sfence  }
0xb8: {  	s30 =	sld [smem:$0x0];
	_ =	sdelay $0x2  }
0xb9: {  	s31 =	sshll.u32 s1, $0xD;
	s1 =	sshrl.u32 s1, $0x2  }
0xba: {  	s3 =	sand.u32 $0x4000, s31;
	s1 =	sadd.s32 s1, s30  }
0xbb: {  	s0 =	sor.u32 s3, s0;
	s1 =	sshll.u32 s1, $0x11  }
0xbc: {  	s0 =	sor.u32 s1, s0  }
0xbd: {  	s0 =	sadd.s32 $0x8F2B, s0  }
0xbe: {  	[sflag:s0] =	ssyncadd.remote.s32 $0x1  }
0xbf: {  	_ =	sfence.sel $0xFFFF  }
0xc0: {  	[dreg:$0x0] =	wrdreg $0xFFFFFFFF;
	(pc) =	sbr.abs _section_cstart, $3  }
0xc1: {  	[dreg:$0x1] =	wrdreg $0xFFFFFFFF  }
0xc2: {  	_ =	task.clear_ibuf [dreg:s7], $0x2FFFF;
	_ =	strace $0x9FFFFFFF  }
0xc3: {  	(tm) =	ssettm $0x7FFFFFFF  }
tec
execute0_lowered:
.L_overlay_start_1:
0x0: {  	(tag) =	ssettag $0x1  }
0x1: {  	s0 =	rddreg [dreg:$0x0]  }
0x2: {  	s6 =	rddreg [dreg:$0x1]  }
0x3: {  	s1 =	srdreg.scid;
	s3 =	rddreg [dreg:$0x2]  }
0x4: {  	s2 =	stileid.u32;
	s4 =	simm.s32 $0x0;
	s12 =	simm.s32 $0x2  }
0x5: {  	s13 =	simm.s32 $0x14000;
	s14 =	simm.s32 $0x14180;
	s9 =	smul.u32 $0x14000, s2  }
0x6: {  	s15 =	simm.s32 $0x140;
	s16 =	simm.s32 $0x1;
	s10 =	smul.u32 $0x50000, s2  }
0x7: {  	s5 =	sand.u32 $0x1, s1;
	s1 =	rddreg [dreg:$0x3];
	s31 =	smul.u32 $0x600, s2  }
0x8: {  	s19 =	simm.s32 $0x0;
	[smem:$0x7FF] =	sst s4;
	s7 =	smul.u32 $0x6000, s5  }
0x9: {  	s17 =	sshll.u32 s2, $0x6;
	s8 =	smul.u32 $0x140000, s5;
	_ =	strace $0x8000004A  }
0xa: {  	s28 =	ssub.s32 $0x2, s5;
	s17 =	sor.u32 $0x1C02, s17;
	s29 =	sshrl.u32 s10, $0x2  }
0xb: {  	s30 =	sshrl.u32 s28, $0x1;
	s11 =	sadd.s32 s7, s6;
	s26 =	sadd.s32 s9, s8  }
0xc: {  	s5 =	sadd.s32 s29, s3;
	s8 =	ssub.s32 s28, s30;
	s7 =	sshrl.u32 s26, $0x3  }
0xd: {  	s8 =	smax.u32 s8, $0x1;
	s10 =	sadd.s32 s31, s11;
	s11 =	simm.s32 $0x14300  }
0xe: {  	s18 =	sshrl.u32 s5, $0x3;
	s7 =	sadd.s32 s7, s6;
	s6 =	sadd.s32 $0xA000, s5  }
0xf: {  	v0 =	vimm.f32 $0.0e+00;
	s9 =	sadd.s32 $0x60C00, s10;
	s10 =	sadd.s32 $0x4C00, s10;
	s7 =	sadd.s32 $0x6CC00, s7  }
.LBB2_1:
0x10: {  	s20 =	simm.s32 $0x0;
	s21 =	simm.s32 $0x200  }
.LBB2_2:
0x11: {  	p0 =	sne.s32 s21, $0x27E00;
	[tilespmem:s20+$0x14370] =	vst v0  }
0x12: {  	[tilespmem:s20+$0x14300] =	vst v0  }
0x13: {  	[tilespmem:s20+$0x14310] =	vst v0  }
.Ltmp0:
0x14: {  	[tilespmem:s20+$0x14320] =	vst v0;
	(pc) =	sbr.rel @p0 .LBB2_2-.Ltmp0, $4  }
0x15: {  	[tilespmem:s20+$0x14330] =	vst v0  }
0x16: {  	[tilespmem:s20+$0x14340] =	vst v0  }
0x17: {  	[tilespmem:s20+$0x14350] =	vst v0  }
0x18: {  	[tilespmem:s20+$0x14360] =	vst v0;
	s20 =	sshra.s32 s21, $0x2;
	s21 =	sadd.s32 $0x200, s21  }
0x19: {  	[tilespmem:s20+$0x14370] =	vst v0  }
0x1a: {  	[tilespmem:s20+$0x14300] =	vst v0  }
0x1b: {  	[tilespmem:s20+$0x14310] =	vst v0  }
0x1c: {  	[tilespmem:s20+$0x14320] =	vst v0  }
0x1d: {  	[tilespmem:s20+$0x14330] =	vst v0  }
0x1e: {  	[tilespmem:s20+$0x14340] =	vst v0  }
0x1f: {  	[tilespmem:s20+$0x14350] =	vst v0  }
0x20: {  	[tilespmem:s20+$0x14360] =	vst v0  }
0x21: {  	[spmem:s5] =	stream.linear.scatter [tilespmem:s11], [sflag:$0x2], $0xA000, $0x38;
	[tilespmem:$0x1E300] =	vst v63  }
0x22: {  	_ =	swait.ge [sflag:s12], $0xA000  }
0x23: {  	[sflag:s12] =	ssyncset.done $0x0  }
0x24: {  	[sflag:s12] =	ssyncadd.s32 $0xFFFF6000  }
0x25: {  	[spmem:s6] =	stream.linear.scatter [tilespmem:s11], [sflag:$0x2], $0xA000, $0x38;
	[tilespmem:$0x1E300] =	vst v63  }
0x26: {  	_ =	swait.ge [sflag:s12], $0xA000  }
0x27: {  	[sflag:s12] =	ssyncset.done $0x0  }
0x28: {  	[sflag:s12] =	ssyncadd.s32 $0xFFFF6000  }
0x29: {  	s30 =	sadd.s32 $0x0, s9;
	[bflag:$0x0] =	sbarrier.arrive $0xFFFF  }
0x2a: {  	[tilespmem:s13], [sflag:$0x2] =	stream.linear.gather [hbm4b:s30+s4], $0x180, $0x38;
	[tilespmem:$0x1E300] =	vst v63  }
0x2b: {  	_ =	swait.ge [sflag:s12], $0x180  }
0x2c: {  	[sflag:s12] =	ssyncset.done $0x0  }
0x2d: {  	s31 =	sadd.s32 $0x0, s10;
	[sflag:s12] =	ssyncadd.s32 $0xFFFFFE80  }
0x2e: {  	[tilespmem:s14], [sflag:$0x2] =	stream.linear.gather [hbm4b:s31+s4], $0x180, $0x38;
	[tilespmem:$0x1E300] =	vst v63  }
0x2f: {  	_ =	swait.ge [sflag:s12], $0x180  }
0x30: {  	[sflag:s12] =	ssyncset.done $0x0  }
0x31: {  	[sflag:s12] =	ssyncadd.s32 $0xFFFFFE80  }
0x32: {  	[tilespmem:s11], [sflag:$0x1] =	stream.indirect.gather [hbm4b:s0+s15], $0x80, s13, s15, $0xb8;
	[tilespmem:$0x1E300] =	vst v63  }
0x33: {  	_ =	swait.ge [sflag:s16], $0xA000  }
0x34: {  	[sflag:s16] =	ssyncset.done $0x0  }
0x35: {  	[sflag:s16] =	ssyncadd.s32 $0xFFFF6000  }
0x36: {  	[spmem:s3] =	stream.indirect.scatter.add.f32 [tilespmem:s11], [sflag:$0x2], $0x80, s14, s15, $0xb8;
	[tilespmem:$0x1E300] =	vst v63  }
0x37: {  	_ =	swait.ge [sflag:s12], $0xA000  }
0x38: {  	s20 =	simm.s32 $0x30;
	s21 =	simm.s32 $0x60;
	[sflag:s12] =	ssyncset.done $0x0  }
.LBB2_4:
0x39: {  	s22 =	sadd.s32 s20, s9  }
0x3a: {  	[sflag:s12] =	ssyncadd.s32 $0xFFFF6000;
	s23 =	smov.u32 s21;
	s24 =	sadd.s32 $0x30, s21  }
0x3b: {  	[tilespmem:s13], [sflag:$0x2] =	stream.linear.gather [hbm4b:s22+s4], $0x180, $0x38;
	[tilespmem:$0x1E300] =	vst v63  }
0x3c: {  	p0 =	sne.s32 s21, $0x5D0;
	_ =	swait.ge [sflag:s12], $0x180  }
0x3d: {  	[sflag:s12] =	ssyncset.done $0x0  }
0x3e: {  	s21 =	sadd.s32 s20, s10;
	s20 =	smov.u32 s23;
	[sflag:s12] =	ssyncadd.s32 $0xFFFFFE80  }
0x3f: {  	[tilespmem:s14], [sflag:$0x2] =	stream.linear.gather [hbm4b:s21+s4], $0x180, $0x38;
	[tilespmem:$0x1E300] =	vst v63  }
0x40: {  	_ =	swait.ge [sflag:s12], $0x180  }
0x41: {  	[sflag:s12] =	ssyncset.done $0x0  }
0x42: {  	[sflag:s12] =	ssyncadd.s32 $0xFFFFFE80  }
0x43: {  	[tilespmem:s11], [sflag:$0x1] =	stream.indirect.gather [hbm4b:s0+s15], $0x80, s13, s15, $0xb8;
	[tilespmem:$0x1E300] =	vst v63  }
0x44: {  	_ =	swait.ge [sflag:s16], $0xA000  }
.Ltmp1:
0x45: {  	[sflag:s16] =	ssyncset.done $0x0;
	(pc) =	sbr.rel @p0 .LBB2_4-.Ltmp1, $4  }
0x46: {  	[sflag:s16] =	ssyncadd.s32 $0xFFFF6000  }
0x47: {  	[spmem:s3] =	stream.indirect.scatter.add.f32 [tilespmem:s11], [sflag:$0x2], $0x80, s14, s15, $0xb8;
	[tilespmem:$0x1E300] =	vst v63  }
0x48: {  	_ =	swait.ge [sflag:s12], $0xA000  }
0x49: {  	s21 =	smov.u32 s24;
	[sflag:s12] =	ssyncset.done $0x0  }
0x4a: {  	s21 =	sadd.s32 s20, s9;
	[sflag:s12] =	ssyncadd.s32 $0xFFFF6000  }
0x4b: {  	[tilespmem:s13], [sflag:$0x2] =	stream.linear.gather [hbm4b:s21+s4], $0x180, $0x38;
	[tilespmem:$0x1E300] =	vst v63  }
0x4c: {  	_ =	swait.ge [sflag:s12], $0x180  }
0x4d: {  	[sflag:s12] =	ssyncset.done $0x0  }
0x4e: {  	s31 =	sadd.s32 s20, s10;
	[sflag:s12] =	ssyncadd.s32 $0xFFFFFE80  }
0x4f: {  	[tilespmem:s14], [sflag:$0x2] =	stream.linear.gather [hbm4b:s31+s4], $0x180, $0x38;
	[tilespmem:$0x1E300] =	vst v63  }
0x50: {  	_ =	swait.ge [sflag:s12], $0x180  }
0x51: {  	[sflag:s12] =	ssyncset.done $0x0  }
0x52: {  	[sflag:s12] =	ssyncadd.s32 $0xFFFFFE80  }
0x53: {  	[tilespmem:s11], [sflag:$0x1] =	stream.indirect.gather [hbm4b:s0+s15], $0x80, s13, s15, $0xb8;
	[tilespmem:$0x1E300] =	vst v63  }
0x54: {  	_ =	swait.ge [sflag:s16], $0xA000  }
0x55: {  	[sflag:s16] =	ssyncset.done $0x0  }
0x56: {  	[sflag:s16] =	ssyncadd.s32 $0xFFFF6000  }
0x57: {  	[spmem:s3] =	stream.indirect.scatter.add.f32 [tilespmem:s11], [sflag:$0x2], $0x80, s14, s15, $0xb8;
	[tilespmem:$0x1E300] =	vst v63  }
0x58: {  	_ =	swait.ge [sflag:s12], $0xA000  }
0x59: {  	s19 =	sadd.s32 $0x1, s19;
	[sflag:s12] =	ssyncset.done $0x0  }
0x5a: {  	p0 =	sne.s32 s19, s8;
	[sflag:s12] =	ssyncadd.s32 $0xFFFF6000  }
.Ltmp2:
0x5b: {  	[bflag:$0x0] =	sbarrier.arrive $0xFFFF;
	(pc) =	sbr.rel @p0 .LBB2_1-.Ltmp2, $4  }
0x5c: {  	[hbm:s7], [sflag:s17] =	dma.local [spmem:s18], $0x2800  }
0x5d: {  	_ =	swait.ge [sflag:s12], $0x2800  }
0x5e: {  	[sflag:s12] =	ssyncset.done $0x0  }
0x5f: {  	[sflag:s12] =	ssyncadd.s32 $0xFFFFD800  }
0x60: {  	_ =	sfence.sel $0x180000  }
0x61: {  	[bflag:$0x0] =	sbarrier.arrive $0xFFFF  }
0x62: {  	p0 =	sne.s32 s2, $0x0;
	_ =	strace $0x9000004A  }
0x63: {  	s0 =	sadd.s32 @!p0 $0x100000, s1;
	[bflag:$0x2] =	sbarrier.arrive $0xFFFF  }
0x64: {  	[sflag:s0] =	ssyncadd.tile.s32 @!p0 $0x1;
	_ =	shalt  }
.Lfunc_end2:
_tile_overlayer_lowered:
.L_overlay_start_2:
0x65: {  	(tag) =	ssettag $0x2  }
0x66: {  	s0 =	rddreg [dreg:$0x0];
	s2 =	stileid.u32  }
0x67: {  	s1 =	rddreg [dreg:$0x1];
	p0 =	sne.s32 s2, $0x0  }
0x68: {  	s3 =	rddreg [dreg:$0x2];
	[bflag:$0x3] =	sbarrier.arrive $0xFFFF;
	s2 =	simm.s32 @!p0 $0x1C02  }
0x69: {  	[timem:s3], [sflag:s2] =	dma.local @!p0 [hbm:s0], s1  }
0x6a: {  	s0 =	simm.s32 @!p0 $0x2  }
0x6b: {  	_ =	swait.ge @!p0 [sflag:s0], s1  }
0x6c: {  	s1 =	ssub.s32 @!p0 $0x0, s1;
	[sflag:s0] =	ssyncset.done @!p0 $0x0  }
0x6d: {  	[sflag:s0] =	ssyncadd.s32 @!p0 s1  }
0x6e: {  	[bflag:$0x3] =	sbarrier.arrive $0xFFFF  }
0x6f: {  	_ =	shalt  }

// kernel: kernel.17.cloned.1.call-start
scs
__scs_entry_jumppad:
0x0: {  	(pc) =	sbr.rel $0x88, $3  }
0x1: {  	(tag) =	ssettag $0x0;
	lr =	simm.s32 $0x1  }
0x2: {  	[smem:$0x3F95] =	sst lr;
	_ =	strace $0xD0000000  }
0x3: {  	_ = 	snop  }
0x4: {  	_ = 	snop  }
0x5: {  	_ = 	snop  }
0x6: {  	_ = 	snop  }
0x7: {  	_ = 	snop  }
__scs_overlays_trampoline_lowered:
0x8: {  	[smem:$0x3FA4] =	sst s0  }
0x9: {  	[smem:$0x3FA5] =	sst s1  }
0xa: {  	[smem:$0x3FA6] =	sst s2  }
0xb: {  	[smem:$0x3FA7] =	sst s3  }
0xc: {  	[smem:$0x3FA8] =	sst s4  }
0xd: {  	[smem:$0x3FA9] =	sst s5  }
0xe: {  	[smem:$0x3FAA] =	sst s6  }
0xf: {  	[smem:$0x3FAB] =	sst s7  }
0x10: {  	[smem:$0x3FAC] =	sst s8  }
0x11: {  	[smem:$0x3FAD] =	sst s9;
	s0 =	simm.s32 @!p0 $0x0  }
0x12: {  	s1 =	sld [smem:$0x3F93];
	s0 =	simm.s32 @p0 $0x1  }
0x13: {  	[smem:$0x3FAE] =	sst s0;
	s0 =	simm.s32 @!p1 $0x0  }
0x14: {  	s2 =	sld [smem:$0x3F92];
	s0 =	simm.s32 @p1 $0x1  }
0x15: {  	[smem:$0x3FAF] =	sst s0;
	s0 =	simm.s32 @!p2 $0x0  }
0x16: {  	s3 =	sld [smem:$0x3FDB];
	s0 =	simm.s32 @p2 $0x1  }
0x17: {  	s4 =	simm.s32 $0x1BF5;
	[smem:$0x3FB1] =	sst s0  }
0x18: {  	s0 =	sld [smem:$0x3F94];
	_ =	swait.ge [sflag:s4], $0x0  }
0x19: {  	s7 =	sld [smem:$0x3F95]  }
0x1a: {  	s8 =	sadd.s32 $0xFFFFE003, lr  }
0x1b: {  	s9 =	sadd.s32 $0xFFFFFEF7, lr;
	s5 =	simm.s32 $0xFFFFFFFF;
	p2 =	slt.u32 s8, $0xFFFFF086  }
0x1c: {  	p1 =	slt.u32 s9, $0xF7A;
	s5 =	simm.s32 @!p2 $0x0  }
0x1d: {  	s5 =	simm.s32 @p1 $0x1;
	p0 =	seq.s32 s7, s2  }
0x1e: {  	s7 =	smul.u32 @!p0 $0xF7A, s2;
	p2 =	seq.s32 @!p0 s5, $0x0  }
0x1f: {  	s9 =	smul.u32 $0xF7A, s1;
	s8 =	simm.s32 @!p0 $0x1BF5;
	p2 =	por !p2, p0  }
0x20: {  	[sflag:s8] =	ssyncset.s32 @!p0 $0xFFFFF086;
	s6 =	sadd.s32 @!p0 s3, s7;
	s7 =	simm.s32 @!p0 $0x108  }
0x21: {  	s3 =	sadd.s32 s3, s9;
	s6 =	sadd.s32 @!p0 $0x88, s6;
	s7 =	simm.s32 @p2 $0x1082  }
0x22: {  	[simem:s7], [sflag:s8] =	dma.local @!p0 [hbm:s6], $0xF7A  }
0x23: {  	s9 =	sor.u32 $0xD0000000, s2;
	s6 =	simm.s32 $0x108;
	_ =	swait.ge @!p0 [sflag:s8], $0x0  }
0x24: {  	s3 =	sadd.s32 $0x88, s3;
	s6 =	simm.s32 @!p1 $0x1082;
	[sflag:s4] =	ssyncset.s32 $0xFFFFF086  }
0x25: {  	[simem:s6], [sflag:s4] =	dma.local [hbm:s3], $0xF7A  }
0x26: {  	[smem:$0x3F95] =	sst s1;
	(tag) =	ssettag s2;
	_ =	strace s9  }
0x27: {  	s1 =	sld [smem:$0x3FA5]  }
0x28: {  	s2 =	sld [smem:$0x3FA6]  }
0x29: {  	s4 =	sld [smem:$0x3FA8]  }
0x2a: {  	p0 =	seq.s32 s5, $0x0;
	s5 =	sld [smem:$0x3FA9]  }
0x2b: {  	s6 =	sld [smem:$0x3FAA]  }
0x2c: {  	s7 =	sld [smem:$0x3FAB]  }
0x2d: {  	s3 =	simm.s32 $0x108;
	s8 =	sld [smem:$0x3FAC]  }
0x2e: {  	s3 =	simm.s32 @!p0 $0x1082;
	s9 =	sld [smem:$0x3FAD]  }
0x2f: {  	lr =	sadd.s32 s0, s3;
	s0 =	sld [smem:$0x3FA4]  }
0x30: {  	s3 =	sld [smem:$0x3FA7]  }
0x31: {  	[smem:$0x3FB0] =	sst s10  }
0x32: {  	s10 =	sld [smem:$0x3FAE];
	_ =	sdelay $0x3  }
0x33: {  	p0 =	seq.s32 s10, $0x1;
	s10 =	sld [smem:$0x3FB0];
	_ =	sdelay $0x3  }
0x34: {  	[smem:$0x3FB0] =	sst s10  }
0x35: {  	s10 =	sld [smem:$0x3FAF];
	_ =	sdelay $0x3  }
0x36: {  	p1 =	seq.s32 s10, $0x1;
	s10 =	sld [smem:$0x3FB0];
	_ =	sdelay $0x3  }
0x37: {  	[smem:$0x3FB0] =	sst s10  }
0x38: {  	s10 =	sld [smem:$0x3FB1]  }
0x39: {  	_ = 	snop;
	(pc) =	sbr.ind lr, $3  }
0x3a: {  	_ = 	snop  }
0x3b: {  	_ = 	snop  }
0x3c: {  	p2 =	seq.s32 s10, $0x1;
	s10 =	sld [smem:$0x3FB0]  }
0x3d: {  	_ =	shalt  }
0x3e: {  	_ =	shalt  }
0x3f: {  	_ =	shalt  }
0x40: {  	_ =	shalt  }
0x41: {  	_ =	shalt  }
0x42: {  	_ =	shalt  }
0x43: {  	_ =	shalt  }
0x44: {  	_ =	shalt  }
0x45: {  	_ =	shalt  }
0x46: {  	_ =	shalt  }
0x47: {  	_ =	shalt  }
0x48: {  	_ =	shalt  }
0x49: {  	_ =	shalt  }
0x4a: {  	_ =	shalt  }
0x4b: {  	_ =	shalt  }
0x4c: {  	_ =	shalt  }
0x4d: {  	_ =	shalt  }
0x4e: {  	_ =	shalt  }
0x4f: {  	_ =	shalt  }
0x50: {  	_ =	shalt  }
0x51: {  	_ =	shalt  }
0x52: {  	_ =	shalt  }
0x53: {  	_ =	shalt  }
0x54: {  	_ =	shalt  }
0x55: {  	_ =	shalt  }
0x56: {  	_ =	shalt  }
0x57: {  	_ =	shalt  }
0x58: {  	_ =	shalt  }
0x59: {  	_ =	shalt  }
0x5a: {  	_ =	shalt  }
0x5b: {  	_ =	shalt  }
0x5c: {  	_ =	shalt  }
0x5d: {  	_ =	shalt  }
0x5e: {  	_ =	shalt  }
0x5f: {  	_ =	shalt  }
0x60: {  	_ =	shalt  }
0x61: {  	_ =	shalt  }
0x62: {  	_ =	shalt  }
0x63: {  	_ =	shalt  }
0x64: {  	_ =	shalt  }
0x65: {  	_ =	shalt  }
0x66: {  	_ =	shalt  }
0x67: {  	_ =	shalt  }
0x68: {  	_ =	shalt  }
0x69: {  	_ =	shalt  }
0x6a: {  	_ =	shalt  }
0x6b: {  	_ =	shalt  }
0x6c: {  	_ =	shalt  }
0x6d: {  	_ =	shalt  }
0x6e: {  	_ =	shalt  }
0x6f: {  	_ =	shalt  }
0x70: {  	_ =	shalt  }
0x71: {  	_ =	shalt  }
0x72: {  	_ =	shalt  }
0x73: {  	_ =	shalt  }
0x74: {  	_ =	shalt  }
0x75: {  	_ =	shalt  }
0x76: {  	_ =	shalt  }
0x77: {  	_ =	shalt  }
0x78: {  	_ =	shalt  }
0x79: {  	_ =	shalt  }
0x7a: {  	_ =	shalt  }
0x7b: {  	_ =	shalt  }
0x7c: {  	_ =	shalt  }
0x7d: {  	_ =	shalt  }
0x7e: {  	_ =	shalt  }
0x7f: {  	_ =	shalt  }
0x80: {  	_ =	shalt  }
0x81: {  	_ =	shalt  }
0x82: {  	_ =	shalt  }
0x83: {  	_ =	shalt  }
0x84: {  	_ =	shalt  }
0x85: {  	_ =	shalt  }
0x86: {  	_ =	shalt  }
0x87: {  	_ =	shalt  }
.Lfunc_end0:
.L_simem_size_0:
called_computation.2_lowered:
.L_overlay_start_0:
0x88: {  	s2 =	sld [smem:$0x3FD9]  }
0x89: {  	s3 =	sld [smem:$0x3FFE];
	_ =	sdelay $0x1  }
0x8a: {  	s1 =	srdreg.scid  }
0x8b: {  	s0 =	sand.u32 $0x1, s1  }
0x8c: {  	s17 =	sshll.u32 s0, $0xA;
	s2 =	sadd.s32 s3, s2  }
0x8d: {  	s2 =	sadd.s32 s2, s17  }
0x8e: {  	[smem:$0x3FBC] =	sst s2  }
0x8f: {  	_ = 	snop  }
0x90: {  	s2 =	sld [smem:$0x3FD0];
	(tm) =	ssettm $0x1  }
0x91: {  	s18 =	sld [smem:$0x3FFB];
	_ =	sdelay $0x3  }
0x92: {  	_ =	strace s18  }
0x93: {  	s3 =	sld [smem:$0x3FFC];
	_ =	sdelay $0x3  }
0x94: {  	_ =	strace s3  }
0x95: {  	s3 =	sld [smem:$0x3FFD];
	_ =	sdelay $0x3  }
0x96: {  	_ =	strace s3  }
0x97: {  	_ =	strace $0x8FFFFFFF  }
0x98: {  	s19 =	sld [smem:$0x3FDB];
	_ =	sdelay $0x1  }
0x99: {  	s4 =	simm.s32 $_scs_section_size  }
0x9a: {  	s5 =	simm.s32 $_size__tile_overlayer_lowered;
	s6 =	simm.s32 $_tile_overlayer_lowered  }
0x9b: {  	s22 =	simm.s32 $0x1BFF;
	s21 =	sshll.u32 s6, $0x1;
	s3 =	sadd.s32 s4, s19  }
0x9c: {  	s7 =	simm.s32 $0x0;
	s20 =	sshll.u32 s5, $0x1;
	s5 =	sadd.s32 s21, s3  }
0x9d: {  	[timem:s7], [sflag:s22] =	dma.local [hbm:s5], s20  }
0x9e: {  	_ =	swait.ge [sflag:s22], s20  }
0x9f: {  	s4 =	ssub.s32 $0x0, s20;
	[sflag:s22] =	ssyncset.done $0x0  }
0xa0: {  	[sflag:s22] =	ssyncadd.s32 s4;
	_ =	sdelay $0x1  }
0xa1: {  	s23 =	simm.s32 $0x1B8B  }
0xa2: {  	_ =	swait.ge [sflag:s23], $0x1  }
0xa3: {  	[sflag:s23] =	ssyncset.done $0x0  }
0xa4: {  	s25 =	simm.s32 $0x1B8E;
	s24 =	sld [smem:$0x3FFE];
	[sflag:s23] =	ssyncadd.s32 $0xFFFFFFFF  }
0xa5: {  	s26 =	simm.s32 $execute0_lowered;
	[smem:$0x3FD2] =	sst s25  }
0xa6: {  	s5 =	sshll.u32 s26, $0x1;
	_ =	strace $0x8000004C;
	[dreg:$0x1] =	wrdreg $0xFFFFFFFF  }
0xa7: {  	s28 =	simm.s32 $_size_execute0_lowered;
	s3 =	sadd.s32 s3, s5;
	[dreg:$0x0] =	wrdreg $0x0  }
0xa8: {  	s5 =	sshll.u32 s28, $0x1;
	[dreg:$0x2] =	wrdreg s3  }
0xa9: {  	[dreg:$0x3] =	wrdreg s5  }
0xaa: {  	[dreg:$0x4] =	wrdreg $0xC0  }
0xab: {  	_ =	task [dreg:s7], $0x5FFFF  }
0xac: {  	[dreg:$0x1] =	wrdreg $0xFFFFFFFF  }
0xad: {  	[dreg:$0x0] =	wrdreg $0x60  }
0xae: {  	[dreg:$0x2] =	wrdreg s2  }
0xaf: {  	[dreg:$0x3] =	wrdreg s24  }
0xb0: {  	[dreg:$0x4] =	wrdreg $0x0  }
0xb1: {  	[dreg:$0x5] =	wrdreg $0x9  }
0xb2: {  	_ =	task.clear_ibuf [dreg:s7], $0x6FFFF;
	_ =	strace $0x9000004C  }
0xb3: {  	s29 =	simm.s32 $0x9;
	_ =	strace $0x8000004E  }
0xb4: {  	_ =	swait.ge [sflag:s29], $0x1  }
0xb5: {  	[sflag:s29] =	ssyncadd.s32 $0xFFFFFFFF  }
0xb6: {  	_ =	strace $0x9000004E  }
0xb7: {  	_ =	sfence  }
0xb8: {  	s30 =	sld [smem:$0x0];
	_ =	sdelay $0x2  }
0xb9: {  	s31 =	sshll.u32 s1, $0xD;
	s1 =	sshrl.u32 s1, $0x2  }
0xba: {  	s3 =	sand.u32 $0x4000, s31;
	s1 =	sadd.s32 s1, s30  }
0xbb: {  	s0 =	sor.u32 s3, s0;
	s1 =	sshll.u32 s1, $0x11  }
0xbc: {  	s0 =	sor.u32 s1, s0  }
0xbd: {  	s0 =	sadd.s32 $0x8F2B, s0  }
0xbe: {  	[sflag:s0] =	ssyncadd.remote.s32 $0x1  }
0xbf: {  	_ =	sfence.sel $0xFFFF  }
0xc0: {  	[dreg:$0x0] =	wrdreg $0xFFFFFFFF;
	(pc) =	sbr.abs _section_cstart, $3  }
0xc1: {  	[dreg:$0x1] =	wrdreg $0xFFFFFFFF  }
0xc2: {  	_ =	task.clear_ibuf [dreg:s7], $0x2FFFF;
	_ =	strace $0x9FFFFFFF  }
0xc3: {  	(tm) =	ssettm $0x7FFFFFFF  }
tec
execute0_lowered:
.L_overlay_start_1:
0x0: {  	(tag) =	ssettag $0x1  }
0x1: {  	s0 =	rddreg [dreg:$0x0]  }
0x2: {  	s6 =	rddreg [dreg:$0x1]  }
0x3: {  	s1 =	srdreg.scid;
	s3 =	rddreg [dreg:$0x2]  }
0x4: {  	s2 =	stileid.u32;
	s4 =	simm.s32 $0x0;
	s12 =	simm.s32 $0x2  }
0x5: {  	s13 =	simm.s32 $0x14000;
	s14 =	simm.s32 $0x14180;
	s9 =	smul.u32 $0x14000, s2  }
0x6: {  	s15 =	simm.s32 $0x140;
	s16 =	simm.s32 $0x1;
	s10 =	smul.u32 $0x50000, s2  }
0x7: {  	s5 =	sand.u32 $0x1, s1;
	s1 =	rddreg [dreg:$0x3];
	s31 =	smul.u32 $0x600, s2  }
0x8: {  	s19 =	simm.s32 $0x0;
	[smem:$0x7FF] =	sst s4;
	s7 =	smul.u32 $0x6000, s5  }
0x9: {  	s17 =	sshll.u32 s2, $0x6;
	s8 =	smul.u32 $0x140000, s5;
	_ =	strace $0x8000004D  }
0xa: {  	s28 =	ssub.s32 $0x2, s5;
	s17 =	sor.u32 $0x1C02, s17;
	s29 =	sshrl.u32 s10, $0x2  }
0xb: {  	s30 =	sshrl.u32 s28, $0x1;
	s11 =	sadd.s32 s7, s6;
	s26 =	sadd.s32 s9, s8  }
0xc: {  	s5 =	sadd.s32 s29, s3;
	s8 =	ssub.s32 s28, s30;
	s7 =	sshrl.u32 s26, $0x3  }
0xd: {  	s8 =	smax.u32 s8, $0x1;
	s10 =	sadd.s32 s31, s11;
	s11 =	simm.s32 $0x14300  }
0xe: {  	s18 =	sshrl.u32 s5, $0x3;
	s7 =	sadd.s32 s7, s6;
	s6 =	sadd.s32 $0xA000, s5  }
0xf: {  	v0 =	vimm.f32 $0.0e+00;
	s9 =	sadd.s32 $0x60C00, s10;
	s10 =	sadd.s32 $0x4C00, s10;
	s7 =	sadd.s32 $0x93E00, s7  }
.LBB2_1:
0x10: {  	s20 =	simm.s32 $0x0;
	s21 =	simm.s32 $0x200  }
.LBB2_2:
0x11: {  	p0 =	sne.s32 s21, $0x27E00;
	[tilespmem:s20+$0x14370] =	vst v0  }
0x12: {  	[tilespmem:s20+$0x14300] =	vst v0  }
0x13: {  	[tilespmem:s20+$0x14310] =	vst v0  }
.Ltmp0:
0x14: {  	[tilespmem:s20+$0x14320] =	vst v0;
	(pc) =	sbr.rel @p0 .LBB2_2-.Ltmp0, $4  }
0x15: {  	[tilespmem:s20+$0x14330] =	vst v0  }
0x16: {  	[tilespmem:s20+$0x14340] =	vst v0  }
0x17: {  	[tilespmem:s20+$0x14350] =	vst v0  }
0x18: {  	[tilespmem:s20+$0x14360] =	vst v0;
	s20 =	sshra.s32 s21, $0x2;
	s21 =	sadd.s32 $0x200, s21  }
0x19: {  	[tilespmem:s20+$0x14370] =	vst v0  }
0x1a: {  	[tilespmem:s20+$0x14300] =	vst v0  }
0x1b: {  	[tilespmem:s20+$0x14310] =	vst v0  }
0x1c: {  	[tilespmem:s20+$0x14320] =	vst v0  }
0x1d: {  	[tilespmem:s20+$0x14330] =	vst v0  }
0x1e: {  	[tilespmem:s20+$0x14340] =	vst v0  }
0x1f: {  	[tilespmem:s20+$0x14350] =	vst v0  }
0x20: {  	[tilespmem:s20+$0x14360] =	vst v0  }
0x21: {  	[spmem:s5] =	stream.linear.scatter [tilespmem:s11], [sflag:$0x2], $0xA000, $0x38;
	[tilespmem:$0x1E300] =	vst v63  }
0x22: {  	_ =	swait.ge [sflag:s12], $0xA000  }
0x23: {  	[sflag:s12] =	ssyncset.done $0x0  }
0x24: {  	[sflag:s12] =	ssyncadd.s32 $0xFFFF6000  }
0x25: {  	[spmem:s6] =	stream.linear.scatter [tilespmem:s11], [sflag:$0x2], $0xA000, $0x38;
	[tilespmem:$0x1E300] =	vst v63  }
0x26: {  	_ =	swait.ge [sflag:s12], $0xA000  }
0x27: {  	[sflag:s12] =	ssyncset.done $0x0  }
0x28: {  	[sflag:s12] =	ssyncadd.s32 $0xFFFF6000  }
0x29: {  	s30 =	sadd.s32 $0x0, s9;
	[bflag:$0x0] =	sbarrier.arrive $0xFFFF  }
0x2a: {  	[tilespmem:s13], [sflag:$0x2] =	stream.linear.gather [hbm4b:s30+s4], $0x180, $0x38;
	[tilespmem:$0x1E300] =	vst v63  }
0x2b: {  	_ =	swait.ge [sflag:s12], $0x180  }
0x2c: {  	[sflag:s12] =	ssyncset.done $0x0  }
0x2d: {  	s31 =	sadd.s32 $0x0, s10;
	[sflag:s12] =	ssyncadd.s32 $0xFFFFFE80  }
0x2e: {  	[tilespmem:s14], [sflag:$0x2] =	stream.linear.gather [hbm4b:s31+s4], $0x180, $0x38;
	[tilespmem:$0x1E300] =	vst v63  }
0x2f: {  	_ =	swait.ge [sflag:s12], $0x180  }
0x30: {  	[sflag:s12] =	ssyncset.done $0x0  }
0x31: {  	[sflag:s12] =	ssyncadd.s32 $0xFFFFFE80  }
0x32: {  	[tilespmem:s11], [sflag:$0x1] =	stream.indirect.gather [hbm4b:s0+s15], $0x80, s13, s15, $0xb8;
	[tilespmem:$0x1E300] =	vst v63  }
0x33: {  	_ =	swait.ge [sflag:s16], $0xA000  }
0x34: {  	[sflag:s16] =	ssyncset.done $0x0  }
0x35: {  	[sflag:s16] =	ssyncadd.s32 $0xFFFF6000  }
0x36: {  	[spmem:s3] =	stream.indirect.scatter.add.f32 [tilespmem:s11], [sflag:$0x2], $0x80, s14, s15, $0xb8;
	[tilespmem:$0x1E300] =	vst v63  }
0x37: {  	_ =	swait.ge [sflag:s12], $0xA000  }
0x38: {  	s20 =	simm.s32 $0x30;
	s21 =	simm.s32 $0x60;
	[sflag:s12] =	ssyncset.done $0x0  }
.LBB2_4:
0x39: {  	s22 =	sadd.s32 s20, s9  }
0x3a: {  	[sflag:s12] =	ssyncadd.s32 $0xFFFF6000;
	s23 =	smov.u32 s21;
	s24 =	sadd.s32 $0x30, s21  }
0x3b: {  	[tilespmem:s13], [sflag:$0x2] =	stream.linear.gather [hbm4b:s22+s4], $0x180, $0x38;
	[tilespmem:$0x1E300] =	vst v63  }
0x3c: {  	p0 =	sne.s32 s21, $0x5D0;
	_ =	swait.ge [sflag:s12], $0x180  }
0x3d: {  	[sflag:s12] =	ssyncset.done $0x0  }
0x3e: {  	s21 =	sadd.s32 s20, s10;
	s20 =	smov.u32 s23;
	[sflag:s12] =	ssyncadd.s32 $0xFFFFFE80  }
0x3f: {  	[tilespmem:s14], [sflag:$0x2] =	stream.linear.gather [hbm4b:s21+s4], $0x180, $0x38;
	[tilespmem:$0x1E300] =	vst v63  }
0x40: {  	_ =	swait.ge [sflag:s12], $0x180  }
0x41: {  	[sflag:s12] =	ssyncset.done $0x0  }
0x42: {  	[sflag:s12] =	ssyncadd.s32 $0xFFFFFE80  }
0x43: {  	[tilespmem:s11], [sflag:$0x1] =	stream.indirect.gather [hbm4b:s0+s15], $0x80, s13, s15, $0xb8;
	[tilespmem:$0x1E300] =	vst v63  }
0x44: {  	_ =	swait.ge [sflag:s16], $0xA000  }
.Ltmp1:
0x45: {  	[sflag:s16] =	ssyncset.done $0x0;
	(pc) =	sbr.rel @p0 .LBB2_4-.Ltmp1, $4  }
0x46: {  	[sflag:s16] =	ssyncadd.s32 $0xFFFF6000  }
0x47: {  	[spmem:s3] =	stream.indirect.scatter.add.f32 [tilespmem:s11], [sflag:$0x2], $0x80, s14, s15, $0xb8;
	[tilespmem:$0x1E300] =	vst v63  }
0x48: {  	_ =	swait.ge [sflag:s12], $0xA000  }
0x49: {  	s21 =	smov.u32 s24;
	[sflag:s12] =	ssyncset.done $0x0  }
0x4a: {  	s21 =	sadd.s32 s20, s9;
	[sflag:s12] =	ssyncadd.s32 $0xFFFF6000  }
0x4b: {  	[tilespmem:s13], [sflag:$0x2] =	stream.linear.gather [hbm4b:s21+s4], $0x180, $0x38;
	[tilespmem:$0x1E300] =	vst v63  }
0x4c: {  	_ =	swait.ge [sflag:s12], $0x180  }
0x4d: {  	[sflag:s12] =	ssyncset.done $0x0  }
0x4e: {  	s31 =	sadd.s32 s20, s10;
	[sflag:s12] =	ssyncadd.s32 $0xFFFFFE80  }
0x4f: {  	[tilespmem:s14], [sflag:$0x2] =	stream.linear.gather [hbm4b:s31+s4], $0x180, $0x38;
	[tilespmem:$0x1E300] =	vst v63  }
0x50: {  	_ =	swait.ge [sflag:s12], $0x180  }
0x51: {  	[sflag:s12] =	ssyncset.done $0x0  }
0x52: {  	[sflag:s12] =	ssyncadd.s32 $0xFFFFFE80  }
0x53: {  	[tilespmem:s11], [sflag:$0x1] =	stream.indirect.gather [hbm4b:s0+s15], $0x80, s13, s15, $0xb8;
	[tilespmem:$0x1E300] =	vst v63  }
0x54: {  	_ =	swait.ge [sflag:s16], $0xA000  }
0x55: {  	[sflag:s16] =	ssyncset.done $0x0  }
0x56: {  	[sflag:s16] =	ssyncadd.s32 $0xFFFF6000  }
0x57: {  	[spmem:s3] =	stream.indirect.scatter.add.f32 [tilespmem:s11], [sflag:$0x2], $0x80, s14, s15, $0xb8;
	[tilespmem:$0x1E300] =	vst v63  }
0x58: {  	_ =	swait.ge [sflag:s12], $0xA000  }
0x59: {  	s19 =	sadd.s32 $0x1, s19;
	[sflag:s12] =	ssyncset.done $0x0  }
0x5a: {  	p0 =	sne.s32 s19, s8;
	[sflag:s12] =	ssyncadd.s32 $0xFFFF6000  }
.Ltmp2:
0x5b: {  	[bflag:$0x0] =	sbarrier.arrive $0xFFFF;
	(pc) =	sbr.rel @p0 .LBB2_1-.Ltmp2, $4  }
0x5c: {  	[hbm:s7], [sflag:s17] =	dma.local [spmem:s18], $0x2800  }
0x5d: {  	_ =	swait.ge [sflag:s12], $0x2800  }
0x5e: {  	[sflag:s12] =	ssyncset.done $0x0  }
0x5f: {  	[sflag:s12] =	ssyncadd.s32 $0xFFFFD800  }
0x60: {  	_ =	sfence.sel $0x180000  }
0x61: {  	[bflag:$0x0] =	sbarrier.arrive $0xFFFF  }
0x62: {  	p0 =	sne.s32 s2, $0x0;
	_ =	strace $0x9000004D  }
0x63: {  	s0 =	sadd.s32 @!p0 $0x100000, s1;
	[bflag:$0x2] =	sbarrier.arrive $0xFFFF  }
0x64: {  	[sflag:s0] =	ssyncadd.tile.s32 @!p0 $0x1;
	_ =	shalt  }
.Lfunc_end2:
_tile_overlayer_lowered:
.L_overlay_start_2:
0x65: {  	(tag) =	ssettag $0x2  }
0x66: {  	s0 =	rddreg [dreg:$0x0];
	s2 =	stileid.u32  }
0x67: {  	s1 =	rddreg [dreg:$0x1];
	p0 =	sne.s32 s2, $0x0  }
0x68: {  	s3 =	rddreg [dreg:$0x2];
	[bflag:$0x3] =	sbarrier.arrive $0xFFFF;
	s2 =	simm.s32 @!p0 $0x1C02  }
0x69: {  	[timem:s3], [sflag:s2] =	dma.local @!p0 [hbm:s0], s1  }
0x6a: {  	s0 =	simm.s32 @!p0 $0x2  }
0x6b: {  	_ =	swait.ge @!p0 [sflag:s0], s1  }
0x6c: {  	s1 =	ssub.s32 @!p0 $0x0, s1;
	[sflag:s0] =	ssyncset.done @!p0 $0x0  }
0x6d: {  	[sflag:s0] =	ssyncadd.s32 @!p0 s1  }
0x6e: {  	[bflag:$0x3] =	sbarrier.arrive $0xFFFF  }
0x6f: {  	_ =	shalt  }

// kernel: kernel.20.cloned.1.call-start
scs
__scs_entry_jumppad:
0x0: {  	(pc) =	sbr.rel $0x88, $3  }
0x1: {  	(tag) =	ssettag $0x0;
	lr =	simm.s32 $0x1  }
0x2: {  	[smem:$0x3F95] =	sst lr;
	_ =	strace $0xD0000000  }
0x3: {  	_ = 	snop  }
0x4: {  	_ = 	snop  }
0x5: {  	_ = 	snop  }
0x6: {  	_ = 	snop  }
0x7: {  	_ = 	snop  }
__scs_overlays_trampoline_lowered:
0x8: {  	[smem:$0x3FA4] =	sst s0  }
0x9: {  	[smem:$0x3FA5] =	sst s1  }
0xa: {  	[smem:$0x3FA6] =	sst s2  }
0xb: {  	[smem:$0x3FA7] =	sst s3  }
0xc: {  	[smem:$0x3FA8] =	sst s4  }
0xd: {  	[smem:$0x3FA9] =	sst s5  }
0xe: {  	[smem:$0x3FAA] =	sst s6  }
0xf: {  	[smem:$0x3FAB] =	sst s7  }
0x10: {  	[smem:$0x3FAC] =	sst s8  }
0x11: {  	[smem:$0x3FAD] =	sst s9;
	s0 =	simm.s32 @!p0 $0x0  }
0x12: {  	s1 =	sld [smem:$0x3F93];
	s0 =	simm.s32 @p0 $0x1  }
0x13: {  	[smem:$0x3FAE] =	sst s0;
	s0 =	simm.s32 @!p1 $0x0  }
0x14: {  	s2 =	sld [smem:$0x3F92];
	s0 =	simm.s32 @p1 $0x1  }
0x15: {  	[smem:$0x3FAF] =	sst s0;
	s0 =	simm.s32 @!p2 $0x0  }
0x16: {  	s3 =	sld [smem:$0x3FDB];
	s0 =	simm.s32 @p2 $0x1  }
0x17: {  	s4 =	simm.s32 $0x1BF5;
	[smem:$0x3FB1] =	sst s0  }
0x18: {  	s0 =	sld [smem:$0x3F94];
	_ =	swait.ge [sflag:s4], $0x0  }
0x19: {  	s7 =	sld [smem:$0x3F95]  }
0x1a: {  	s8 =	sadd.s32 $0xFFFFE003, lr  }
0x1b: {  	s9 =	sadd.s32 $0xFFFFFEF7, lr;
	s5 =	simm.s32 $0xFFFFFFFF;
	p2 =	slt.u32 s8, $0xFFFFF086  }
0x1c: {  	p1 =	slt.u32 s9, $0xF7A;
	s5 =	simm.s32 @!p2 $0x0  }
0x1d: {  	s5 =	simm.s32 @p1 $0x1;
	p0 =	seq.s32 s7, s2  }
0x1e: {  	s7 =	smul.u32 @!p0 $0xF7A, s2;
	p2 =	seq.s32 @!p0 s5, $0x0  }
0x1f: {  	s9 =	smul.u32 $0xF7A, s1;
	s8 =	simm.s32 @!p0 $0x1BF5;
	p2 =	por !p2, p0  }
0x20: {  	[sflag:s8] =	ssyncset.s32 @!p0 $0xFFFFF086;
	s6 =	sadd.s32 @!p0 s3, s7;
	s7 =	simm.s32 @!p0 $0x108  }
0x21: {  	s3 =	sadd.s32 s3, s9;
	s6 =	sadd.s32 @!p0 $0x88, s6;
	s7 =	simm.s32 @p2 $0x1082  }
0x22: {  	[simem:s7], [sflag:s8] =	dma.local @!p0 [hbm:s6], $0xF7A  }
0x23: {  	s9 =	sor.u32 $0xD0000000, s2;
	s6 =	simm.s32 $0x108;
	_ =	swait.ge @!p0 [sflag:s8], $0x0  }
0x24: {  	s3 =	sadd.s32 $0x88, s3;
	s6 =	simm.s32 @!p1 $0x1082;
	[sflag:s4] =	ssyncset.s32 $0xFFFFF086  }
0x25: {  	[simem:s6], [sflag:s4] =	dma.local [hbm:s3], $0xF7A  }
0x26: {  	[smem:$0x3F95] =	sst s1;
	(tag) =	ssettag s2;
	_ =	strace s9  }
0x27: {  	s1 =	sld [smem:$0x3FA5]  }
0x28: {  	s2 =	sld [smem:$0x3FA6]  }
0x29: {  	s4 =	sld [smem:$0x3FA8]  }
0x2a: {  	p0 =	seq.s32 s5, $0x0;
	s5 =	sld [smem:$0x3FA9]  }
0x2b: {  	s6 =	sld [smem:$0x3FAA]  }
0x2c: {  	s7 =	sld [smem:$0x3FAB]  }
0x2d: {  	s3 =	simm.s32 $0x108;
	s8 =	sld [smem:$0x3FAC]  }
0x2e: {  	s3 =	simm.s32 @!p0 $0x1082;
	s9 =	sld [smem:$0x3FAD]  }
0x2f: {  	lr =	sadd.s32 s0, s3;
	s0 =	sld [smem:$0x3FA4]  }
0x30: {  	s3 =	sld [smem:$0x3FA7]  }
0x31: {  	[smem:$0x3FB0] =	sst s10  }
0x32: {  	s10 =	sld [smem:$0x3FAE];
	_ =	sdelay $0x3  }
0x33: {  	p0 =	seq.s32 s10, $0x1;
	s10 =	sld [smem:$0x3FB0];
	_ =	sdelay $0x3  }
0x34: {  	[smem:$0x3FB0] =	sst s10  }
0x35: {  	s10 =	sld [smem:$0x3FAF];
	_ =	sdelay $0x3  }
0x36: {  	p1 =	seq.s32 s10, $0x1;
	s10 =	sld [smem:$0x3FB0];
	_ =	sdelay $0x3  }
0x37: {  	[smem:$0x3FB0] =	sst s10  }
0x38: {  	s10 =	sld [smem:$0x3FB1]  }
0x39: {  	_ = 	snop;
	(pc) =	sbr.ind lr, $3  }
0x3a: {  	_ = 	snop  }
0x3b: {  	_ = 	snop  }
0x3c: {  	p2 =	seq.s32 s10, $0x1;
	s10 =	sld [smem:$0x3FB0]  }
0x3d: {  	_ =	shalt  }
0x3e: {  	_ =	shalt  }
0x3f: {  	_ =	shalt  }
0x40: {  	_ =	shalt  }
0x41: {  	_ =	shalt  }
0x42: {  	_ =	shalt  }
0x43: {  	_ =	shalt  }
0x44: {  	_ =	shalt  }
0x45: {  	_ =	shalt  }
0x46: {  	_ =	shalt  }
0x47: {  	_ =	shalt  }
0x48: {  	_ =	shalt  }
0x49: {  	_ =	shalt  }
0x4a: {  	_ =	shalt  }
0x4b: {  	_ =	shalt  }
0x4c: {  	_ =	shalt  }
0x4d: {  	_ =	shalt  }
0x4e: {  	_ =	shalt  }
0x4f: {  	_ =	shalt  }
0x50: {  	_ =	shalt  }
0x51: {  	_ =	shalt  }
0x52: {  	_ =	shalt  }
0x53: {  	_ =	shalt  }
0x54: {  	_ =	shalt  }
0x55: {  	_ =	shalt  }
0x56: {  	_ =	shalt  }
0x57: {  	_ =	shalt  }
0x58: {  	_ =	shalt  }
0x59: {  	_ =	shalt  }
0x5a: {  	_ =	shalt  }
0x5b: {  	_ =	shalt  }
0x5c: {  	_ =	shalt  }
0x5d: {  	_ =	shalt  }
0x5e: {  	_ =	shalt  }
0x5f: {  	_ =	shalt  }
0x60: {  	_ =	shalt  }
0x61: {  	_ =	shalt  }
0x62: {  	_ =	shalt  }
0x63: {  	_ =	shalt  }
0x64: {  	_ =	shalt  }
0x65: {  	_ =	shalt  }
0x66: {  	_ =	shalt  }
0x67: {  	_ =	shalt  }
0x68: {  	_ =	shalt  }
0x69: {  	_ =	shalt  }
0x6a: {  	_ =	shalt  }
0x6b: {  	_ =	shalt  }
0x6c: {  	_ =	shalt  }
0x6d: {  	_ =	shalt  }
0x6e: {  	_ =	shalt  }
0x6f: {  	_ =	shalt  }
0x70: {  	_ =	shalt  }
0x71: {  	_ =	shalt  }
0x72: {  	_ =	shalt  }
0x73: {  	_ =	shalt  }
0x74: {  	_ =	shalt  }
0x75: {  	_ =	shalt  }
0x76: {  	_ =	shalt  }
0x77: {  	_ =	shalt  }
0x78: {  	_ =	shalt  }
0x79: {  	_ =	shalt  }
0x7a: {  	_ =	shalt  }
0x7b: {  	_ =	shalt  }
0x7c: {  	_ =	shalt  }
0x7d: {  	_ =	shalt  }
0x7e: {  	_ =	shalt  }
0x7f: {  	_ =	shalt  }
0x80: {  	_ =	shalt  }
0x81: {  	_ =	shalt  }
0x82: {  	_ =	shalt  }
0x83: {  	_ =	shalt  }
0x84: {  	_ =	shalt  }
0x85: {  	_ =	shalt  }
0x86: {  	_ =	shalt  }
0x87: {  	_ =	shalt  }
.Lfunc_end0:
.L_simem_size_0:
called_computation.3_lowered:
.L_overlay_start_0:
0x88: {  	s2 =	sld [smem:$0x3FD9]  }
0x89: {  	s3 =	sld [smem:$0x3FFE];
	_ =	sdelay $0x1  }
0x8a: {  	s1 =	srdreg.scid  }
0x8b: {  	s0 =	sand.u32 $0x1, s1  }
0x8c: {  	s17 =	sshll.u32 s0, $0xA;
	s2 =	sadd.s32 s3, s2  }
0x8d: {  	s2 =	sadd.s32 s2, s17  }
0x8e: {  	[smem:$0x3FBC] =	sst s2  }
0x8f: {  	_ = 	snop  }
0x90: {  	(tm) =	ssettm $0x1  }
0x91: {  	s18 =	sld [smem:$0x3FFB];
	_ =	sdelay $0x3  }
0x92: {  	_ =	strace s18  }
0x93: {  	s2 =	sld [smem:$0x3FFC];
	_ =	sdelay $0x3  }
0x94: {  	_ =	strace s2  }
0x95: {  	s2 =	sld [smem:$0x3FFD];
	_ =	sdelay $0x3  }
0x96: {  	_ =	strace s2  }
0x97: {  	_ =	strace $0x8FFFFFFF  }
0x98: {  	s19 =	sld [smem:$0x3FDB];
	_ =	sdelay $0x1  }
0x99: {  	s20 =	simm.s32 $_scs_section_size  }
0x9a: {  	s4 =	simm.s32 $_size__tile_overlayer_lowered;
	s5 =	simm.s32 $_tile_overlayer_lowered  }
0x9b: {  	s6 =	simm.s32 $0x1BFF;
	s21 =	sshll.u32 s5, $0x1;
	s3 =	sadd.s32 s20, s19  }
0x9c: {  	s22 =	simm.s32 $0x0;
	s4 =	sshll.u32 s4, $0x1;
	s5 =	sadd.s32 s21, s3  }
0x9d: {  	[timem:s22], [sflag:s6] =	dma.local [hbm:s5], s4  }
0x9e: {  	_ =	swait.ge [sflag:s6], s4  }
0x9f: {  	s4 =	ssub.s32 $0x0, s4;
	[sflag:s6] =	ssyncset.done $0x0  }
0xa0: {  	[sflag:s6] =	ssyncadd.s32 s4;
	_ =	sdelay $0x1  }
0xa1: {  	s23 =	simm.s32 $0x1B8B  }
0xa2: {  	_ =	swait.ge [sflag:s23], $0x1  }
0xa3: {  	[sflag:s23] =	ssyncset.done $0x0  }
0xa4: {  	[sflag:s23] =	ssyncadd.s32 $0xFFFFFFFF  }
0xa5: {  	s4 =	sld [smem:$0x0]  }
0xa6: {  	s5 =	sand.u32 $0xFFFFFFFE, s1  }
0xa7: {  	p0 =	sne.s32 s1, s5  }
0xa8: {  	s5 =	sshll.u32 @p0 s5, $0xE  }
0xa9: {  	s5 =	sadd.s32 @p0 $0x11B8D, s5;
	s6 =	sshll.u32 @p0 s4, $0x11  }
0xaa: {  	s5 =	sor.u32 @p0 s6, s5  }
0xab: {  	[sflag:s5] =	ssyncadd.remote.s32 @p0 $0x1;
	_ =	sdelay $0x1  }
0xac: {  	s5 =	simm.s32 @p0 $0x1B8D  }
0xad: {  	_ =	swait.eq @p0 [sflag:s5], $0x1  }
0xae: {  	[sflag:s5] =	ssyncadd.s32 @p0 $0xFFFFFFFF  }
0xaf: {  	s6 =	sshll.u32 @!p0 s1, $0xE  }
0xb0: {  	s6 =	sor.u32 @!p0 $0x4000, s6;
	s5 =	simm.s32 @!p0 $0x1B8D  }
0xb1: {  	s4 =	sshll.u32 @!p0 s4, $0x11;
	s6 =	sadd.s32 @!p0 $0x11B8D, s6;
	_ =	swait.eq @!p0 [sflag:s5], $0x1  }
0xb2: {  	s4 =	sor.u32 @!p0 s4, s6;
	[sflag:s5] =	ssyncadd.s32 @!p0 $0xFFFFFFFF  }
0xb3: {  	s25 =	simm.s32 $0x1B8E;
	s24 =	sld [smem:$0x3FFE];
	[sflag:s4] =	ssyncadd.remote.s32 @!p0 $0x1  }
0xb4: {  	s26 =	simm.s32 $execute0_lowered;
	[smem:$0x3FD2] =	sst s25  }
0xb5: {  	s5 =	sshll.u32 s26, $0x1;
	_ =	strace $0x8000004F;
	[dreg:$0x1] =	wrdreg $0xFFFFFFFF  }
0xb6: {  	s28 =	simm.s32 $_size_execute0_lowered;
	s3 =	sadd.s32 s3, s5;
	[dreg:$0x0] =	wrdreg $0x0  }
0xb7: {  	s5 =	sshll.u32 s28, $0x1;
	[dreg:$0x2] =	wrdreg s3  }
0xb8: {  	[dreg:$0x3] =	wrdreg s5  }
0xb9: {  	[dreg:$0x4] =	wrdreg $0xC0  }
0xba: {  	_ =	task [dreg:s22], $0x5FFFF  }
0xbb: {  	[dreg:$0x1] =	wrdreg $0xFFFFFFFF  }
0xbc: {  	[dreg:$0x0] =	wrdreg $0x60  }
0xbd: {  	[dreg:$0x2] =	wrdreg s24  }
0xbe: {  	[dreg:$0x3] =	wrdreg $0x0  }
0xbf: {  	[dreg:$0x4] =	wrdreg $0xA  }
0xc0: {  	_ =	task.clear_ibuf [dreg:s22], $0x5FFFF;
	_ =	strace $0x9000004F  }
0xc1: {  	s29 =	simm.s32 $0xA;
	_ =	strace $0x80000051  }
0xc2: {  	_ =	swait.ge [sflag:s29], $0x1  }
0xc3: {  	[sflag:s29] =	ssyncadd.s32 $0xFFFFFFFF  }
0xc4: {  	_ =	strace $0x90000051  }
0xc5: {  	_ =	sfence  }
0xc6: {  	s30 =	sld [smem:$0x0];
	_ =	sdelay $0x2  }
0xc7: {  	s31 =	sshll.u32 s1, $0xD;
	s1 =	sshrl.u32 s1, $0x2  }
0xc8: {  	s4 =	sand.u32 $0x4000, s31;
	s1 =	sadd.s32 s1, s30  }
0xc9: {  	s0 =	sor.u32 s4, s0;
	s1 =	sshll.u32 s1, $0x11  }
0xca: {  	s0 =	sor.u32 s1, s0  }
0xcb: {  	s0 =	sadd.s32 $0x8F2B, s0  }
0xcc: {  	[sflag:s0] =	ssyncadd.remote.s32 $0x1  }
0xcd: {  	_ =	sfence.sel $0xFFFF  }
0xce: {  	[dreg:$0x0] =	wrdreg $0xFFFFFFFF;
	(pc) =	sbr.abs _section_cstart, $3  }
0xcf: {  	[dreg:$0x1] =	wrdreg $0xFFFFFFFF  }
0xd0: {  	_ =	task.clear_ibuf [dreg:s22], $0x2FFFF;
	_ =	strace $0x9FFFFFFF  }
0xd1: {  	(tm) =	ssettm $0x7FFFFFFF  }
tec
execute0_lowered:
.L_overlay_start_1:
0x0: {  	(tag) =	ssettag $0x1  }
0x1: {  	s6 =	rddreg [dreg:$0x0]  }
0x2: {  	s0 =	srdreg.scid;
	s1 =	rddreg [dreg:$0x1];
	s3 =	simm.s32 $0x0  }
0x3: {  	s2 =	stileid.u32;
	s12 =	simm.s32 $0x2;
	s13 =	simm.s32 $0x14000  }
0x4: {  	s14 =	simm.s32 $0x14180;
	s15 =	simm.s32 $0x140;
	s9 =	smul.u32 $0x14000, s2  }
0x5: {  	s16 =	simm.s32 $0x1;
	s19 =	simm.s32 $0x0;
	s10 =	smul.u32 $0x50000, s2  }
0x6: {  	s5 =	sand.u32 $0x1, s0;
	s0 =	rddreg [dreg:$0x2];
	s31 =	smul.u32 $0x600, s2  }
0x7: {  	[smem:$0x7FF] =	sst s3;
	s4 =	sadd.s32 $0x6CC00, s6;
	s7 =	smul.u32 $0x6000, s5  }
0x8: {  	s17 =	sshll.u32 s2, $0x6;
	s8 =	smul.u32 $0x140000, s5;
	_ =	strace $0x80000050  }
0x9: {  	s28 =	ssub.s32 $0x2, s5;
	s17 =	sor.u32 $0x1C02, s17;
	s29 =	sshrl.u32 s10, $0x2  }
0xa: {  	s30 =	sshrl.u32 s28, $0x1;
	s11 =	sadd.s32 s7, s6;
	s26 =	sadd.s32 s9, s8  }
0xb: {  	s5 =	sadd.s32 s29, s1;
	s8 =	ssub.s32 s28, s30;
	s7 =	sshrl.u32 s26, $0x3  }
0xc: {  	s8 =	smax.u32 s8, $0x1;
	s10 =	sadd.s32 s31, s11;
	s11 =	simm.s32 $0x14300  }
0xd: {  	s18 =	sshrl.u32 s5, $0x3;
	s7 =	sadd.s32 s7, s6;
	s6 =	sadd.s32 $0xA000, s5  }
0xe: {  	v0 =	vimm.f32 $0.0e+00;
	s9 =	sadd.s32 $0x60C00, s10;
	s10 =	sadd.s32 $0x4C00, s10;
	s7 =	sadd.s32 $0xE3E00, s7  }
.LBB2_1:
0xf: {  	s20 =	simm.s32 $0x0;
	s21 =	simm.s32 $0x200  }
.LBB2_2:
0x10: {  	p0 =	sne.s32 s21, $0x27E00;
	[tilespmem:s20+$0x14370] =	vst v0  }
0x11: {  	[tilespmem:s20+$0x14300] =	vst v0  }
0x12: {  	[tilespmem:s20+$0x14310] =	vst v0  }
.Ltmp0:
0x13: {  	[tilespmem:s20+$0x14320] =	vst v0;
	(pc) =	sbr.rel @p0 .LBB2_2-.Ltmp0, $4  }
0x14: {  	[tilespmem:s20+$0x14330] =	vst v0  }
0x15: {  	[tilespmem:s20+$0x14340] =	vst v0  }
0x16: {  	[tilespmem:s20+$0x14350] =	vst v0  }
0x17: {  	[tilespmem:s20+$0x14360] =	vst v0;
	s20 =	sshra.s32 s21, $0x2;
	s21 =	sadd.s32 $0x200, s21  }
0x18: {  	[tilespmem:s20+$0x14370] =	vst v0  }
0x19: {  	[tilespmem:s20+$0x14300] =	vst v0  }
0x1a: {  	[tilespmem:s20+$0x14310] =	vst v0  }
0x1b: {  	[tilespmem:s20+$0x14320] =	vst v0  }
0x1c: {  	[tilespmem:s20+$0x14330] =	vst v0  }
0x1d: {  	[tilespmem:s20+$0x14340] =	vst v0  }
0x1e: {  	[tilespmem:s20+$0x14350] =	vst v0  }
0x1f: {  	[tilespmem:s20+$0x14360] =	vst v0  }
0x20: {  	[spmem:s5] =	stream.linear.scatter [tilespmem:s11], [sflag:$0x2], $0xA000, $0x38;
	[tilespmem:$0x1E300] =	vst v63  }
0x21: {  	_ =	swait.ge [sflag:s12], $0xA000  }
0x22: {  	[sflag:s12] =	ssyncset.done $0x0  }
0x23: {  	[sflag:s12] =	ssyncadd.s32 $0xFFFF6000  }
0x24: {  	[spmem:s6] =	stream.linear.scatter [tilespmem:s11], [sflag:$0x2], $0xA000, $0x38;
	[tilespmem:$0x1E300] =	vst v63  }
0x25: {  	_ =	swait.ge [sflag:s12], $0xA000  }
0x26: {  	[sflag:s12] =	ssyncset.done $0x0  }
0x27: {  	[sflag:s12] =	ssyncadd.s32 $0xFFFF6000  }
0x28: {  	s30 =	sadd.s32 $0x0, s9;
	[bflag:$0x0] =	sbarrier.arrive $0xFFFF  }
0x29: {  	[tilespmem:s13], [sflag:$0x2] =	stream.linear.gather [hbm4b:s30+s3], $0x180, $0x38;
	[tilespmem:$0x1E300] =	vst v63  }
0x2a: {  	_ =	swait.ge [sflag:s12], $0x180  }
0x2b: {  	[sflag:s12] =	ssyncset.done $0x0  }
0x2c: {  	s31 =	sadd.s32 $0x0, s10;
	[sflag:s12] =	ssyncadd.s32 $0xFFFFFE80  }
0x2d: {  	[tilespmem:s14], [sflag:$0x2] =	stream.linear.gather [hbm4b:s31+s3], $0x180, $0x38;
	[tilespmem:$0x1E300] =	vst v63  }
0x2e: {  	_ =	swait.ge [sflag:s12], $0x180  }
0x2f: {  	[sflag:s12] =	ssyncset.done $0x0  }
0x30: {  	[sflag:s12] =	ssyncadd.s32 $0xFFFFFE80  }
0x31: {  	[tilespmem:s11], [sflag:$0x1] =	stream.indirect.gather [hbm4b:s4+s15], $0x80, s13, s15, $0xb8;
	[tilespmem:$0x1E300] =	vst v63  }
0x32: {  	_ =	swait.ge [sflag:s16], $0xA000  }
0x33: {  	[sflag:s16] =	ssyncset.done $0x0  }
0x34: {  	[sflag:s16] =	ssyncadd.s32 $0xFFFF6000  }
0x35: {  	[spmem:s1] =	stream.indirect.scatter.add.f32 [tilespmem:s11], [sflag:$0x2], $0x80, s14, s15, $0xb8;
	[tilespmem:$0x1E300] =	vst v63  }
0x36: {  	_ =	swait.ge [sflag:s12], $0xA000  }
0x37: {  	s20 =	simm.s32 $0x30;
	s21 =	simm.s32 $0x60;
	[sflag:s12] =	ssyncset.done $0x0  }
.LBB2_4:
0x38: {  	s22 =	sadd.s32 s20, s9  }
0x39: {  	[sflag:s12] =	ssyncadd.s32 $0xFFFF6000;
	s23 =	smov.u32 s21;
	s24 =	sadd.s32 $0x30, s21  }
0x3a: {  	[tilespmem:s13], [sflag:$0x2] =	stream.linear.gather [hbm4b:s22+s3], $0x180, $0x38;
	[tilespmem:$0x1E300] =	vst v63  }
0x3b: {  	p0 =	sne.s32 s21, $0x5D0;
	_ =	swait.ge [sflag:s12], $0x180  }
0x3c: {  	[sflag:s12] =	ssyncset.done $0x0  }
0x3d: {  	s21 =	sadd.s32 s20, s10;
	s20 =	smov.u32 s23;
	[sflag:s12] =	ssyncadd.s32 $0xFFFFFE80  }
0x3e: {  	[tilespmem:s14], [sflag:$0x2] =	stream.linear.gather [hbm4b:s21+s3], $0x180, $0x38;
	[tilespmem:$0x1E300] =	vst v63  }
0x3f: {  	_ =	swait.ge [sflag:s12], $0x180  }
0x40: {  	[sflag:s12] =	ssyncset.done $0x0  }
0x41: {  	[sflag:s12] =	ssyncadd.s32 $0xFFFFFE80  }
0x42: {  	[tilespmem:s11], [sflag:$0x1] =	stream.indirect.gather [hbm4b:s4+s15], $0x80, s13, s15, $0xb8;
	[tilespmem:$0x1E300] =	vst v63  }
0x43: {  	_ =	swait.ge [sflag:s16], $0xA000  }
.Ltmp1:
0x44: {  	[sflag:s16] =	ssyncset.done $0x0;
	(pc) =	sbr.rel @p0 .LBB2_4-.Ltmp1, $4  }
0x45: {  	[sflag:s16] =	ssyncadd.s32 $0xFFFF6000  }
0x46: {  	[spmem:s1] =	stream.indirect.scatter.add.f32 [tilespmem:s11], [sflag:$0x2], $0x80, s14, s15, $0xb8;
	[tilespmem:$0x1E300] =	vst v63  }
0x47: {  	_ =	swait.ge [sflag:s12], $0xA000  }
0x48: {  	s21 =	smov.u32 s24;
	[sflag:s12] =	ssyncset.done $0x0  }
0x49: {  	s21 =	sadd.s32 s20, s9;
	[sflag:s12] =	ssyncadd.s32 $0xFFFF6000  }
0x4a: {  	[tilespmem:s13], [sflag:$0x2] =	stream.linear.gather [hbm4b:s21+s3], $0x180, $0x38;
	[tilespmem:$0x1E300] =	vst v63  }
0x4b: {  	_ =	swait.ge [sflag:s12], $0x180  }
0x4c: {  	[sflag:s12] =	ssyncset.done $0x0  }
0x4d: {  	s31 =	sadd.s32 s20, s10;
	[sflag:s12] =	ssyncadd.s32 $0xFFFFFE80  }
0x4e: {  	[tilespmem:s14], [sflag:$0x2] =	stream.linear.gather [hbm4b:s31+s3], $0x180, $0x38;
	[tilespmem:$0x1E300] =	vst v63  }
0x4f: {  	_ =	swait.ge [sflag:s12], $0x180  }
0x50: {  	[sflag:s12] =	ssyncset.done $0x0  }
0x51: {  	[sflag:s12] =	ssyncadd.s32 $0xFFFFFE80  }
0x52: {  	[tilespmem:s11], [sflag:$0x1] =	stream.indirect.gather [hbm4b:s4+s15], $0x80, s13, s15, $0xb8;
	[tilespmem:$0x1E300] =	vst v63  }
0x53: {  	_ =	swait.ge [sflag:s16], $0xA000  }
0x54: {  	[sflag:s16] =	ssyncset.done $0x0  }
0x55: {  	[sflag:s16] =	ssyncadd.s32 $0xFFFF6000  }
0x56: {  	[spmem:s1] =	stream.indirect.scatter.add.f32 [tilespmem:s11], [sflag:$0x2], $0x80, s14, s15, $0xb8;
	[tilespmem:$0x1E300] =	vst v63  }
0x57: {  	_ =	swait.ge [sflag:s12], $0xA000  }
0x58: {  	s19 =	sadd.s32 $0x1, s19;
	[sflag:s12] =	ssyncset.done $0x0  }
0x59: {  	p0 =	sne.s32 s19, s8;
	[sflag:s12] =	ssyncadd.s32 $0xFFFF6000  }
.Ltmp2:
0x5a: {  	[bflag:$0x0] =	sbarrier.arrive $0xFFFF;
	(pc) =	sbr.rel @p0 .LBB2_1-.Ltmp2, $4  }
0x5b: {  	[hbm:s7], [sflag:s17] =	dma.local [spmem:s18], $0x2800  }
0x5c: {  	_ =	swait.ge [sflag:s12], $0x2800  }
0x5d: {  	[sflag:s12] =	ssyncset.done $0x0  }
0x5e: {  	[sflag:s12] =	ssyncadd.s32 $0xFFFFD800  }
0x5f: {  	_ =	sfence.sel $0x180000  }
0x60: {  	[bflag:$0x0] =	sbarrier.arrive $0xFFFF  }
0x61: {  	p0 =	sne.s32 s2, $0x0;
	_ =	strace $0x90000050  }
0x62: {  	s0 =	sadd.s32 @!p0 $0x100000, s0;
	[bflag:$0x2] =	sbarrier.arrive $0xFFFF  }
0x63: {  	[sflag:s0] =	ssyncadd.tile.s32 @!p0 $0x1;
	_ =	shalt  }
.Lfunc_end2:
_tile_overlayer_lowered:
.L_overlay_start_2:
0x64: {  	(tag) =	ssettag $0x2  }
0x65: {  	s0 =	rddreg [dreg:$0x0];
	s2 =	stileid.u32  }
0x66: {  	s1 =	rddreg [dreg:$0x1];
	p0 =	sne.s32 s2, $0x0  }
0x67: {  	s3 =	rddreg [dreg:$0x2];
	[bflag:$0x3] =	sbarrier.arrive $0xFFFF;
	s2 =	simm.s32 @!p0 $0x1C02  }
0x68: {  	[timem:s3], [sflag:s2] =	dma.local @!p0 [hbm:s0], s1  }
0x69: {  	s0 =	simm.s32 @!p0 $0x2  }
0x6a: {  	_ =	swait.ge @!p0 [sflag:s0], s1  }
0x6b: {  	s1 =	ssub.s32 @!p0 $0x0, s1;
	[sflag:s0] =	ssyncset.done @!p0 $0x0  }
0x6c: {  	[sflag:s0] =	ssyncadd.s32 @!p0 s1  }
0x6d: {  	[bflag:$0x3] =	sbarrier.arrive $0xFFFF  }
0x6e: {  	_ =	shalt  }

// kernel: kernel.23.cloned.1.call-start
scs
__scs_entry_jumppad:
0x0: {  	(pc) =	sbr.rel $0x88, $3  }
0x1: {  	(tag) =	ssettag $0x0;
	lr =	simm.s32 $0x1  }
0x2: {  	[smem:$0x3F95] =	sst lr;
	_ =	strace $0xD0000000  }
0x3: {  	_ = 	snop  }
0x4: {  	_ = 	snop  }
0x5: {  	_ = 	snop  }
0x6: {  	_ = 	snop  }
0x7: {  	_ = 	snop  }
__scs_overlays_trampoline_lowered:
0x8: {  	[smem:$0x3FA4] =	sst s0  }
0x9: {  	[smem:$0x3FA5] =	sst s1  }
0xa: {  	[smem:$0x3FA6] =	sst s2  }
0xb: {  	[smem:$0x3FA7] =	sst s3  }
0xc: {  	[smem:$0x3FA8] =	sst s4  }
0xd: {  	[smem:$0x3FA9] =	sst s5  }
0xe: {  	[smem:$0x3FAA] =	sst s6  }
0xf: {  	[smem:$0x3FAB] =	sst s7  }
0x10: {  	[smem:$0x3FAC] =	sst s8  }
0x11: {  	[smem:$0x3FAD] =	sst s9;
	s0 =	simm.s32 @!p0 $0x0  }
0x12: {  	s1 =	sld [smem:$0x3F93];
	s0 =	simm.s32 @p0 $0x1  }
0x13: {  	[smem:$0x3FAE] =	sst s0;
	s0 =	simm.s32 @!p1 $0x0  }
0x14: {  	s2 =	sld [smem:$0x3F92];
	s0 =	simm.s32 @p1 $0x1  }
0x15: {  	[smem:$0x3FAF] =	sst s0;
	s0 =	simm.s32 @!p2 $0x0  }
0x16: {  	s3 =	sld [smem:$0x3FDB];
	s0 =	simm.s32 @p2 $0x1  }
0x17: {  	s4 =	simm.s32 $0x1BF5;
	[smem:$0x3FB1] =	sst s0  }
0x18: {  	s0 =	sld [smem:$0x3F94];
	_ =	swait.ge [sflag:s4], $0x0  }
0x19: {  	s7 =	sld [smem:$0x3F95]  }
0x1a: {  	s8 =	sadd.s32 $0xFFFFE003, lr  }
0x1b: {  	s9 =	sadd.s32 $0xFFFFFEF7, lr;
	s5 =	simm.s32 $0xFFFFFFFF;
	p2 =	slt.u32 s8, $0xFFFFF086  }
0x1c: {  	p1 =	slt.u32 s9, $0xF7A;
	s5 =	simm.s32 @!p2 $0x0  }
0x1d: {  	s5 =	simm.s32 @p1 $0x1;
	p0 =	seq.s32 s7, s2  }
0x1e: {  	s7 =	smul.u32 @!p0 $0xF7A, s2;
	p2 =	seq.s32 @!p0 s5, $0x0  }
0x1f: {  	s9 =	smul.u32 $0xF7A, s1;
	s8 =	simm.s32 @!p0 $0x1BF5;
	p2 =	por !p2, p0  }
0x20: {  	[sflag:s8] =	ssyncset.s32 @!p0 $0xFFFFF086;
	s6 =	sadd.s32 @!p0 s3, s7;
	s7 =	simm.s32 @!p0 $0x108  }
0x21: {  	s3 =	sadd.s32 s3, s9;
	s6 =	sadd.s32 @!p0 $0x88, s6;
	s7 =	simm.s32 @p2 $0x1082  }
0x22: {  	[simem:s7], [sflag:s8] =	dma.local @!p0 [hbm:s6], $0xF7A  }
0x23: {  	s9 =	sor.u32 $0xD0000000, s2;
	s6 =	simm.s32 $0x108;
	_ =	swait.ge @!p0 [sflag:s8], $0x0  }
0x24: {  	s3 =	sadd.s32 $0x88, s3;
	s6 =	simm.s32 @!p1 $0x1082;
	[sflag:s4] =	ssyncset.s32 $0xFFFFF086  }
0x25: {  	[simem:s6], [sflag:s4] =	dma.local [hbm:s3], $0xF7A  }
0x26: {  	[smem:$0x3F95] =	sst s1;
	(tag) =	ssettag s2;
	_ =	strace s9  }
0x27: {  	s1 =	sld [smem:$0x3FA5]  }
0x28: {  	s2 =	sld [smem:$0x3FA6]  }
0x29: {  	s4 =	sld [smem:$0x3FA8]  }
0x2a: {  	p0 =	seq.s32 s5, $0x0;
	s5 =	sld [smem:$0x3FA9]  }
0x2b: {  	s6 =	sld [smem:$0x3FAA]  }
0x2c: {  	s7 =	sld [smem:$0x3FAB]  }
0x2d: {  	s3 =	simm.s32 $0x108;
	s8 =	sld [smem:$0x3FAC]  }
0x2e: {  	s3 =	simm.s32 @!p0 $0x1082;
	s9 =	sld [smem:$0x3FAD]  }
0x2f: {  	lr =	sadd.s32 s0, s3;
	s0 =	sld [smem:$0x3FA4]  }
0x30: {  	s3 =	sld [smem:$0x3FA7]  }
0x31: {  	[smem:$0x3FB0] =	sst s10  }
0x32: {  	s10 =	sld [smem:$0x3FAE];
	_ =	sdelay $0x3  }
0x33: {  	p0 =	seq.s32 s10, $0x1;
	s10 =	sld [smem:$0x3FB0];
	_ =	sdelay $0x3  }
0x34: {  	[smem:$0x3FB0] =	sst s10  }
0x35: {  	s10 =	sld [smem:$0x3FAF];
	_ =	sdelay $0x3  }
0x36: {  	p1 =	seq.s32 s10, $0x1;
	s10 =	sld [smem:$0x3FB0];
	_ =	sdelay $0x3  }
0x37: {  	[smem:$0x3FB0] =	sst s10  }
0x38: {  	s10 =	sld [smem:$0x3FB1]  }
0x39: {  	_ = 	snop;
	(pc) =	sbr.ind lr, $3  }
0x3a: {  	_ = 	snop  }
0x3b: {  	_ = 	snop  }
0x3c: {  	p2 =	seq.s32 s10, $0x1;
	s10 =	sld [smem:$0x3FB0]  }
0x3d: {  	_ =	shalt  }
0x3e: {  	_ =	shalt  }
0x3f: {  	_ =	shalt  }
0x40: {  	_ =	shalt  }
0x41: {  	_ =	shalt  }
0x42: {  	_ =	shalt  }
0x43: {  	_ =	shalt  }
0x44: {  	_ =	shalt  }
0x45: {  	_ =	shalt  }
0x46: {  	_ =	shalt  }
0x47: {  	_ =	shalt  }
0x48: {  	_ =	shalt  }
0x49: {  	_ =	shalt  }
0x4a: {  	_ =	shalt  }
0x4b: {  	_ =	shalt  }
0x4c: {  	_ =	shalt  }
0x4d: {  	_ =	shalt  }
0x4e: {  	_ =	shalt  }
0x4f: {  	_ =	shalt  }
0x50: {  	_ =	shalt  }
0x51: {  	_ =	shalt  }
0x52: {  	_ =	shalt  }
0x53: {  	_ =	shalt  }
0x54: {  	_ =	shalt  }
0x55: {  	_ =	shalt  }
0x56: {  	_ =	shalt  }
0x57: {  	_ =	shalt  }
0x58: {  	_ =	shalt  }
0x59: {  	_ =	shalt  }
0x5a: {  	_ =	shalt  }
0x5b: {  	_ =	shalt  }
0x5c: {  	_ =	shalt  }
0x5d: {  	_ =	shalt  }
0x5e: {  	_ =	shalt  }
0x5f: {  	_ =	shalt  }
0x60: {  	_ =	shalt  }
0x61: {  	_ =	shalt  }
0x62: {  	_ =	shalt  }
0x63: {  	_ =	shalt  }
0x64: {  	_ =	shalt  }
0x65: {  	_ =	shalt  }
0x66: {  	_ =	shalt  }
0x67: {  	_ =	shalt  }
0x68: {  	_ =	shalt  }
0x69: {  	_ =	shalt  }
0x6a: {  	_ =	shalt  }
0x6b: {  	_ =	shalt  }
0x6c: {  	_ =	shalt  }
0x6d: {  	_ =	shalt  }
0x6e: {  	_ =	shalt  }
0x6f: {  	_ =	shalt  }
0x70: {  	_ =	shalt  }
0x71: {  	_ =	shalt  }
0x72: {  	_ =	shalt  }
0x73: {  	_ =	shalt  }
0x74: {  	_ =	shalt  }
0x75: {  	_ =	shalt  }
0x76: {  	_ =	shalt  }
0x77: {  	_ =	shalt  }
0x78: {  	_ =	shalt  }
0x79: {  	_ =	shalt  }
0x7a: {  	_ =	shalt  }
0x7b: {  	_ =	shalt  }
0x7c: {  	_ =	shalt  }
0x7d: {  	_ =	shalt  }
0x7e: {  	_ =	shalt  }
0x7f: {  	_ =	shalt  }
0x80: {  	_ =	shalt  }
0x81: {  	_ =	shalt  }
0x82: {  	_ =	shalt  }
0x83: {  	_ =	shalt  }
0x84: {  	_ =	shalt  }
0x85: {  	_ =	shalt  }
0x86: {  	_ =	shalt  }
0x87: {  	_ =	shalt  }
.Lfunc_end0:
.L_simem_size_0:
called_computation.4_lowered:
.L_overlay_start_0:
0x88: {  	s2 =	sld [smem:$0x3FD9]  }
0x89: {  	s3 =	sld [smem:$0x3FFE];
	_ =	sdelay $0x1  }
0x8a: {  	s1 =	srdreg.scid  }
0x8b: {  	s0 =	sand.u32 $0x1, s1  }
0x8c: {  	s17 =	sshll.u32 s0, $0xA;
	s2 =	sadd.s32 s3, s2  }
0x8d: {  	s2 =	sadd.s32 s2, s17  }
0x8e: {  	[smem:$0x3FBC] =	sst s2  }
0x8f: {  	_ = 	snop  }
0x90: {  	s2 =	sld [smem:$0x3FD0];
	(tm) =	ssettm $0x1  }
0x91: {  	s18 =	sld [smem:$0x3FFB];
	_ =	sdelay $0x3  }
0x92: {  	_ =	strace s18  }
0x93: {  	s3 =	sld [smem:$0x3FFC];
	_ =	sdelay $0x3  }
0x94: {  	_ =	strace s3  }
0x95: {  	s3 =	sld [smem:$0x3FFD];
	_ =	sdelay $0x3  }
0x96: {  	_ =	strace s3  }
0x97: {  	_ =	strace $0x8FFFFFFF  }
0x98: {  	s19 =	sld [smem:$0x3FDB];
	_ =	sdelay $0x1  }
0x99: {  	s4 =	simm.s32 $_scs_section_size  }
0x9a: {  	s5 =	simm.s32 $_size__tile_overlayer_lowered;
	s6 =	simm.s32 $_tile_overlayer_lowered  }
0x9b: {  	s22 =	simm.s32 $0x1BFF;
	s21 =	sshll.u32 s6, $0x1;
	s3 =	sadd.s32 s4, s19  }
0x9c: {  	s7 =	simm.s32 $0x0;
	s20 =	sshll.u32 s5, $0x1;
	s5 =	sadd.s32 s21, s3  }
0x9d: {  	[timem:s7], [sflag:s22] =	dma.local [hbm:s5], s20  }
0x9e: {  	_ =	swait.ge [sflag:s22], s20  }
0x9f: {  	s4 =	ssub.s32 $0x0, s20;
	[sflag:s22] =	ssyncset.done $0x0  }
0xa0: {  	[sflag:s22] =	ssyncadd.s32 s4;
	_ =	sdelay $0x1  }
0xa1: {  	s23 =	simm.s32 $0x1B8B  }
0xa2: {  	_ =	swait.ge [sflag:s23], $0x1  }
0xa3: {  	[sflag:s23] =	ssyncset.done $0x0  }
0xa4: {  	s25 =	simm.s32 $0x1B8E;
	s24 =	sld [smem:$0x3FFE];
	[sflag:s23] =	ssyncadd.s32 $0xFFFFFFFF  }
0xa5: {  	s26 =	simm.s32 $execute0_lowered;
	[smem:$0x3FD2] =	sst s25  }
0xa6: {  	s5 =	sshll.u32 s26, $0x1;
	_ =	strace $0x80000052;
	[dreg:$0x1] =	wrdreg $0xFFFFFFFF  }
0xa7: {  	s28 =	simm.s32 $_size_execute0_lowered;
	s3 =	sadd.s32 s3, s5;
	[dreg:$0x0] =	wrdreg $0x0  }
0xa8: {  	s5 =	sshll.u32 s28, $0x1;
	[dreg:$0x2] =	wrdreg s3  }
0xa9: {  	[dreg:$0x3] =	wrdreg s5  }
0xaa: {  	[dreg:$0x4] =	wrdreg $0xC0  }
0xab: {  	_ =	task [dreg:s7], $0x5FFFF  }
0xac: {  	[dreg:$0x1] =	wrdreg $0xFFFFFFFF  }
0xad: {  	[dreg:$0x0] =	wrdreg $0x60  }
0xae: {  	[dreg:$0x2] =	wrdreg s2  }
0xaf: {  	[dreg:$0x3] =	wrdreg s24  }
0xb0: {  	[dreg:$0x4] =	wrdreg $0x0  }
0xb1: {  	[dreg:$0x5] =	wrdreg $0x9  }
0xb2: {  	_ =	task.clear_ibuf [dreg:s7], $0x6FFFF;
	_ =	strace $0x90000052  }
0xb3: {  	s29 =	simm.s32 $0x9;
	_ =	strace $0x80000054  }
0xb4: {  	_ =	swait.ge [sflag:s29], $0x1  }
0xb5: {  	[sflag:s29] =	ssyncadd.s32 $0xFFFFFFFF  }
0xb6: {  	_ =	strace $0x90000054  }
0xb7: {  	_ =	sfence  }
0xb8: {  	s30 =	sld [smem:$0x0];
	_ =	sdelay $0x2  }
0xb9: {  	s31 =	sshll.u32 s1, $0xD;
	s1 =	sshrl.u32 s1, $0x2  }
0xba: {  	s3 =	sand.u32 $0x4000, s31;
	s1 =	sadd.s32 s1, s30  }
0xbb: {  	s0 =	sor.u32 s3, s0;
	s1 =	sshll.u32 s1, $0x11  }
0xbc: {  	s0 =	sor.u32 s1, s0  }
0xbd: {  	s0 =	sadd.s32 $0x8F2B, s0  }
0xbe: {  	[sflag:s0] =	ssyncadd.remote.s32 $0x1  }
0xbf: {  	_ =	sfence.sel $0xFFFF  }
0xc0: {  	[dreg:$0x0] =	wrdreg $0xFFFFFFFF;
	(pc) =	sbr.abs _section_cstart, $3  }
0xc1: {  	[dreg:$0x1] =	wrdreg $0xFFFFFFFF  }
0xc2: {  	_ =	task.clear_ibuf [dreg:s7], $0x2FFFF;
	_ =	strace $0x9FFFFFFF  }
0xc3: {  	(tm) =	ssettm $0x7FFFFFFF  }
tec
execute0_lowered:
.L_overlay_start_1:
0x0: {  	(tag) =	ssettag $0x1  }
0x1: {  	s0 =	rddreg [dreg:$0x0]  }
0x2: {  	s6 =	rddreg [dreg:$0x1]  }
0x3: {  	s1 =	srdreg.scid;
	s3 =	rddreg [dreg:$0x2]  }
0x4: {  	s2 =	stileid.u32;
	s4 =	simm.s32 $0x0;
	s12 =	simm.s32 $0x2  }
0x5: {  	s13 =	simm.s32 $0x14000;
	s14 =	simm.s32 $0x14180;
	s9 =	smul.u32 $0x14000, s2  }
0x6: {  	s15 =	simm.s32 $0x140;
	s16 =	simm.s32 $0x1;
	s10 =	smul.u32 $0x50000, s2  }
0x7: {  	s5 =	sand.u32 $0x1, s1;
	s1 =	rddreg [dreg:$0x3];
	s31 =	smul.u32 $0x600, s2  }
0x8: {  	s19 =	simm.s32 $0x0;
	[smem:$0x7FF] =	sst s4;
	s7 =	smul.u32 $0x6000, s5  }
0x9: {  	s17 =	sshll.u32 s2, $0x6;
	s8 =	smul.u32 $0x140000, s5;
	_ =	strace $0x80000053  }
0xa: {  	s28 =	ssub.s32 $0x2, s5;
	s17 =	sor.u32 $0x1C02, s17;
	s29 =	sshrl.u32 s10, $0x2  }
0xb: {  	s30 =	sshrl.u32 s28, $0x1;
	s11 =	sadd.s32 s7, s6;
	s26 =	sadd.s32 s9, s8  }
0xc: {  	s5 =	sadd.s32 s29, s3;
	s8 =	ssub.s32 s28, s30;
	s7 =	sshrl.u32 s26, $0x3  }
0xd: {  	s8 =	smax.u32 s8, $0x1;
	s10 =	sadd.s32 s31, s11;
	s11 =	simm.s32 $0x14300  }
0xe: {  	s18 =	sshrl.u32 s5, $0x3;
	s7 =	sadd.s32 s7, s6;
	s6 =	sadd.s32 $0xA000, s5  }
0xf: {  	v0 =	vimm.f32 $0.0e+00;
	s9 =	sadd.s32 $0x60C00, s10;
	s10 =	sadd.s32 $0x4C00, s10;
	s7 =	sadd.s32 $0x6CC00, s7  }
.LBB2_1:
0x10: {  	s20 =	simm.s32 $0x0;
	s21 =	simm.s32 $0x200  }
.LBB2_2:
0x11: {  	p0 =	sne.s32 s21, $0x27E00;
	[tilespmem:s20+$0x14370] =	vst v0  }
0x12: {  	[tilespmem:s20+$0x14300] =	vst v0  }
0x13: {  	[tilespmem:s20+$0x14310] =	vst v0  }
.Ltmp0:
0x14: {  	[tilespmem:s20+$0x14320] =	vst v0;
	(pc) =	sbr.rel @p0 .LBB2_2-.Ltmp0, $4  }
0x15: {  	[tilespmem:s20+$0x14330] =	vst v0  }
0x16: {  	[tilespmem:s20+$0x14340] =	vst v0  }
0x17: {  	[tilespmem:s20+$0x14350] =	vst v0  }
0x18: {  	[tilespmem:s20+$0x14360] =	vst v0;
	s20 =	sshra.s32 s21, $0x2;
	s21 =	sadd.s32 $0x200, s21  }
0x19: {  	[tilespmem:s20+$0x14370] =	vst v0  }
0x1a: {  	[tilespmem:s20+$0x14300] =	vst v0  }
0x1b: {  	[tilespmem:s20+$0x14310] =	vst v0  }
0x1c: {  	[tilespmem:s20+$0x14320] =	vst v0  }
0x1d: {  	[tilespmem:s20+$0x14330] =	vst v0  }
0x1e: {  	[tilespmem:s20+$0x14340] =	vst v0  }
0x1f: {  	[tilespmem:s20+$0x14350] =	vst v0  }
0x20: {  	[tilespmem:s20+$0x14360] =	vst v0  }
0x21: {  	[spmem:s5] =	stream.linear.scatter [tilespmem:s11], [sflag:$0x2], $0xA000, $0x38;
	[tilespmem:$0x1E300] =	vst v63  }
0x22: {  	_ =	swait.ge [sflag:s12], $0xA000  }
0x23: {  	[sflag:s12] =	ssyncset.done $0x0  }
0x24: {  	[sflag:s12] =	ssyncadd.s32 $0xFFFF6000  }
0x25: {  	[spmem:s6] =	stream.linear.scatter [tilespmem:s11], [sflag:$0x2], $0xA000, $0x38;
	[tilespmem:$0x1E300] =	vst v63  }
0x26: {  	_ =	swait.ge [sflag:s12], $0xA000  }
0x27: {  	[sflag:s12] =	ssyncset.done $0x0  }
0x28: {  	[sflag:s12] =	ssyncadd.s32 $0xFFFF6000  }
0x29: {  	s30 =	sadd.s32 $0x0, s9;
	[bflag:$0x0] =	sbarrier.arrive $0xFFFF  }
0x2a: {  	[tilespmem:s13], [sflag:$0x2] =	stream.linear.gather [hbm4b:s30+s4], $0x180, $0x38;
	[tilespmem:$0x1E300] =	vst v63  }
0x2b: {  	_ =	swait.ge [sflag:s12], $0x180  }
0x2c: {  	[sflag:s12] =	ssyncset.done $0x0  }
0x2d: {  	s31 =	sadd.s32 $0x0, s10;
	[sflag:s12] =	ssyncadd.s32 $0xFFFFFE80  }
0x2e: {  	[tilespmem:s14], [sflag:$0x2] =	stream.linear.gather [hbm4b:s31+s4], $0x180, $0x38;
	[tilespmem:$0x1E300] =	vst v63  }
0x2f: {  	_ =	swait.ge [sflag:s12], $0x180  }
0x30: {  	[sflag:s12] =	ssyncset.done $0x0  }
0x31: {  	[sflag:s12] =	ssyncadd.s32 $0xFFFFFE80  }
0x32: {  	[tilespmem:s11], [sflag:$0x1] =	stream.indirect.gather [hbm4b:s0+s15], $0x80, s13, s15, $0xb8;
	[tilespmem:$0x1E300] =	vst v63  }
0x33: {  	_ =	swait.ge [sflag:s16], $0xA000  }
0x34: {  	[sflag:s16] =	ssyncset.done $0x0  }
0x35: {  	[sflag:s16] =	ssyncadd.s32 $0xFFFF6000  }
0x36: {  	[spmem:s3] =	stream.indirect.scatter.add.f32 [tilespmem:s11], [sflag:$0x2], $0x80, s14, s15, $0xb8;
	[tilespmem:$0x1E300] =	vst v63  }
0x37: {  	_ =	swait.ge [sflag:s12], $0xA000  }
0x38: {  	s20 =	simm.s32 $0x30;
	s21 =	simm.s32 $0x60;
	[sflag:s12] =	ssyncset.done $0x0  }
.LBB2_4:
0x39: {  	s22 =	sadd.s32 s20, s9  }
0x3a: {  	[sflag:s12] =	ssyncadd.s32 $0xFFFF6000;
	s23 =	smov.u32 s21;
	s24 =	sadd.s32 $0x30, s21  }
0x3b: {  	[tilespmem:s13], [sflag:$0x2] =	stream.linear.gather [hbm4b:s22+s4], $0x180, $0x38;
	[tilespmem:$0x1E300] =	vst v63  }
0x3c: {  	p0 =	sne.s32 s21, $0x5D0;
	_ =	swait.ge [sflag:s12], $0x180  }
0x3d: {  	[sflag:s12] =	ssyncset.done $0x0  }
0x3e: {  	s21 =	sadd.s32 s20, s10;
	s20 =	smov.u32 s23;
	[sflag:s12] =	ssyncadd.s32 $0xFFFFFE80  }
0x3f: {  	[tilespmem:s14], [sflag:$0x2] =	stream.linear.gather [hbm4b:s21+s4], $0x180, $0x38;
	[tilespmem:$0x1E300] =	vst v63  }
0x40: {  	_ =	swait.ge [sflag:s12], $0x180  }
0x41: {  	[sflag:s12] =	ssyncset.done $0x0  }
0x42: {  	[sflag:s12] =	ssyncadd.s32 $0xFFFFFE80  }
0x43: {  	[tilespmem:s11], [sflag:$0x1] =	stream.indirect.gather [hbm4b:s0+s15], $0x80, s13, s15, $0xb8;
	[tilespmem:$0x1E300] =	vst v63  }
0x44: {  	_ =	swait.ge [sflag:s16], $0xA000  }
.Ltmp1:
0x45: {  	[sflag:s16] =	ssyncset.done $0x0;
	(pc) =	sbr.rel @p0 .LBB2_4-.Ltmp1, $4  }
0x46: {  	[sflag:s16] =	ssyncadd.s32 $0xFFFF6000  }
0x47: {  	[spmem:s3] =	stream.indirect.scatter.add.f32 [tilespmem:s11], [sflag:$0x2], $0x80, s14, s15, $0xb8;
	[tilespmem:$0x1E300] =	vst v63  }
0x48: {  	_ =	swait.ge [sflag:s12], $0xA000  }
0x49: {  	s21 =	smov.u32 s24;
	[sflag:s12] =	ssyncset.done $0x0  }
0x4a: {  	s21 =	sadd.s32 s20, s9;
	[sflag:s12] =	ssyncadd.s32 $0xFFFF6000  }
0x4b: {  	[tilespmem:s13], [sflag:$0x2] =	stream.linear.gather [hbm4b:s21+s4], $0x180, $0x38;
	[tilespmem:$0x1E300] =	vst v63  }
0x4c: {  	_ =	swait.ge [sflag:s12], $0x180  }
0x4d: {  	[sflag:s12] =	ssyncset.done $0x0  }
0x4e: {  	s31 =	sadd.s32 s20, s10;
	[sflag:s12] =	ssyncadd.s32 $0xFFFFFE80  }
0x4f: {  	[tilespmem:s14], [sflag:$0x2] =	stream.linear.gather [hbm4b:s31+s4], $0x180, $0x38;
	[tilespmem:$0x1E300] =	vst v63  }
0x50: {  	_ =	swait.ge [sflag:s12], $0x180  }
0x51: {  	[sflag:s12] =	ssyncset.done $0x0  }
0x52: {  	[sflag:s12] =	ssyncadd.s32 $0xFFFFFE80  }
0x53: {  	[tilespmem:s11], [sflag:$0x1] =	stream.indirect.gather [hbm4b:s0+s15], $0x80, s13, s15, $0xb8;
	[tilespmem:$0x1E300] =	vst v63  }
0x54: {  	_ =	swait.ge [sflag:s16], $0xA000  }
0x55: {  	[sflag:s16] =	ssyncset.done $0x0  }
0x56: {  	[sflag:s16] =	ssyncadd.s32 $0xFFFF6000  }
0x57: {  	[spmem:s3] =	stream.indirect.scatter.add.f32 [tilespmem:s11], [sflag:$0x2], $0x80, s14, s15, $0xb8;
	[tilespmem:$0x1E300] =	vst v63  }
0x58: {  	_ =	swait.ge [sflag:s12], $0xA000  }
0x59: {  	s19 =	sadd.s32 $0x1, s19;
	[sflag:s12] =	ssyncset.done $0x0  }
0x5a: {  	p0 =	sne.s32 s19, s8;
	[sflag:s12] =	ssyncadd.s32 $0xFFFF6000  }
.Ltmp2:
0x5b: {  	[bflag:$0x0] =	sbarrier.arrive $0xFFFF;
	(pc) =	sbr.rel @p0 .LBB2_1-.Ltmp2, $4  }
0x5c: {  	[hbm:s7], [sflag:s17] =	dma.local [spmem:s18], $0x2800  }
0x5d: {  	_ =	swait.ge [sflag:s12], $0x2800  }
0x5e: {  	[sflag:s12] =	ssyncset.done $0x0  }
0x5f: {  	[sflag:s12] =	ssyncadd.s32 $0xFFFFD800  }
0x60: {  	_ =	sfence.sel $0x180000  }
0x61: {  	[bflag:$0x0] =	sbarrier.arrive $0xFFFF  }
0x62: {  	p0 =	sne.s32 s2, $0x0;
	_ =	strace $0x90000053  }
0x63: {  	s0 =	sadd.s32 @!p0 $0x100000, s1;
	[bflag:$0x2] =	sbarrier.arrive $0xFFFF  }
0x64: {  	[sflag:s0] =	ssyncadd.tile.s32 @!p0 $0x1;
	_ =	shalt  }
.Lfunc_end2:
_tile_overlayer_lowered:
.L_overlay_start_2:
0x65: {  	(tag) =	ssettag $0x2  }
0x66: {  	s0 =	rddreg [dreg:$0x0];
	s2 =	stileid.u32  }
0x67: {  	s1 =	rddreg [dreg:$0x1];
	p0 =	sne.s32 s2, $0x0  }
0x68: {  	s3 =	rddreg [dreg:$0x2];
	[bflag:$0x3] =	sbarrier.arrive $0xFFFF;
	s2 =	simm.s32 @!p0 $0x1C02  }
0x69: {  	[timem:s3], [sflag:s2] =	dma.local @!p0 [hbm:s0], s1  }
0x6a: {  	s0 =	simm.s32 @!p0 $0x2  }
0x6b: {  	_ =	swait.ge @!p0 [sflag:s0], s1  }
0x6c: {  	s1 =	ssub.s32 @!p0 $0x0, s1;
	[sflag:s0] =	ssyncset.done @!p0 $0x0  }
0x6d: {  	[sflag:s0] =	ssyncadd.s32 @!p0 s1  }
0x6e: {  	[bflag:$0x3] =	sbarrier.arrive $0xFFFF  }
0x6f: {  	_ =	shalt  }

</sc_bundles>
